<compile_context>
chip_gen: v7x
topology: tpu7x:2x2x1
jax: 0.10.2.dev20260603
libtpu: 0.0.44.dev20260713+nightly
codegen_flags: <defaults>
</compile_context>

<pallas_src>
import functools

import jax
import jax.numpy as jnp
from jax import lax
from jax.experimental import pallas as pl
from jax.experimental.pallas import tpu as pltpu
from jax.experimental.pallas import tpu_sc as plsc

VOCAB = 100000
D_MODEL = 1024
BATCH = 4
SEQ = 4096

_B = BATCH * SEQ

_NC = 2
_NS = 16
_NW = _NC * _NS

_B_PER_W = _B // _NW
_CHUNK = 16
_NBUF = 6
_N_CHUNKS = _B_PER_W // _CHUNK


@functools.partial(
    pl.kernel,
    mesh=plsc.VectorSubcoreMesh(core_axis_name="c", subcore_axis_name="s"),
    out_type=jax.ShapeDtypeStruct((_B, D_MODEL), jnp.float32),
    scratch_types=[
        pltpu.VMEM((_B_PER_W,), jnp.int32),
        pltpu.VMEM((_NBUF, _CHUNK, D_MODEL), jnp.float32),
    ] + [pltpu.SemaphoreType.DMA] * (2 * _NBUF),
)
def _gather_kernel(ids_hbm, table_hbm, out_hbm, idx_v, rows_v, *sems):
    in_sems = sems[:_NBUF]
    out_sems = sems[_NBUF:]
    wid = lax.axis_index("s") * _NC + lax.axis_index("c")
    base = wid * _B_PER_W

    pltpu.sync_copy(ids_hbm.at[pl.ds(base, _B_PER_W)], idx_v)

    def start_gather(j):
        b = j % _NBUF
        return pltpu.async_copy(
            table_hbm.at[idx_v.at[pl.ds(j * _CHUNK, _CHUNK)]],
            rows_v.at[b], in_sems[b])

    def start_put(j):
        b = j % _NBUF
        return pltpu.async_copy(
            rows_v.at[b], out_hbm.at[pl.ds(base + j * _CHUNK, _CHUNK)],
            out_sems[b])

    puts = [None] * _N_CHUNKS
    gathers = [None] * _N_CHUNKS
    for g in range(min(_NBUF - 1, _N_CHUNKS)):
        gathers[g] = start_gather(g)
    for j in range(_N_CHUNKS):
        g = j + _NBUF - 1
        if g < _N_CHUNKS:
            if j >= 1:
                puts[j - 1].wait()
            gathers[g] = start_gather(g)
        gathers[j].wait()
        puts[j] = start_put(j)
    for j in range(max(0, _N_CHUNKS - _NBUF), _N_CHUNKS):
        puts[j].wait()


def kernel(input_ids, embed_weight):
    ids_flat = input_ids.reshape(_B).astype(jnp.int32)
    out = _gather_kernel(ids_flat, embed_weight)
    return out.reshape(BATCH, SEQ, D_MODEL)

# --- scband reference (transcript-rebuilt; emitter-appended) ---
"""Pipeline reference for scband-embedding-stage-4844723110286 (READ-ONLY COPY).

The authoritative reference and input builder live on the scoring server;
editing this copy changes nothing except your own understanding.
"""

import jax, jax.numpy as jnp
import numpy as np

VOCAB = 100000
D_MODEL = 1024
BATCH = 4
SEQ = 4096

def setup_inputs(seed: int = 0) -> dict:
    key = jax.random.key(seed)
    k_idx, k_w = jax.random.split(key)
    input_ids = jax.random.randint(k_idx, (BATCH, SEQ), 0, VOCAB, dtype=jnp.int64 if jax.config.jax_enable_x64 else jnp.int32)
    embed_weight = jax.random.normal(k_w, (VOCAB, D_MODEL), dtype=jnp.float32) * 0.02
    return {"input_ids": input_ids, "embed_weight": embed_weight}

def reference(input_ids, embed_weight):
    # Faithful translation of nn.Embedding forward: table row gather by token id.
    return jnp.take(embed_weight, input_ids, axis=0)

if __name__ == "__main__":
    import jax
    _d = setup_inputs()
    print(jax.jit(kernel)(*tuple(_d.values())))

</pallas_src>

<mosaic_0001>
#map = affine_map<(d0, d1) -> (0)>
#map1 = affine_map<(d0, d1) -> (0, 0)>
module attributes {stable_mosaic.version = 14 : i64} {
  func.func @_gather_kernel(%arg0: i32, %arg1: i32, %arg2: memref<16384xi32, #tpu.memory_space<hbm>>, %arg3: memref<100000x1024xf32, #tpu.memory_space<hbm>>, %arg4: memref<16384x1024xf32, #tpu.memory_space<hbm>>, %arg5: memref<512xi32, #tpu.memory_space<vmem>>, %arg6: memref<6x16x1024xf32, #tpu.memory_space<vmem>>, %arg7: memref<!tpu.dma_semaphore, #tpu.memory_space<semaphore_mem>>, %arg8: memref<!tpu.dma_semaphore, #tpu.memory_space<semaphore_mem>>, %arg9: memref<!tpu.dma_semaphore, #tpu.memory_space<semaphore_mem>>, %arg10: memref<!tpu.dma_semaphore, #tpu.memory_space<semaphore_mem>>, %arg11: memref<!tpu.dma_semaphore, #tpu.memory_space<semaphore_mem>>, %arg12: memref<!tpu.dma_semaphore, #tpu.memory_space<semaphore_mem>>, %arg13: memref<!tpu.dma_semaphore, #tpu.memory_space<semaphore_mem>>, %arg14: memref<!tpu.dma_semaphore, #tpu.memory_space<semaphore_mem>>, %arg15: memref<!tpu.dma_semaphore, #tpu.memory_space<semaphore_mem>>, %arg16: memref<!tpu.dma_semaphore, #tpu.memory_space<semaphore_mem>>, %arg17: memref<!tpu.dma_semaphore, #tpu.memory_space<semaphore_mem>>, %arg18: memref<!tpu.dma_semaphore, #tpu.memory_space<semaphore_mem>>) attributes {dimension_semantics = [#tpu.dimension_semantics<core_parallel>, #tpu.dimension_semantics<subcore_parallel>], iteration_bounds = array<i64: 2, 16>, scalar_prefetch = 0 : i64, scratch_operands = 14 : i64, tpu.core_type = #tpu.core_type<sc_vector_subcore>, window_params = [{transform_indices = #map}, {transform_indices = #map1}, {transform_indices = #map1}]} {
    %mul3A = arith.constant 2 : i32
    %mul3A_0 = arith.muli %arg1, %mul3A : i32
    %add3A = arith.addi %mul3A_0, %arg0 : i32
    %mul3A_1 = arith.constant 512 : i32
    %mul3A_2 = arith.muli %add3A, %mul3A_1 : i32
    "tpu.region"() ({
      %run_scoped3A = tpu.sem_alloc : memref<!tpu.dma_semaphore, #tpu.memory_space<semaphore_mem>>
      %dma_start3A_1537 = tpu.memref_slice %arg2[%mul3A_2] : memref<16384xi32, #tpu.memory_space<hbm>> -> memref<512xi32, #tpu.memory_space<hbm>>
      %dma_start3A_1538 = tpu.memref_slice %arg2[%mul3A_2] : memref<16384xi32, #tpu.memory_space<hbm>> -> memref<512xi32, #tpu.memory_space<hbm>>
      tpu.enqueue_dma source(%dma_start3A_1538 : memref<512xi32, #tpu.memory_space<hbm>>) target(%arg5 : memref<512xi32, #tpu.memory_space<vmem>>) target_semaphore(%run_scoped3A : memref<!tpu.dma_semaphore, #tpu.memory_space<semaphore_mem>>)
      %dma_wait3A_1539 = tpu.memref_slice %arg2[%mul3A_2] : memref<16384xi32, #tpu.memory_space<hbm>> -> memref<512xi32, #tpu.memory_space<hbm>>
      %dma_wait3A_1540 = tpu.memref_slice %arg2[%mul3A_2] : memref<16384xi32, #tpu.memory_space<hbm>> -> memref<512xi32, #tpu.memory_space<hbm>>
      tpu.wait_dma2 semaphore(%run_scoped3A : memref<!tpu.dma_semaphore, #tpu.memory_space<semaphore_mem>>) src(%dma_wait3A_1540 : memref<512xi32, #tpu.memory_space<hbm>>) dst(%arg5 : memref<512xi32, #tpu.memory_space<vmem>>)
      tpu.yield
    }) : () -> ()
    %dma_start3A = arith.constant 0 : i32
    %dma_start3A_3 = arith.constant 0 : i32
    %dma_start3A_4 = arith.constant 0 : i32
    %dma_start3A_5 = tpu.memref_slice %arg6[%dma_start3A, %dma_start3A_3, %dma_start3A_4] : memref<6x16x1024xf32, #tpu.memory_space<vmem>> -> memref<1x16x1024xf32, #tpu.memory_space<vmem>>
    %dma_start3A_6 = tpu.memref_squeeze %dma_start3A_5 : memref<1x16x1024xf32, #tpu.memory_space<vmem>> -> memref<16x1024xf32, #tpu.memory_space<vmem>>
    %dma_start3A_7 = arith.constant 0 : i32
    %dma_start3A_8 = tpu.memref_slice %arg5[%dma_start3A_7] : memref<512xi32, #tpu.memory_space<vmem>> -> memref<16xi32, #tpu.memory_space<vmem>>
    %dma_start3A_9 = arith.constant 0 : i32
    %dma_start3A_10 = arith.constant 0 : i32
    %dma_start3A_11 = tpu.memref_slice %arg3[%dma_start3A_9, %dma_start3A_10] : memref<100000x1024xf32, #tpu.memory_space<hbm>> -> memref<100000x1024xf32, #tpu.memory_space<hbm>>
    tpu.enqueue_indirect_dma source(%dma_start3A_11 : memref<100000x1024xf32, #tpu.memory_space<hbm>>) target(%dma_start3A_6 : memref<16x1024xf32, #tpu.memory_space<vmem>>) offsets(%dma_start3A_8 : memref<16xi32, #tpu.memory_space<vmem>>) semaphore(%arg7 : memref<!tpu.dma_semaphore, #tpu.memory_space<semaphore_mem>>)
    %dma_start3A_12 = arith.constant 1 : i32
    %dma_start3A_13 = arith.constant 0 : i32
    %dma_start3A_14 = arith.constant 0 : i32
    %dma_start3A_15 = tpu.memref_slice %arg6[%dma_start3A_12, %dma_start3A_13, %dma_start3A_14] : memref<6x16x1024xf32, #tpu.memory_space<vmem>> -> memref<1x16x1024xf32, #tpu.memory_space<vmem>>
    %dma_start3A_16 = tpu.memref_squeeze %dma_start3A_15 : memref<1x16x1024xf32, #tpu.memory_space<vmem>> -> memref<16x1024xf32, #tpu.memory_space<vmem>>
    %dma_start3A_17 = arith.constant 16 : i32
    %dma_start3A_18 = tpu.memref_slice %arg5[%dma_start3A_17] : memref<512xi32, #tpu.memory_space<vmem>> -> memref<16xi32, #tpu.memory_space<vmem>>
    %dma_start3A_19 = arith.constant 0 : i32
    %dma_start3A_20 = arith.constant 0 : i32
    %dma_start3A_21 = tpu.memref_slice %arg3[%dma_start3A_19, %dma_start3A_20] : memref<100000x1024xf32, #tpu.memory_space<hbm>> -> memref<100000x1024xf32, #tpu.memory_space<hbm>>
    tpu.enqueue_indirect_dma source(%dma_start3A_21 : memref<100000x1024xf32, #tpu.memory_space<hbm>>) target(%dma_start3A_16 : memref<16x1024xf32, #tpu.memory_space<vmem>>) offsets(%dma_start3A_18 : memref<16xi32, #tpu.memory_space<vmem>>) semaphore(%arg8 : memref<!tpu.dma_semaphore, #tpu.memory_space<semaphore_mem>>)
    %dma_start3A_22 = arith.constant 2 : i32
    %dma_start3A_23 = arith.constant 0 : i32
    %dma_start3A_24 = arith.constant 0 : i32
    %dma_start3A_25 = tpu.memref_slice %arg6[%dma_start3A_22, %dma_start3A_23, %dma_start3A_24] : memref<6x16x1024xf32, #tpu.memory_space<vmem>> -> memref<1x16x1024xf32, #tpu.memory_space<vmem>>
    %dma_start3A_26 = tpu.memref_squeeze %dma_start3A_25 : memref<1x16x1024xf32, #tpu.memory_space<vmem>> -> memref<16x1024xf32, #tpu.memory_space<vmem>>
    %dma_start3A_27 = arith.constant 32 : i32
    %dma_start3A_28 = tpu.memref_slice %arg5[%dma_start3A_27] : memref<512xi32, #tpu.memory_space<vmem>> -> memref<16xi32, #tpu.memory_space<vmem>>
    %dma_start3A_29 = arith.constant 0 : i32
    %dma_start3A_30 = arith.constant 0 : i32
    %dma_start3A_31 = tpu.memref_slice %arg3[%dma_start3A_29, %dma_start3A_30] : memref<100000x1024xf32, #tpu.memory_space<hbm>> -> memref<100000x1024xf32, #tpu.memory_space<hbm>>
    tpu.enqueue_indirect_dma source(%dma_start3A_31 : memref<100000x1024xf32, #tpu.memory_space<hbm>>) target(%dma_start3A_26 : memref<16x1024xf32, #tpu.memory_space<vmem>>) offsets(%dma_start3A_28 : memref<16xi32, #tpu.memory_space<vmem>>) semaphore(%arg9 : memref<!tpu.dma_semaphore, #tpu.memory_space<semaphore_mem>>)
    %dma_start3A_32 = arith.constant 3 : i32
    %dma_start3A_33 = arith.constant 0 : i32
    %dma_start3A_34 = arith.constant 0 : i32
    %dma_start3A_35 = tpu.memref_slice %arg6[%dma_start3A_32, %dma_start3A_33, %dma_start3A_34] : memref<6x16x1024xf32, #tpu.memory_space<vmem>> -> memref<1x16x1024xf32, #tpu.memory_space<vmem>>
    %dma_start3A_36 = tpu.memref_squeeze %dma_start3A_35 : memref<1x16x1024xf32, #tpu.memory_space<vmem>> -> memref<16x1024xf32, #tpu.memory_space<vmem>>
    %dma_start3A_37 = arith.constant 48 : i32
    %dma_start3A_38 = tpu.memref_slice %arg5[%dma_start3A_37] : memref<512xi32, #tpu.memory_space<vmem>> -> memref<16xi32, #tpu.memory_space<vmem>>
    %dma_start3A_39 = arith.constant 0 : i32
    %dma_start3A_40 = arith.constant 0 : i32
    %dma_start3A_41 = tpu.memref_slice %arg3[%dma_start3A_39, %dma_start3A_40] : memref<100000x1024xf32, #tpu.memory_space<hbm>> -> memref<100000x1024xf32, #tpu.memory_space<hbm>>
    tpu.enqueue_indirect_dma source(%dma_start3A_41 : memref<100000x1024xf32, #tpu.memory_space<hbm>>) target(%dma_start3A_36 : memref<16x1024xf32, #tpu.memory_space<vmem>>) offsets(%dma_start3A_38 : memref<16xi32, #tpu.memory_space<vmem>>) semaphore(%arg10 : memref<!tpu.dma_semaphore, #tpu.memory_space<semaphore_mem>>)
    %dma_start3A_42 = arith.constant 4 : i32
    %dma_start3A_43 = arith.constant 0 : i32
    %dma_start3A_44 = arith.constant 0 : i32
    %dma_start3A_45 = tpu.memref_slice %arg6[%dma_start3A_42, %dma_start3A_43, %dma_start3A_44] : memref<6x16x1024xf32, #tpu.memory_space<vmem>> -> memref<1x16x1024xf32, #tpu.memory_space<vmem>>
    %dma_start3A_46 = tpu.memref_squeeze %dma_start3A_45 : memref<1x16x1024xf32, #tpu.memory_space<vmem>> -> memref<16x1024xf32, #tpu.memory_space<vmem>>
    %dma_start3A_47 = arith.constant 64 : i32
    %dma_start3A_48 = tpu.memref_slice %arg5[%dma_start3A_47] : memref<512xi32, #tpu.memory_space<vmem>> -> memref<16xi32, #tpu.memory_space<vmem>>
    %dma_start3A_49 = arith.constant 0 : i32
    %dma_start3A_50 = arith.constant 0 : i32
    %dma_start3A_51 = tpu.memref_slice %arg3[%dma_start3A_49, %dma_start3A_50] : memref<100000x1024xf32, #tpu.memory_space<hbm>> -> memref<100000x1024xf32, #tpu.memory_space<hbm>>
    tpu.enqueue_indirect_dma source(%dma_start3A_51 : memref<100000x1024xf32, #tpu.memory_space<hbm>>) target(%dma_start3A_46 : memref<16x1024xf32, #tpu.memory_space<vmem>>) offsets(%dma_start3A_48 : memref<16xi32, #tpu.memory_space<vmem>>) semaphore(%arg11 : memref<!tpu.dma_semaphore, #tpu.memory_space<semaphore_mem>>)
    %dma_start3A_52 = arith.constant 5 : i32
    %dma_start3A_53 = arith.constant 0 : i32
    %dma_start3A_54 = arith.constant 0 : i32
    %dma_start3A_55 = tpu.memref_slice %arg6[%dma_start3A_52, %dma_start3A_53, %dma_start3A_54] : memref<6x16x1024xf32, #tpu.memory_space<vmem>> -> memref<1x16x1024xf32, #tpu.memory_space<vmem>>
    %dma_start3A_56 = tpu.memref_squeeze %dma_start3A_55 : memref<1x16x1024xf32, #tpu.memory_space<vmem>> -> memref<16x1024xf32, #tpu.memory_space<vmem>>
    %dma_start3A_57 = arith.constant 80 : i32
    %dma_start3A_58 = tpu.memref_slice %arg5[%dma_start3A_57] : memref<512xi32, #tpu.memory_space<vmem>> -> memref<16xi32, #tpu.memory_space<vmem>>
    %dma_start3A_59 = arith.constant 0 : i32
    %dma_start3A_60 = arith.constant 0 : i32
    %dma_start3A_61 = tpu.memref_slice %arg3[%dma_start3A_59, %dma_start3A_60] : memref<100000x1024xf32, #tpu.memory_space<hbm>> -> memref<100000x1024xf32, #tpu.memory_space<hbm>>
    tpu.enqueue_indirect_dma source(%dma_start3A_61 : memref<100000x1024xf32, #tpu.memory_space<hbm>>) target(%dma_start3A_56 : memref<16x1024xf32, #tpu.memory_space<vmem>>) offsets(%dma_start3A_58 : memref<16xi32, #tpu.memory_space<vmem>>) semaphore(%arg12 : memref<!tpu.dma_semaphore, #tpu.memory_space<semaphore_mem>>)
    %dma_wait3A = arith.constant 0 : i32
    %dma_wait3A_62 = arith.constant 0 : i32
    %dma_wait3A_63 = arith.constant 0 : i32
    %dma_wait3A_64 = tpu.memref_slice %arg6[%dma_wait3A, %dma_wait3A_62, %dma_wait3A_63] : memref<6x16x1024xf32, #tpu.memory_space<vmem>> -> memref<1x16x1024xf32, #tpu.memory_space<vmem>>
    %dma_wait3A_65 = tpu.memref_squeeze %dma_wait3A_64 : memref<1x16x1024xf32, #tpu.memory_space<vmem>> -> memref<16x1024xf32, #tpu.memory_space<vmem>>
    %dma_wait3A_66 = arith.constant 0 : i32
    %dma_wait3A_67 = tpu.memref_slice %arg5[%dma_wait3A_66] : memref<512xi32, #tpu.memory_space<vmem>> -> memref<16xi32, #tpu.memory_space<vmem>>
    %dma_wait3A_68 = arith.constant 0 : i32
    %dma_wait3A_69 = arith.constant 0 : i32
    %dma_wait3A_70 = tpu.memref_slice %arg3[%dma_wait3A_68, %dma_wait3A_69] : memref<100000x1024xf32, #tpu.memory_space<hbm>> -> memref<100000x1024xf32, #tpu.memory_space<hbm>>
    tpu.wait_indirect_dma semaphore(%arg7 : memref<!tpu.dma_semaphore, #tpu.memory_space<semaphore_mem>>) src(%dma_wait3A_70 : memref<100000x1024xf32, #tpu.memory_space<hbm>>) dst(%dma_wait3A_65 : memref<16x1024xf32, #tpu.memory_space<vmem>>)
    %add3A_71 = arith.constant 0 : i32
    %add3A_72 = arith.addi %mul3A_2, %add3A_71 : i32
    %dma_start3A_73 = arith.constant 0 : i32
    %dma_start3A_74 = arith.constant 0 : i32
    %dma_start3A_75 = arith.constant 0 : i32
    %dma_start3A_76 = tpu.memref_slice %arg6[%dma_start3A_73, %dma_start3A_74, %dma_start3A_75] : memref<6x16x1024xf32, #tpu.memory_space<vmem>> -> memref<1x16x1024xf32, #tpu.memory_space<vmem>>
    %dma_start3A_77 = tpu.memref_squeeze %dma_start3A_76 : memref<1x16x1024xf32, #tpu.memory_space<vmem>> -> memref<16x1024xf32, #tpu.memory_space<vmem>>
    %dma_start3A_78 = arith.constant 0 : i32
    %dma_start3A_79 = tpu.memref_slice %arg4[%add3A_72, %dma_start3A_78] : memref<16384x1024xf32, #tpu.memory_space<hbm>> -> memref<16x1024xf32, #tpu.memory_space<hbm>>
    %dma_start3A_80 = arith.constant 0 : i32
    %dma_start3A_81 = tpu.memref_slice %arg4[%add3A_72, %dma_start3A_80] : memref<16384x1024xf32, #tpu.memory_space<hbm>> -> memref<16x1024xf32, #tpu.memory_space<hbm>>
    %dma_start3A_82 = arith.constant 0 : i32
    %dma_start3A_83 = arith.constant 0 : i32
    %dma_start3A_84 = tpu.memref_slice %arg6[%dma_start3A_73, %dma_start3A_82, %dma_start3A_83] : memref<6x16x1024xf32, #tpu.memory_space<vmem>> -> memref<1x16x1024xf32, #tpu.memory_space<vmem>>
    %dma_start3A_85 = tpu.memref_squeeze %dma_start3A_84 : memref<1x16x1024xf32, #tpu.memory_space<vmem>> -> memref<16x1024xf32, #tpu.memory_space<vmem>>
    tpu.enqueue_dma source(%dma_start3A_85 : memref<16x1024xf32, #tpu.memory_space<vmem>>) target(%dma_start3A_81 : memref<16x1024xf32, #tpu.memory_space<hbm>>) target_semaphore(%arg13 : memref<!tpu.dma_semaphore, #tpu.memory_space<semaphore_mem>>)
    %dma_wait3A_86 = arith.constant 0 : i32
    %dma_wait3A_87 = arith.constant 0 : i32
    %dma_wait3A_88 = arith.constant 0 : i32
    %dma_wait3A_89 = tpu.memref_slice %arg6[%dma_wait3A_86, %dma_wait3A_87, %dma_wait3A_88] : memref<6x16x1024xf32, #tpu.memory_space<vmem>> -> memref<1x16x1024xf32, #tpu.memory_space<vmem>>
    %dma_wait3A_90 = tpu.memref_squeeze %dma_wait3A_89 : memref<1x16x1024xf32, #tpu.memory_space<vmem>> -> memref<16x1024xf32, #tpu.memory_space<vmem>>
    %dma_wait3A_91 = arith.constant 0 : i32
    %dma_wait3A_92 = tpu.memref_slice %arg4[%add3A_72, %dma_wait3A_91] : memref<16384x1024xf32, #tpu.memory_space<hbm>> -> memref<16x1024xf32, #tpu.memory_space<hbm>>
    %dma_wait3A_93 = arith.constant 0 : i32
    %dma_wait3A_94 = tpu.memref_slice %arg4[%add3A_72, %dma_wait3A_93] : memref<16384x1024xf32, #tpu.memory_space<hbm>> -> memref<16x1024xf32, #tpu.memory_space<hbm>>
    %dma_wait3A_95 = arith.constant 0 : i32
    %dma_wait3A_96 = arith.constant 0 : i32
    %dma_wait3A_97 = tpu.memref_slice %arg6[%dma_wait3A_86, %dma_wait3A_95, %dma_wait3A_96] : memref<6x16x1024xf32, #tpu.memory_space<vmem>> -> memref<1x16x1024xf32, #tpu.memory_space<vmem>>
    %dma_wait3A_98 = tpu.memref_squeeze %dma_wait3A_97 : memref<1x16x1024xf32, #tpu.memory_space<vmem>> -> memref<16x1024xf32, #tpu.memory_space<vmem>>
    tpu.wait_dma2 semaphore(%arg13 : memref<!tpu.dma_semaphore, #tpu.memory_space<semaphore_mem>>) src(%dma_wait3A_98 : memref<16x1024xf32, #tpu.memory_space<vmem>>) dst(%dma_wait3A_94 : memref<16x1024xf32, #tpu.memory_space<hbm>>)
    %dma_start3A_99 = arith.constant 0 : i32
    %dma_start3A_100 = arith.constant 0 : i32
    %dma_start3A_101 = arith.constant 0 : i32
    %dma_start3A_102 = tpu.memref_slice %arg6[%dma_start3A_99, %dma_start3A_100, %dma_start3A_101] : memref<6x16x1024xf32, #tpu.memory_space<vmem>> -> memref<1x16x1024xf32, #tpu.memory_space<vmem>>
    %dma_start3A_103 = tpu.memref_squeeze %dma_start3A_102 : memref<1x16x1024xf32, #tpu.memory_space<vmem>> -> memref<16x1024xf32, #tpu.memory_space<vmem>>
    %dma_start3A_104 = arith.constant 96 : i32
    %dma_start3A_105 = tpu.memref_slice %arg5[%dma_start3A_104] : memref<512xi32, #tpu.memory_space<vmem>> -> memref<16xi32, #tpu.memory_space<vmem>>
    %dma_start3A_106 = arith.constant 0 : i32
    %dma_start3A_107 = arith.constant 0 : i32
    %dma_start3A_108 = tpu.memref_slice %arg3[%dma_start3A_106, %dma_start3A_107] : memref<100000x1024xf32, #tpu.memory_space<hbm>> -> memref<100000x1024xf32, #tpu.memory_space<hbm>>
    tpu.enqueue_indirect_dma source(%dma_start3A_108 : memref<100000x1024xf32, #tpu.memory_space<hbm>>) target(%dma_start3A_103 : memref<16x1024xf32, #tpu.memory_space<vmem>>) offsets(%dma_start3A_105 : memref<16xi32, #tpu.memory_space<vmem>>) semaphore(%arg7 : memref<!tpu.dma_semaphore, #tpu.memory_space<semaphore_mem>>)
    %dma_wait3A_109 = arith.constant 1 : i32
    %dma_wait3A_110 = arith.constant 0 : i32
    %dma_wait3A_111 = arith.constant 0 : i32
    %dma_wait3A_112 = tpu.memref_slice %arg6[%dma_wait3A_109, %dma_wait3A_110, %dma_wait3A_111] : memref<6x16x1024xf32, #tpu.memory_space<vmem>> -> memref<1x16x1024xf32, #tpu.memory_space<vmem>>
    %dma_wait3A_113 = tpu.memref_squeeze %dma_wait3A_112 : memref<1x16x1024xf32, #tpu.memory_space<vmem>> -> memref<16x1024xf32, #tpu.memory_space<vmem>>
    %dma_wait3A_114 = arith.constant 16 : i32
    %dma_wait3A_115 = tpu.memref_slice %arg5[%dma_wait3A_114] : memref<512xi32, #tpu.memory_space<vmem>> -> memref<16xi32, #tpu.memory_space<vmem>>
    %dma_wait3A_116 = arith.constant 0 : i32
    %dma_wait3A_117 = arith.constant 0 : i32
    %dma_wait3A_118 = tpu.memref_slice %arg3[%dma_wait3A_116, %dma_wait3A_117] : memref<100000x1024xf32, #tpu.memory_space<hbm>> -> memref<100000x1024xf32, #tpu.memory_space<hbm>>
    tpu.wait_indirect_dma semaphore(%arg8 : memref<!tpu.dma_semaphore, #tpu.memory_space<semaphore_mem>>) src(%dma_wait3A_118 : memref<100000x1024xf32, #tpu.memory_space<hbm>>) dst(%dma_wait3A_113 : memref<16x1024xf32, #tpu.memory_space<vmem>>)
    %add3A_119 = arith.constant 16 : i32
    %add3A_120 = arith.addi %mul3A_2, %add3A_119 : i32
    %dma_start3A_121 = arith.constant 1 : i32
    %dma_start3A_122 = arith.constant 0 : i32
    %dma_start3A_123 = arith.constant 0 : i32
    %dma_start3A_124 = tpu.memref_slice %arg6[%dma_start3A_121, %dma_start3A_122, %dma_start3A_123] : memref<6x16x1024xf32, #tpu.memory_space<vmem>> -> memref<1x16x1024xf32, #tpu.memory_space<vmem>>
    %dma_start3A_125 = tpu.memref_squeeze %dma_start3A_124 : memref<1x16x1024xf32, #tpu.memory_space<vmem>> -> memref<16x1024xf32, #tpu.memory_space<vmem>>
    %dma_start3A_126 = arith.constant 0 : i32
    %dma_start3A_127 = tpu.memref_slice %arg4[%add3A_120, %dma_start3A_126] : memref<16384x1024xf32, #tpu.memory_space<hbm>> -> memref<16x1024xf32, #tpu.memory_space<hbm>>
    %dma_start3A_128 = arith.constant 0 : i32
    %dma_start3A_129 = tpu.memref_slice %arg4[%add3A_120, %dma_start3A_128] : memref<16384x1024xf32, #tpu.memory_space<hbm>> -> memref<16x1024xf32, #tpu.memory_space<hbm>>
    %dma_start3A_130 = arith.constant 0 : i32
    %dma_start3A_131 = arith.constant 0 : i32
    %dma_start3A_132 = tpu.memref_slice %arg6[%dma_start3A_121, %dma_start3A_130, %dma_start3A_131] : memref<6x16x1024xf32, #tpu.memory_space<vmem>> -> memref<1x16x1024xf32, #tpu.memory_space<vmem>>
    %dma_start3A_133 = tpu.memref_squeeze %dma_start3A_132 : memref<1x16x1024xf32, #tpu.memory_space<vmem>> -> memref<16x1024xf32, #tpu.memory_space<vmem>>
    tpu.enqueue_dma source(%dma_start3A_133 : memref<16x1024xf32, #tpu.memory_space<vmem>>) target(%dma_start3A_129 : memref<16x1024xf32, #tpu.memory_space<hbm>>) target_semaphore(%arg14 : memref<!tpu.dma_semaphore, #tpu.memory_space<semaphore_mem>>)
    %dma_wait3A_134 = arith.constant 1 : i32
    %dma_wait3A_135 = arith.constant 0 : i32
    %dma_wait3A_136 = arith.constant 0 : i32
    %dma_wait3A_137 = tpu.memref_slice %arg6[%dma_wait3A_134, %dma_wait3A_135, %dma_wait3A_136] : memref<6x16x1024xf32, #tpu.memory_space<vmem>> -> memref<1x16x1024xf32, #tpu.memory_space<vmem>>
    %dma_wait3A_138 = tpu.memref_squeeze %dma_wait3A_137 : memref<1x16x1024xf32, #tpu.memory_space<vmem>> -> memref<16x1024xf32, #tpu.memory_space<vmem>>
    %dma_wait3A_139 = arith.constant 0 : i32
    %dma_wait3A_140 = tpu.memref_slice %arg4[%add3A_120, %dma_wait3A_139] : memref<16384x1024xf32, #tpu.memory_space<hbm>> -> memref<16x1024xf32, #tpu.memory_space<hbm>>
    %dma_wait3A_141 = arith.constant 0 : i32
    %dma_wait3A_142 = tpu.memref_slice %arg4[%add3A_120, %dma_wait3A_141] : memref<16384x1024xf32, #tpu.memory_space<hbm>> -> memref<16x1024xf32, #tpu.memory_space<hbm>>
    %dma_wait3A_143 = arith.constant 0 : i32
    %dma_wait3A_144 = arith.constant 0 : i32
    %dma_wait3A_145 = tpu.memref_slice %arg6[%dma_wait3A_134, %dma_wait3A_143, %dma_wait3A_144] : memref<6x16x1024xf32, #tpu.memory_space<vmem>> -> memref<1x16x1024xf32, #tpu.memory_space<vmem>>
    %dma_wait3A_146 = tpu.memref_squeeze %dma_wait3A_145 : memref<1x16x1024xf32, #tpu.memory_space<vmem>> -> memref<16x1024xf32, #tpu.memory_space<vmem>>
    tpu.wait_dma2 semaphore(%arg14 : memref<!tpu.dma_semaphore, #tpu.memory_space<semaphore_mem>>) src(%dma_wait3A_146 : memref<16x1024xf32, #tpu.memory_space<vmem>>) dst(%dma_wait3A_142 : memref<16x1024xf32, #tpu.memory_space<hbm>>)
    %dma_start3A_147 = arith.constant 1 : i32
    %dma_start3A_148 = arith.constant 0 : i32
    %dma_start3A_149 = arith.constant 0 : i32
    %dma_start3A_150 = tpu.memref_slice %arg6[%dma_start3A_147, %dma_start3A_148, %dma_start3A_149] : memref<6x16x1024xf32, #tpu.memory_space<vmem>> -> memref<1x16x1024xf32, #tpu.memory_space<vmem>>
    %dma_start3A_151 = tpu.memref_squeeze %dma_start3A_150 : memref<1x16x1024xf32, #tpu.memory_space<vmem>> -> memref<16x1024xf32, #tpu.memory_space<vmem>>
    %dma_start3A_152 = arith.constant 112 : i32
    %dma_start3A_153 = tpu.memref_slice %arg5[%dma_start3A_152] : memref<512xi32, #tpu.memory_space<vmem>> -> memref<16xi32, #tpu.memory_space<vmem>>
    %dma_start3A_154 = arith.constant 0 : i32
    %dma_start3A_155 = arith.constant 0 : i32
    %dma_start3A_156 = tpu.memref_slice %arg3[%dma_start3A_154, %dma_start3A_155] : memref<100000x1024xf32, #tpu.memory_space<hbm>> -> memref<100000x1024xf32, #tpu.memory_space<hbm>>
    tpu.enqueue_indirect_dma source(%dma_start3A_156 : memref<100000x1024xf32, #tpu.memory_space<hbm>>) target(%dma_start3A_151 : memref<16x1024xf32, #tpu.memory_space<vmem>>) offsets(%dma_start3A_153 : memref<16xi32, #tpu.memory_space<vmem>>) semaphore(%arg8 : memref<!tpu.dma_semaphore, #tpu.memory_space<semaphore_mem>>)
    %dma_wait3A_157 = arith.constant 2 : i32
    %dma_wait3A_158 = arith.constant 0 : i32
    %dma_wait3A_159 = arith.constant 0 : i32
    %dma_wait3A_160 = tpu.memref_slice %arg6[%dma_wait3A_157, %dma_wait3A_158, %dma_wait3A_159] : memref<6x16x1024xf32, #tpu.memory_space<vmem>> -> memref<1x16x1024xf32, #tpu.memory_space<vmem>>
    %dma_wait3A_161 = tpu.memref_squeeze %dma_wait3A_160 : memref<1x16x1024xf32, #tpu.memory_space<vmem>> -> memref<16x1024xf32, #tpu.memory_space<vmem>>
    %dma_wait3A_162 = arith.constant 32 : i32
    %dma_wait3A_163 = tpu.memref_slice %arg5[%dma_wait3A_162] : memref<512xi32, #tpu.memory_space<vmem>> -> memref<16xi32, #tpu.memory_space<vmem>>
    %dma_wait3A_164 = arith.constant 0 : i32
    %dma_wait3A_165 = arith.constant 0 : i32
    %dma_wait3A_166 = tpu.memref_slice %arg3[%dma_wait3A_164, %dma_wait3A_165] : memref<100000x1024xf32, #tpu.memory_space<hbm>> -> memref<100000x1024xf32, #tpu.memory_space<hbm>>
    tpu.wait_indirect_dma semaphore(%arg9 : memref<!tpu.dma_semaphore, #tpu.memory_space<semaphore_mem>>) src(%dma_wait3A_166 : memref<100000x1024xf32, #tpu.memory_space<hbm>>) dst(%dma_wait3A_161 : memref<16x1024xf32, #tpu.memory_space<vmem>>)
    %add3A_167 = arith.constant 32 : i32
    %add3A_168 = arith.addi %mul3A_2, %add3A_167 : i32
    %dma_start3A_169 = arith.constant 2 : i32
    %dma_start3A_170 = arith.constant 0 : i32
    %dma_start3A_171 = arith.constant 0 : i32
    %dma_start3A_172 = tpu.memref_slice %arg6[%dma_start3A_169, %dma_start3A_170, %dma_start3A_171] : memref<6x16x1024xf32, #tpu.memory_space<vmem>> -> memref<1x16x1024xf32, #tpu.memory_space<vmem>>
    %dma_start3A_173 = tpu.memref_squeeze %dma_start3A_172 : memref<1x16x1024xf32, #tpu.memory_space<vmem>> -> memref<16x1024xf32, #tpu.memory_space<vmem>>
    %dma_start3A_174 = arith.constant 0 : i32
    %dma_start3A_175 = tpu.memref_slice %arg4[%add3A_168, %dma_start3A_174] : memref<16384x1024xf32, #tpu.memory_space<hbm>> -> memref<16x1024xf32, #tpu.memory_space<hbm>>
    %dma_start3A_176 = arith.constant 0 : i32
    %dma_start3A_177 = tpu.memref_slice %arg4[%add3A_168, %dma_start3A_176] : memref<16384x1024xf32, #tpu.memory_space<hbm>> -> memref<16x1024xf32, #tpu.memory_space<hbm>>
    %dma_start3A_178 = arith.constant 0 : i32
    %dma_start3A_179 = arith.constant 0 : i32
    %dma_start3A_180 = tpu.memref_slice %arg6[%dma_start3A_169, %dma_start3A_178, %dma_start3A_179] : memref<6x16x1024xf32, #tpu.memory_space<vmem>> -> memref<1x16x1024xf32, #tpu.memory_space<vmem>>
    %dma_start3A_181 = tpu.memref_squeeze %dma_start3A_180 : memref<1x16x1024xf32, #tpu.memory_space<vmem>> -> memref<16x1024xf32, #tpu.memory_space<vmem>>
    tpu.enqueue_dma source(%dma_start3A_181 : memref<16x1024xf32, #tpu.memory_space<vmem>>) target(%dma_start3A_177 : memref<16x1024xf32, #tpu.memory_space<hbm>>) target_semaphore(%arg15 : memref<!tpu.dma_semaphore, #tpu.memory_space<semaphore_mem>>)
    %dma_wait3A_182 = arith.constant 2 : i32
    %dma_wait3A_183 = arith.constant 0 : i32
    %dma_wait3A_184 = arith.constant 0 : i32
    %dma_wait3A_185 = tpu.memref_slice %arg6[%dma_wait3A_182, %dma_wait3A_183, %dma_wait3A_184] : memref<6x16x1024xf32, #tpu.memory_space<vmem>> -> memref<1x16x1024xf32, #tpu.memory_space<vmem>>
    %dma_wait3A_186 = tpu.memref_squeeze %dma_wait3A_185 : memref<1x16x1024xf32, #tpu.memory_space<vmem>> -> memref<16x1024xf32, #tpu.memory_space<vmem>>
    %dma_wait3A_187 = arith.constant 0 : i32
    %dma_wait3A_188 = tpu.memref_slice %arg4[%add3A_168, %dma_wait3A_187] : memref<16384x1024xf32, #tpu.memory_space<hbm>> -> memref<16x1024xf32, #tpu.memory_space<hbm>>
    %dma_wait3A_189 = arith.constant 0 : i32
    %dma_wait3A_190 = tpu.memref_slice %arg4[%add3A_168, %dma_wait3A_189] : memref<16384x1024xf32, #tpu.memory_space<hbm>> -> memref<16x1024xf32, #tpu.memory_space<hbm>>
    %dma_wait3A_191 = arith.constant 0 : i32
    %dma_wait3A_192 = arith.constant 0 : i32
    %dma_wait3A_193 = tpu.memref_slice %arg6[%dma_wait3A_182, %dma_wait3A_191, %dma_wait3A_192] : memref<6x16x1024xf32, #tpu.memory_space<vmem>> -> memref<1x16x1024xf32, #tpu.memory_space<vmem>>
    %dma_wait3A_194 = tpu.memref_squeeze %dma_wait3A_193 : memref<1x16x1024xf32, #tpu.memory_space<vmem>> -> memref<16x1024xf32, #tpu.memory_space<vmem>>
    tpu.wait_dma2 semaphore(%arg15 : memref<!tpu.dma_semaphore, #tpu.memory_space<semaphore_mem>>) src(%dma_wait3A_194 : memref<16x1024xf32, #tpu.memory_space<vmem>>) dst(%dma_wait3A_190 : memref<16x1024xf32, #tpu.memory_space<hbm>>)
    %dma_start3A_195 = arith.constant 2 : i32
    %dma_start3A_196 = arith.constant 0 : i32
    %dma_start3A_197 = arith.constant 0 : i32
    %dma_start3A_198 = tpu.memref_slice %arg6[%dma_start3A_195, %dma_start3A_196, %dma_start3A_197] : memref<6x16x1024xf32, #tpu.memory_space<vmem>> -> memref<1x16x1024xf32, #tpu.memory_space<vmem>>
    %dma_start3A_199 = tpu.memref_squeeze %dma_start3A_198 : memref<1x16x1024xf32, #tpu.memory_space<vmem>> -> memref<16x1024xf32, #tpu.memory_space<vmem>>
    %dma_start3A_200 = arith.constant 128 : i32
    %dma_start3A_201 = tpu.memref_slice %arg5[%dma_start3A_200] : memref<512xi32, #tpu.memory_space<vmem>> -> memref<16xi32, #tpu.memory_space<vmem>>
    %dma_start3A_202 = arith.constant 0 : i32
    %dma_start3A_203 = arith.constant 0 : i32
    %dma_start3A_204 = tpu.memref_slice %arg3[%dma_start3A_202, %dma_start3A_203] : memref<100000x1024xf32, #tpu.memory_space<hbm>> -> memref<100000x1024xf32, #tpu.memory_space<hbm>>
    tpu.enqueue_indirect_dma source(%dma_start3A_204 : memref<100000x1024xf32, #tpu.memory_space<hbm>>) target(%dma_start3A_199 : memref<16x1024xf32, #tpu.memory_space<vmem>>) offsets(%dma_start3A_201 : memref<16xi32, #tpu.memory_space<vmem>>) semaphore(%arg9 : memref<!tpu.dma_semaphore, #tpu.memory_space<semaphore_mem>>)
    %dma_wait3A_205 = arith.constant 3 : i32
    %dma_wait3A_206 = arith.constant 0 : i32
    %dma_wait3A_207 = arith.constant 0 : i32
    %dma_wait3A_208 = tpu.memref_slice %arg6[%dma_wait3A_205, %dma_wait3A_206, %dma_wait3A_207] : memref<6x16x1024xf32, #tpu.memory_space<vmem>> -> memref<1x16x1024xf32, #tpu.memory_space<vmem>>
    %dma_wait3A_209 = tpu.memref_squeeze %dma_wait3A_208 : memref<1x16x1024xf32, #tpu.memory_space<vmem>> -> memref<16x1024xf32, #tpu.memory_space<vmem>>
    %dma_wait3A_210 = arith.constant 48 : i32
    %dma_wait3A_211 = tpu.memref_slice %arg5[%dma_wait3A_210] : memref<512xi32, #tpu.memory_space<vmem>> -> memref<16xi32, #tpu.memory_space<vmem>>
    %dma_wait3A_212 = arith.constant 0 : i32
    %dma_wait3A_213 = arith.constant 0 : i32
    %dma_wait3A_214 = tpu.memref_slice %arg3[%dma_wait3A_212, %dma_wait3A_213] : memref<100000x1024xf32, #tpu.memory_space<hbm>> -> memref<100000x1024xf32, #tpu.memory_space<hbm>>
    tpu.wait_indirect_dma semaphore(%arg10 : memref<!tpu.dma_semaphore, #tpu.memory_space<semaphore_mem>>) src(%dma_wait3A_214 : memref<100000x1024xf32, #tpu.memory_space<hbm>>) dst(%dma_wait3A_209 : memref<16x1024xf32, #tpu.memory_space<vmem>>)
    %add3A_215 = arith.constant 48 : i32
    %add3A_216 = arith.addi %mul3A_2, %add3A_215 : i32
    %dma_start3A_217 = arith.constant 3 : i32
    %dma_start3A_218 = arith.constant 0 : i32
    %dma_start3A_219 = arith.constant 0 : i32
    %dma_start3A_220 = tpu.memref_slice %arg6[%dma_start3A_217, %dma_start3A_218, %dma_start3A_219] : memref<6x16x1024xf32, #tpu.memory_space<vmem>> -> memref<1x16x1024xf32, #tpu.memory_space<vmem>>
    %dma_start3A_221 = tpu.memref_squeeze %dma_start3A_220 : memref<1x16x1024xf32, #tpu.memory_space<vmem>> -> memref<16x1024xf32, #tpu.memory_space<vmem>>
    %dma_start3A_222 = arith.constant 0 : i32
    %dma_start3A_223 = tpu.memref_slice %arg4[%add3A_216, %dma_start3A_222] : memref<16384x1024xf32, #tpu.memory_space<hbm>> -> memref<16x1024xf32, #tpu.memory_space<hbm>>
    %dma_start3A_224 = arith.constant 0 : i32
    %dma_start3A_225 = tpu.memref_slice %arg4[%add3A_216, %dma_start3A_224] : memref<16384x1024xf32, #tpu.memory_space<hbm>> -> memref<16x1024xf32, #tpu.memory_space<hbm>>
    %dma_start3A_226 = arith.constant 0 : i32
    %dma_start3A_227 = arith.constant 0 : i32
    %dma_start3A_228 = tpu.memref_slice %arg6[%dma_start3A_217, %dma_start3A_226, %dma_start3A_227] : memref<6x16x1024xf32, #tpu.memory_space<vmem>> -> memref<1x16x1024xf32, #tpu.memory_space<vmem>>
    %dma_start3A_229 = tpu.memref_squeeze %dma_start3A_228 : memref<1x16x1024xf32, #tpu.memory_space<vmem>> -> memref<16x1024xf32, #tpu.memory_space<vmem>>
    tpu.enqueue_dma source(%dma_start3A_229 : memref<16x1024xf32, #tpu.memory_space<vmem>>) target(%dma_start3A_225 : memref<16x1024xf32, #tpu.memory_space<hbm>>) target_semaphore(%arg16 : memref<!tpu.dma_semaphore, #tpu.memory_space<semaphore_mem>>)
    %dma_wait3A_230 = arith.constant 3 : i32
    %dma_wait3A_231 = arith.constant 0 : i32
    %dma_wait3A_232 = arith.constant 0 : i32
    %dma_wait3A_233 = tpu.memref_slice %arg6[%dma_wait3A_230, %dma_wait3A_231, %dma_wait3A_232] : memref<6x16x1024xf32, #tpu.memory_space<vmem>> -> memref<1x16x1024xf32, #tpu.memory_space<vmem>>
    %dma_wait3A_234 = tpu.memref_squeeze %dma_wait3A_233 : memref<1x16x1024xf32, #tpu.memory_space<vmem>> -> memref<16x1024xf32, #tpu.memory_space<vmem>>
    %dma_wait3A_235 = arith.constant 0 : i32
    %dma_wait3A_236 = tpu.memref_slice %arg4[%add3A_216, %dma_wait3A_235] : memref<16384x1024xf32, #tpu.memory_space<hbm>> -> memref<16x1024xf32, #tpu.memory_space<hbm>>
    %dma_wait3A_237 = arith.constant 0 : i32
    %dma_wait3A_238 = tpu.memref_slice %arg4[%add3A_216, %dma_wait3A_237] : memref<16384x1024xf32, #tpu.memory_space<hbm>> -> memref<16x1024xf32, #tpu.memory_space<hbm>>
    %dma_wait3A_239 = arith.constant 0 : i32
    %dma_wait3A_240 = arith.constant 0 : i32
    %dma_wait3A_241 = tpu.memref_slice %arg6[%dma_wait3A_230, %dma_wait3A_239, %dma_wait3A_240] : memref<6x16x1024xf32, #tpu.memory_space<vmem>> -> memref<1x16x1024xf32, #tpu.memory_space<vmem>>
    %dma_wait3A_242 = tpu.memref_squeeze %dma_wait3A_241 : memref<1x16x1024xf32, #tpu.memory_space<vmem>> -> memref<16x1024xf32, #tpu.memory_space<vmem>>
    tpu.wait_dma2 semaphore(%arg16 : memref<!tpu.dma_semaphore, #tpu.memory_space<semaphore_mem>>) src(%dma_wait3A_242 : memref<16x1024xf32, #tpu.memory_space<vmem>>) dst(%dma_wait3A_238 : memref<16x1024xf32, #tpu.memory_space<hbm>>)
    %dma_start3A_243 = arith.constant 3 : i32
    %dma_start3A_244 = arith.constant 0 : i32
    %dma_start3A_245 = arith.constant 0 : i32
    %dma_start3A_246 = tpu.memref_slice %arg6[%dma_start3A_243, %dma_start3A_244, %dma_start3A_245] : memref<6x16x1024xf32, #tpu.memory_space<vmem>> -> memref<1x16x1024xf32, #tpu.memory_space<vmem>>
    %dma_start3A_247 = tpu.memref_squeeze %dma_start3A_246 : memref<1x16x1024xf32, #tpu.memory_space<vmem>> -> memref<16x1024xf32, #tpu.memory_space<vmem>>
    %dma_start3A_248 = arith.constant 144 : i32
    %dma_start3A_249 = tpu.memref_slice %arg5[%dma_start3A_248] : memref<512xi32, #tpu.memory_space<vmem>> -> memref<16xi32, #tpu.memory_space<vmem>>
    %dma_start3A_250 = arith.constant 0 : i32
    %dma_start3A_251 = arith.constant 0 : i32
    %dma_start3A_252 = tpu.memref_slice %arg3[%dma_start3A_250, %dma_start3A_251] : memref<100000x1024xf32, #tpu.memory_space<hbm>> -> memref<100000x1024xf32, #tpu.memory_space<hbm>>
    tpu.enqueue_indirect_dma source(%dma_start3A_252 : memref<100000x1024xf32, #tpu.memory_space<hbm>>) target(%dma_start3A_247 : memref<16x1024xf32, #tpu.memory_space<vmem>>) offsets(%dma_start3A_249 : memref<16xi32, #tpu.memory_space<vmem>>) semaphore(%arg10 : memref<!tpu.dma_semaphore, #tpu.memory_space<semaphore_mem>>)
    %dma_wait3A_253 = arith.constant 4 : i32
    %dma_wait3A_254 = arith.constant 0 : i32
    %dma_wait3A_255 = arith.constant 0 : i32
    %dma_wait3A_256 = tpu.memref_slice %arg6[%dma_wait3A_253, %dma_wait3A_254, %dma_wait3A_255] : memref<6x16x1024xf32, #tpu.memory_space<vmem>> -> memref<1x16x1024xf32, #tpu.memory_space<vmem>>
    %dma_wait3A_257 = tpu.memref_squeeze %dma_wait3A_256 : memref<1x16x1024xf32, #tpu.memory_space<vmem>> -> memref<16x1024xf32, #tpu.memory_space<vmem>>
    %dma_wait3A_258 = arith.constant 64 : i32
    %dma_wait3A_259 = tpu.memref_slice %arg5[%dma_wait3A_258] : memref<512xi32, #tpu.memory_space<vmem>> -> memref<16xi32, #tpu.memory_space<vmem>>
    %dma_wait3A_260 = arith.constant 0 : i32
    %dma_wait3A_261 = arith.constant 0 : i32
    %dma_wait3A_262 = tpu.memref_slice %arg3[%dma_wait3A_260, %dma_wait3A_261] : memref<100000x1024xf32, #tpu.memory_space<hbm>> -> memref<100000x1024xf32, #tpu.memory_space<hbm>>
    tpu.wait_indirect_dma semaphore(%arg11 : memref<!tpu.dma_semaphore, #tpu.memory_space<semaphore_mem>>) src(%dma_wait3A_262 : memref<100000x1024xf32, #tpu.memory_space<hbm>>) dst(%dma_wait3A_257 : memref<16x1024xf32, #tpu.memory_space<vmem>>)
    %add3A_263 = arith.constant 64 : i32
    %add3A_264 = arith.addi %mul3A_2, %add3A_263 : i32
    %dma_start3A_265 = arith.constant 4 : i32
    %dma_start3A_266 = arith.constant 0 : i32
    %dma_start3A_267 = arith.constant 0 : i32
    %dma_start3A_268 = tpu.memref_slice %arg6[%dma_start3A_265, %dma_start3A_266, %dma_start3A_267] : memref<6x16x1024xf32, #tpu.memory_space<vmem>> -> memref<1x16x1024xf32, #tpu.memory_space<vmem>>
    %dma_start3A_269 = tpu.memref_squeeze %dma_start3A_268 : memref<1x16x1024xf32, #tpu.memory_space<vmem>> -> memref<16x1024xf32, #tpu.memory_space<vmem>>
    %dma_start3A_270 = arith.constant 0 : i32
    %dma_start3A_271 = tpu.memref_slice %arg4[%add3A_264, %dma_start3A_270] : memref<16384x1024xf32, #tpu.memory_space<hbm>> -> memref<16x1024xf32, #tpu.memory_space<hbm>>
    %dma_start3A_272 = arith.constant 0 : i32
    %dma_start3A_273 = tpu.memref_slice %arg4[%add3A_264, %dma_start3A_272] : memref<16384x1024xf32, #tpu.memory_space<hbm>> -> memref<16x1024xf32, #tpu.memory_space<hbm>>
    %dma_start3A_274 = arith.constant 0 : i32
    %dma_start3A_275 = arith.constant 0 : i32
    %dma_start3A_276 = tpu.memref_slice %arg6[%dma_start3A_265, %dma_start3A_274, %dma_start3A_275] : memref<6x16x1024xf32, #tpu.memory_space<vmem>> -> memref<1x16x1024xf32, #tpu.memory_space<vmem>>
    %dma_start3A_277 = tpu.memref_squeeze %dma_start3A_276 : memref<1x16x1024xf32, #tpu.memory_space<vmem>> -> memref<16x1024xf32, #tpu.memory_space<vmem>>
    tpu.enqueue_dma source(%dma_start3A_277 : memref<16x1024xf32, #tpu.memory_space<vmem>>) target(%dma_start3A_273 : memref<16x1024xf32, #tpu.memory_space<hbm>>) target_semaphore(%arg17 : memref<!tpu.dma_semaphore, #tpu.memory_space<semaphore_mem>>)
    %dma_wait3A_278 = arith.constant 4 : i32
    %dma_wait3A_279 = arith.constant 0 : i32
    %dma_wait3A_280 = arith.constant 0 : i32
    %dma_wait3A_281 = tpu.memref_slice %arg6[%dma_wait3A_278, %dma_wait3A_279, %dma_wait3A_280] : memref<6x16x1024xf32, #tpu.memory_space<vmem>> -> memref<1x16x1024xf32, #tpu.memory_space<vmem>>
    %dma_wait3A_282 = tpu.memref_squeeze %dma_wait3A_281 : memref<1x16x1024xf32, #tpu.memory_space<vmem>> -> memref<16x1024xf32, #tpu.memory_space<vmem>>
    %dma_wait3A_283 = arith.constant 0 : i32
    %dma_wait3A_284 = tpu.memref_slice %arg4[%add3A_264, %dma_wait3A_283] : memref<16384x1024xf32, #tpu.memory_space<hbm>> -> memref<16x1024xf32, #tpu.memory_space<hbm>>
    %dma_wait3A_285 = arith.constant 0 : i32
    %dma_wait3A_286 = tpu.memref_slice %arg4[%add3A_264, %dma_wait3A_285] : memref<16384x1024xf32, #tpu.memory_space<hbm>> -> memref<16x1024xf32, #tpu.memory_space<hbm>>
    %dma_wait3A_287 = arith.constant 0 : i32
    %dma_wait3A_288 = arith.constant 0 : i32
    %dma_wait3A_289 = tpu.memref_slice %arg6[%dma_wait3A_278, %dma_wait3A_287, %dma_wait3A_288] : memref<6x16x1024xf32, #tpu.memory_space<vmem>> -> memref<1x16x1024xf32, #tpu.memory_space<vmem>>
    %dma_wait3A_290 = tpu.memref_squeeze %dma_wait3A_289 : memref<1x16x1024xf32, #tpu.memory_space<vmem>> -> memref<16x1024xf32, #tpu.memory_space<vmem>>
    tpu.wait_dma2 semaphore(%arg17 : memref<!tpu.dma_semaphore, #tpu.memory_space<semaphore_mem>>) src(%dma_wait3A_290 : memref<16x1024xf32, #tpu.memory_space<vmem>>) dst(%dma_wait3A_286 : memref<16x1024xf32, #tpu.memory_space<hbm>>)
    %dma_start3A_291 = arith.constant 4 : i32
    %dma_start3A_292 = arith.constant 0 : i32
    %dma_start3A_293 = arith.constant 0 : i32
    %dma_start3A_294 = tpu.memref_slice %arg6[%dma_start3A_291, %dma_start3A_292, %dma_start3A_293] : memref<6x16x1024xf32, #tpu.memory_space<vmem>> -> memref<1x16x1024xf32, #tpu.memory_space<vmem>>
    %dma_start3A_295 = tpu.memref_squeeze %dma_start3A_294 : memref<1x16x1024xf32, #tpu.memory_space<vmem>> -> memref<16x1024xf32, #tpu.memory_space<vmem>>
    %dma_start3A_296 = arith.constant 160 : i32
    %dma_start3A_297 = tpu.memref_slice %arg5[%dma_start3A_296] : memref<512xi32, #tpu.memory_space<vmem>> -> memref<16xi32, #tpu.memory_space<vmem>>
    %dma_start3A_298 = arith.constant 0 : i32
    %dma_start3A_299 = arith.constant 0 : i32
    %dma_start3A_300 = tpu.memref_slice %arg3[%dma_start3A_298, %dma_start3A_299] : memref<100000x1024xf32, #tpu.memory_space<hbm>> -> memref<100000x1024xf32, #tpu.memory_space<hbm>>
    tpu.enqueue_indirect_dma source(%dma_start3A_300 : memref<100000x1024xf32, #tpu.memory_space<hbm>>) target(%dma_start3A_295 : memref<16x1024xf32, #tpu.memory_space<vmem>>) offsets(%dma_start3A_297 : memref<16xi32, #tpu.memory_space<vmem>>) semaphore(%arg11 : memref<!tpu.dma_semaphore, #tpu.memory_space<semaphore_mem>>)
    %dma_wait3A_301 = arith.constant 5 : i32
    %dma_wait3A_302 = arith.constant 0 : i32
    %dma_wait3A_303 = arith.constant 0 : i32
    %dma_wait3A_304 = tpu.memref_slice %arg6[%dma_wait3A_301, %dma_wait3A_302, %dma_wait3A_303] : memref<6x16x1024xf32, #tpu.memory_space<vmem>> -> memref<1x16x1024xf32, #tpu.memory_space<vmem>>
    %dma_wait3A_305 = tpu.memref_squeeze %dma_wait3A_304 : memref<1x16x1024xf32, #tpu.memory_space<vmem>> -> memref<16x1024xf32, #tpu.memory_space<vmem>>
    %dma_wait3A_306 = arith.constant 80 : i32
    %dma_wait3A_307 = tpu.memref_slice %arg5[%dma_wait3A_306] : memref<512xi32, #tpu.memory_space<vmem>> -> memref<16xi32, #tpu.memory_space<vmem>>
    %dma_wait3A_308 = arith.constant 0 : i32
    %dma_wait3A_309 = arith.constant 0 : i32
    %dma_wait3A_310 = tpu.memref_slice %arg3[%dma_wait3A_308, %dma_wait3A_309] : memref<100000x1024xf32, #tpu.memory_space<hbm>> -> memref<100000x1024xf32, #tpu.memory_space<hbm>>
    tpu.wait_indirect_dma semaphore(%arg12 : memref<!tpu.dma_semaphore, #tpu.memory_space<semaphore_mem>>) src(%dma_wait3A_310 : memref<100000x1024xf32, #tpu.memory_space<hbm>>) dst(%dma_wait3A_305 : memref<16x1024xf32, #tpu.memory_space<vmem>>)
    %add3A_311 = arith.constant 80 : i32
    %add3A_312 = arith.addi %mul3A_2, %add3A_311 : i32
    %dma_start3A_313 = arith.constant 5 : i32
    %dma_start3A_314 = arith.constant 0 : i32
    %dma_start3A_315 = arith.constant 0 : i32
    %dma_start3A_316 = tpu.memref_slice %arg6[%dma_start3A_313, %dma_start3A_314, %dma_start3A_315] : memref<6x16x1024xf32, #tpu.memory_space<vmem>> -> memref<1x16x1024xf32, #tpu.memory_space<vmem>>
    %dma_start3A_317 = tpu.memref_squeeze %dma_start3A_316 : memref<1x16x1024xf32, #tpu.memory_space<vmem>> -> memref<16x1024xf32, #tpu.memory_space<vmem>>
    %dma_start3A_318 = arith.constant 0 : i32
    %dma_start3A_319 = tpu.memref_slice %arg4[%add3A_312, %dma_start3A_318] : memref<16384x1024xf32, #tpu.memory_space<hbm>> -> memref<16x1024xf32, #tpu.memory_space<hbm>>
    %dma_start3A_320 = arith.constant 0 : i32
    %dma_start3A_321 = tpu.memref_slice %arg4[%add3A_312, %dma_start3A_320] : memref<16384x1024xf32, #tpu.memory_space<hbm>> -> memref<16x1024xf32, #tpu.memory_space<hbm>>
    %dma_start3A_322 = arith.constant 0 : i32
    %dma_start3A_323 = arith.constant 0 : i32
    %dma_start3A_324 = tpu.memref_slice %arg6[%dma_start3A_313, %dma_start3A_322, %dma_start3A_323] : memref<6x16x1024xf32, #tpu.memory_space<vmem>> -> memref<1x16x1024xf32, #tpu.memory_space<vmem>>
    %dma_start3A_325 = tpu.memref_squeeze %dma_start3A_324 : memref<1x16x1024xf32, #tpu.memory_space<vmem>> -> memref<16x1024xf32, #tpu.memory_space<vmem>>
    tpu.enqueue_dma source(%dma_start3A_325 : memref<16x1024xf32, #tpu.memory_space<vmem>>) target(%dma_start3A_321 : memref<16x1024xf32, #tpu.memory_space<hbm>>) target_semaphore(%arg18 : memref<!tpu.dma_semaphore, #tpu.memory_space<semaphore_mem>>)
    %dma_wait3A_326 = arith.constant 5 : i32
    %dma_wait3A_327 = arith.constant 0 : i32
    %dma_wait3A_328 = arith.constant 0 : i32
    %dma_wait3A_329 = tpu.memref_slice %arg6[%dma_wait3A_326, %dma_wait3A_327, %dma_wait3A_328] : memref<6x16x1024xf32, #tpu.memory_space<vmem>> -> memref<1x16x1024xf32, #tpu.memory_space<vmem>>
    %dma_wait3A_330 = tpu.memref_squeeze %dma_wait3A_329 : memref<1x16x1024xf32, #tpu.memory_space<vmem>> -> memref<16x1024xf32, #tpu.memory_space<vmem>>
    %dma_wait3A_331 = arith.constant 0 : i32
    %dma_wait3A_332 = tpu.memref_slice %arg4[%add3A_312, %dma_wait3A_331] : memref<16384x1024xf32, #tpu.memory_space<hbm>> -> memref<16x1024xf32, #tpu.memory_space<hbm>>
    %dma_wait3A_333 = arith.constant 0 : i32
    %dma_wait3A_334 = tpu.memref_slice %arg4[%add3A_312, %dma_wait3A_333] : memref<16384x1024xf32, #tpu.memory_space<hbm>> -> memref<16x1024xf32, #tpu.memory_space<hbm>>
    %dma_wait3A_335 = arith.constant 0 : i32
    %dma_wait3A_336 = arith.constant 0 : i32
    %dma_wait3A_337 = tpu.memref_slice %arg6[%dma_wait3A_326, %dma_wait3A_335, %dma_wait3A_336] : memref<6x16x1024xf32, #tpu.memory_space<vmem>> -> memref<1x16x1024xf32, #tpu.memory_space<vmem>>
    %dma_wait3A_338 = tpu.memref_squeeze %dma_wait3A_337 : memref<1x16x1024xf32, #tpu.memory_space<vmem>> -> memref<16x1024xf32, #tpu.memory_space<vmem>>
    tpu.wait_dma2 semaphore(%arg18 : memref<!tpu.dma_semaphore, #tpu.memory_space<semaphore_mem>>) src(%dma_wait3A_338 : memref<16x1024xf32, #tpu.memory_space<vmem>>) dst(%dma_wait3A_334 : memref<16x1024xf32, #tpu.memory_space<hbm>>)
    %dma_start3A_339 = arith.constant 5 : i32
    %dma_start3A_340 = arith.constant 0 : i32
    %dma_start3A_341 = arith.constant 0 : i32
    %dma_start3A_342 = tpu.memref_slice %arg6[%dma_start3A_339, %dma_start3A_340, %dma_start3A_341] : memref<6x16x1024xf32, #tpu.memory_space<vmem>> -> memref<1x16x1024xf32, #tpu.memory_space<vmem>>
    %dma_start3A_343 = tpu.memref_squeeze %dma_start3A_342 : memref<1x16x1024xf32, #tpu.memory_space<vmem>> -> memref<16x1024xf32, #tpu.memory_space<vmem>>
    %dma_start3A_344 = arith.constant 176 : i32
    %dma_start3A_345 = tpu.memref_slice %arg5[%dma_start3A_344] : memref<512xi32, #tpu.memory_space<vmem>> -> memref<16xi32, #tpu.memory_space<vmem>>
    %dma_start3A_346 = arith.constant 0 : i32
    %dma_start3A_347 = arith.constant 0 : i32
    %dma_start3A_348 = tpu.memref_slice %arg3[%dma_start3A_346, %dma_start3A_347] : memref<100000x1024xf32, #tpu.memory_space<hbm>> -> memref<100000x1024xf32, #tpu.memory_space<hbm>>
    tpu.enqueue_indirect_dma source(%dma_start3A_348 : memref<100000x1024xf32, #tpu.memory_space<hbm>>) target(%dma_start3A_343 : memref<16x1024xf32, #tpu.memory_space<vmem>>) offsets(%dma_start3A_345 : memref<16xi32, #tpu.memory_space<vmem>>) semaphore(%arg12 : memref<!tpu.dma_semaphore, #tpu.memory_space<semaphore_mem>>)
    %dma_wait3A_349 = arith.constant 0 : i32
    %dma_wait3A_350 = arith.constant 0 : i32
    %dma_wait3A_351 = arith.constant 0 : i32
    %dma_wait3A_352 = tpu.memref_slice %arg6[%dma_wait3A_349, %dma_wait3A_350, %dma_wait3A_351] : memref<6x16x1024xf32, #tpu.memory_space<vmem>> -> memref<1x16x1024xf32, #tpu.memory_space<vmem>>
    %dma_wait3A_353 = tpu.memref_squeeze %dma_wait3A_352 : memref<1x16x1024xf32, #tpu.memory_space<vmem>> -> memref<16x1024xf32, #tpu.memory_space<vmem>>
    %dma_wait3A_354 = arith.constant 96 : i32
    %dma_wait3A_355 = tpu.memref_slice %arg5[%dma_wait3A_354] : memref<512xi32, #tpu.memory_space<vmem>> -> memref<16xi32, #tpu.memory_space<vmem>>
    %dma_wait3A_356 = arith.constant 0 : i32
    %dma_wait3A_357 = arith.constant 0 : i32
    %dma_wait3A_358 = tpu.memref_slice %arg3[%dma_wait3A_356, %dma_wait3A_357] : memref<100000x1024xf32, #tpu.memory_space<hbm>> -> memref<100000x1024xf32, #tpu.memory_space<hbm>>
    tpu.wait_indirect_dma semaphore(%arg7 : memref<!tpu.dma_semaphore, #tpu.memory_space<semaphore_mem>>) src(%dma_wait3A_358 : memref<100000x1024xf32, #tpu.memory_space<hbm>>) dst(%dma_wait3A_353 : memref<16x1024xf32, #tpu.memory_space<vmem>>)
    %add3A_359 = arith.constant 96 : i32
    %add3A_360 = arith.addi %mul3A_2, %add3A_359 : i32
    %dma_start3A_361 = arith.constant 0 : i32
    %dma_start3A_362 = arith.constant 0 : i32
    %dma_start3A_363 = arith.constant 0 : i32
    %dma_start3A_364 = tpu.memref_slice %arg6[%dma_start3A_361, %dma_start3A_362, %dma_start3A_363] : memref<6x16x1024xf32, #tpu.memory_space<vmem>> -> memref<1x16x1024xf32, #tpu.memory_space<vmem>>
    %dma_start3A_365 = tpu.memref_squeeze %dma_start3A_364 : memref<1x16x1024xf32, #tpu.memory_space<vmem>> -> memref<16x1024xf32, #tpu.memory_space<vmem>>
    %dma_start3A_366 = arith.constant 0 : i32
    %dma_start3A_367 = tpu.memref_slice %arg4[%add3A_360, %dma_start3A_366] : memref<16384x1024xf32, #tpu.memory_space<hbm>> -> memref<16x1024xf32, #tpu.memory_space<hbm>>
    %dma_start3A_368 = arith.constant 0 : i32
    %dma_start3A_369 = tpu.memref_slice %arg4[%add3A_360, %dma_start3A_368] : memref<16384x1024xf32, #tpu.memory_space<hbm>> -> memref<16x1024xf32, #tpu.memory_space<hbm>>
    %dma_start3A_370 = arith.constant 0 : i32
    %dma_start3A_371 = arith.constant 0 : i32
    %dma_start3A_372 = tpu.memref_slice %arg6[%dma_start3A_361, %dma_start3A_370, %dma_start3A_371] : memref<6x16x1024xf32, #tpu.memory_space<vmem>> -> memref<1x16x1024xf32, #tpu.memory_space<vmem>>
    %dma_start3A_373 = tpu.memref_squeeze %dma_start3A_372 : memref<1x16x1024xf32, #tpu.memory_space<vmem>> -> memref<16x1024xf32, #tpu.memory_space<vmem>>
    tpu.enqueue_dma source(%dma_start3A_373 : memref<16x1024xf32, #tpu.memory_space<vmem>>) target(%dma_start3A_369 : memref<16x1024xf32, #tpu.memory_space<hbm>>) target_semaphore(%arg13 : memref<!tpu.dma_semaphore, #tpu.memory_space<semaphore_mem>>)
    %dma_wait3A_374 = arith.constant 0 : i32
    %dma_wait3A_375 = arith.constant 0 : i32
    %dma_wait3A_376 = arith.constant 0 : i32
    %dma_wait3A_377 = tpu.memref_slice %arg6[%dma_wait3A_374, %dma_wait3A_375, %dma_wait3A_376] : memref<6x16x1024xf32, #tpu.memory_space<vmem>> -> memref<1x16x1024xf32, #tpu.memory_space<vmem>>
    %dma_wait3A_378 = tpu.memref_squeeze %dma_wait3A_377 : memref<1x16x1024xf32, #tpu.memory_space<vmem>> -> memref<16x1024xf32, #tpu.memory_space<vmem>>
    %dma_wait3A_379 = arith.constant 0 : i32
    %dma_wait3A_380 = tpu.memref_slice %arg4[%add3A_360, %dma_wait3A_379] : memref<16384x1024xf32, #tpu.memory_space<hbm>> -> memref<16x1024xf32, #tpu.memory_space<hbm>>
    %dma_wait3A_381 = arith.constant 0 : i32
    %dma_wait3A_382 = tpu.memref_slice %arg4[%add3A_360, %dma_wait3A_381] : memref<16384x1024xf32, #tpu.memory_space<hbm>> -> memref<16x1024xf32, #tpu.memory_space<hbm>>
    %dma_wait3A_383 = arith.constant 0 : i32
    %dma_wait3A_384 = arith.constant 0 : i32
    %dma_wait3A_385 = tpu.memref_slice %arg6[%dma_wait3A_374, %dma_wait3A_383, %dma_wait3A_384] : memref<6x16x1024xf32, #tpu.memory_space<vmem>> -> memref<1x16x1024xf32, #tpu.memory_space<vmem>>
    %dma_wait3A_386 = tpu.memref_squeeze %dma_wait3A_385 : memref<1x16x1024xf32, #tpu.memory_space<vmem>> -> memref<16x1024xf32, #tpu.memory_space<vmem>>
    tpu.wait_dma2 semaphore(%arg13 : memref<!tpu.dma_semaphore, #tpu.memory_space<semaphore_mem>>) src(%dma_wait3A_386 : memref<16x1024xf32, #tpu.memory_space<vmem>>) dst(%dma_wait3A_382 : memref<16x1024xf32, #tpu.memory_space<hbm>>)
    %dma_start3A_387 = arith.constant 0 : i32
    %dma_start3A_388 = arith.constant 0 : i32
    %dma_start3A_389 = arith.constant 0 : i32
    %dma_start3A_390 = tpu.memref_slice %arg6[%dma_start3A_387, %dma_start3A_388, %dma_start3A_389] : memref<6x16x1024xf32, #tpu.memory_space<vmem>> -> memref<1x16x1024xf32, #tpu.memory_space<vmem>>
    %dma_start3A_391 = tpu.memref_squeeze %dma_start3A_390 : memref<1x16x1024xf32, #tpu.memory_space<vmem>> -> memref<16x1024xf32, #tpu.memory_space<vmem>>
    %dma_start3A_392 = arith.constant 192 : i32
    %dma_start3A_393 = tpu.memref_slice %arg5[%dma_start3A_392] : memref<512xi32, #tpu.memory_space<vmem>> -> memref<16xi32, #tpu.memory_space<vmem>>
    %dma_start3A_394 = arith.constant 0 : i32
    %dma_start3A_395 = arith.constant 0 : i32
    %dma_start3A_396 = tpu.memref_slice %arg3[%dma_start3A_394, %dma_start3A_395] : memref<100000x1024xf32, #tpu.memory_space<hbm>> -> memref<100000x1024xf32, #tpu.memory_space<hbm>>
    tpu.enqueue_indirect_dma source(%dma_start3A_396 : memref<100000x1024xf32, #tpu.memory_space<hbm>>) target(%dma_start3A_391 : memref<16x1024xf32, #tpu.memory_space<vmem>>) offsets(%dma_start3A_393 : memref<16xi32, #tpu.memory_space<vmem>>) semaphore(%arg7 : memref<!tpu.dma_semaphore, #tpu.memory_space<semaphore_mem>>)
    %dma_wait3A_397 = arith.constant 1 : i32
    %dma_wait3A_398 = arith.constant 0 : i32
    %dma_wait3A_399 = arith.constant 0 : i32
    %dma_wait3A_400 = tpu.memref_slice %arg6[%dma_wait3A_397, %dma_wait3A_398, %dma_wait3A_399] : memref<6x16x1024xf32, #tpu.memory_space<vmem>> -> memref<1x16x1024xf32, #tpu.memory_space<vmem>>
    %dma_wait3A_401 = tpu.memref_squeeze %dma_wait3A_400 : memref<1x16x1024xf32, #tpu.memory_space<vmem>> -> memref<16x1024xf32, #tpu.memory_space<vmem>>
    %dma_wait3A_402 = arith.constant 112 : i32
    %dma_wait3A_403 = tpu.memref_slice %arg5[%dma_wait3A_402] : memref<512xi32, #tpu.memory_space<vmem>> -> memref<16xi32, #tpu.memory_space<vmem>>
    %dma_wait3A_404 = arith.constant 0 : i32
    %dma_wait3A_405 = arith.constant 0 : i32
    %dma_wait3A_406 = tpu.memref_slice %arg3[%dma_wait3A_404, %dma_wait3A_405] : memref<100000x1024xf32, #tpu.memory_space<hbm>> -> memref<100000x1024xf32, #tpu.memory_space<hbm>>
    tpu.wait_indirect_dma semaphore(%arg8 : memref<!tpu.dma_semaphore, #tpu.memory_space<semaphore_mem>>) src(%dma_wait3A_406 : memref<100000x1024xf32, #tpu.memory_space<hbm>>) dst(%dma_wait3A_401 : memref<16x1024xf32, #tpu.memory_space<vmem>>)
    %add3A_407 = arith.constant 112 : i32
    %add3A_408 = arith.addi %mul3A_2, %add3A_407 : i32
    %dma_start3A_409 = arith.constant 1 : i32
    %dma_start3A_410 = arith.constant 0 : i32
    %dma_start3A_411 = arith.constant 0 : i32
    %dma_start3A_412 = tpu.memref_slice %arg6[%dma_start3A_409, %dma_start3A_410, %dma_start3A_411] : memref<6x16x1024xf32, #tpu.memory_space<vmem>> -> memref<1x16x1024xf32, #tpu.memory_space<vmem>>
    %dma_start3A_413 = tpu.memref_squeeze %dma_start3A_412 : memref<1x16x1024xf32, #tpu.memory_space<vmem>> -> memref<16x1024xf32, #tpu.memory_space<vmem>>
    %dma_start3A_414 = arith.constant 0 : i32
    %dma_start3A_415 = tpu.memref_slice %arg4[%add3A_408, %dma_start3A_414] : memref<16384x1024xf32, #tpu.memory_space<hbm>> -> memref<16x1024xf32, #tpu.memory_space<hbm>>
    %dma_start3A_416 = arith.constant 0 : i32
    %dma_start3A_417 = tpu.memref_slice %arg4[%add3A_408, %dma_start3A_416] : memref<16384x1024xf32, #tpu.memory_space<hbm>> -> memref<16x1024xf32, #tpu.memory_space<hbm>>
    %dma_start3A_418 = arith.constant 0 : i32
    %dma_start3A_419 = arith.constant 0 : i32
    %dma_start3A_420 = tpu.memref_slice %arg6[%dma_start3A_409, %dma_start3A_418, %dma_start3A_419] : memref<6x16x1024xf32, #tpu.memory_space<vmem>> -> memref<1x16x1024xf32, #tpu.memory_space<vmem>>
    %dma_start3A_421 = tpu.memref_squeeze %dma_start3A_420 : memref<1x16x1024xf32, #tpu.memory_space<vmem>> -> memref<16x1024xf32, #tpu.memory_space<vmem>>
    tpu.enqueue_dma source(%dma_start3A_421 : memref<16x1024xf32, #tpu.memory_space<vmem>>) target(%dma_start3A_417 : memref<16x1024xf32, #tpu.memory_space<hbm>>) target_semaphore(%arg14 : memref<!tpu.dma_semaphore, #tpu.memory_space<semaphore_mem>>)
    %dma_wait3A_422 = arith.constant 1 : i32
    %dma_wait3A_423 = arith.constant 0 : i32
    %dma_wait3A_424 = arith.constant 0 : i32
    %dma_wait3A_425 = tpu.memref_slice %arg6[%dma_wait3A_422, %dma_wait3A_423, %dma_wait3A_424] : memref<6x16x1024xf32, #tpu.memory_space<vmem>> -> memref<1x16x1024xf32, #tpu.memory_space<vmem>>
    %dma_wait3A_426 = tpu.memref_squeeze %dma_wait3A_425 : memref<1x16x1024xf32, #tpu.memory_space<vmem>> -> memref<16x1024xf32, #tpu.memory_space<vmem>>
    %dma_wait3A_427 = arith.constant 0 : i32
    %dma_wait3A_428 = tpu.memref_slice %arg4[%add3A_408, %dma_wait3A_427] : memref<16384x1024xf32, #tpu.memory_space<hbm>> -> memref<16x1024xf32, #tpu.memory_space<hbm>>
    %dma_wait3A_429 = arith.constant 0 : i32
    %dma_wait3A_430 = tpu.memref_slice %arg4[%add3A_408, %dma_wait3A_429] : memref<16384x1024xf32, #tpu.memory_space<hbm>> -> memref<16x1024xf32, #tpu.memory_space<hbm>>
    %dma_wait3A_431 = arith.constant 0 : i32
    %dma_wait3A_432 = arith.constant 0 : i32
    %dma_wait3A_433 = tpu.memref_slice %arg6[%dma_wait3A_422, %dma_wait3A_431, %dma_wait3A_432] : memref<6x16x1024xf32, #tpu.memory_space<vmem>> -> memref<1x16x1024xf32, #tpu.memory_space<vmem>>
    %dma_wait3A_434 = tpu.memref_squeeze %dma_wait3A_433 : memref<1x16x1024xf32, #tpu.memory_space<vmem>> -> memref<16x1024xf32, #tpu.memory_space<vmem>>
    tpu.wait_dma2 semaphore(%arg14 : memref<!tpu.dma_semaphore, #tpu.memory_space<semaphore_mem>>) src(%dma_wait3A_434 : memref<16x1024xf32, #tpu.memory_space<vmem>>) dst(%dma_wait3A_430 : memref<16x1024xf32, #tpu.memory_space<hbm>>)
    %dma_start3A_435 = arith.constant 1 : i32
    %dma_start3A_436 = arith.constant 0 : i32
    %dma_start3A_437 = arith.constant 0 : i32
    %dma_start3A_438 = tpu.memref_slice %arg6[%dma_start3A_435, %dma_start3A_436, %dma_start3A_437] : memref<6x16x1024xf32, #tpu.memory_space<vmem>> -> memref<1x16x1024xf32, #tpu.memory_space<vmem>>
    %dma_start3A_439 = tpu.memref_squeeze %dma_start3A_438 : memref<1x16x1024xf32, #tpu.memory_space<vmem>> -> memref<16x1024xf32, #tpu.memory_space<vmem>>
    %dma_start3A_440 = arith.constant 208 : i32
    %dma_start3A_441 = tpu.memref_slice %arg5[%dma_start3A_440] : memref<512xi32, #tpu.memory_space<vmem>> -> memref<16xi32, #tpu.memory_space<vmem>>
    %dma_start3A_442 = arith.constant 0 : i32
    %dma_start3A_443 = arith.constant 0 : i32
    %dma_start3A_444 = tpu.memref_slice %arg3[%dma_start3A_442, %dma_start3A_443] : memref<100000x1024xf32, #tpu.memory_space<hbm>> -> memref<100000x1024xf32, #tpu.memory_space<hbm>>
    tpu.enqueue_indirect_dma source(%dma_start3A_444 : memref<100000x1024xf32, #tpu.memory_space<hbm>>) target(%dma_start3A_439 : memref<16x1024xf32, #tpu.memory_space<vmem>>) offsets(%dma_start3A_441 : memref<16xi32, #tpu.memory_space<vmem>>) semaphore(%arg8 : memref<!tpu.dma_semaphore, #tpu.memory_space<semaphore_mem>>)
    %dma_wait3A_445 = arith.constant 2 : i32
    %dma_wait3A_446 = arith.constant 0 : i32
    %dma_wait3A_447 = arith.constant 0 : i32
    %dma_wait3A_448 = tpu.memref_slice %arg6[%dma_wait3A_445, %dma_wait3A_446, %dma_wait3A_447] : memref<6x16x1024xf32, #tpu.memory_space<vmem>> -> memref<1x16x1024xf32, #tpu.memory_space<vmem>>
    %dma_wait3A_449 = tpu.memref_squeeze %dma_wait3A_448 : memref<1x16x1024xf32, #tpu.memory_space<vmem>> -> memref<16x1024xf32, #tpu.memory_space<vmem>>
    %dma_wait3A_450 = arith.constant 128 : i32
    %dma_wait3A_451 = tpu.memref_slice %arg5[%dma_wait3A_450] : memref<512xi32, #tpu.memory_space<vmem>> -> memref<16xi32, #tpu.memory_space<vmem>>
    %dma_wait3A_452 = arith.constant 0 : i32
    %dma_wait3A_453 = arith.constant 0 : i32
    %dma_wait3A_454 = tpu.memref_slice %arg3[%dma_wait3A_452, %dma_wait3A_453] : memref<100000x1024xf32, #tpu.memory_space<hbm>> -> memref<100000x1024xf32, #tpu.memory_space<hbm>>
    tpu.wait_indirect_dma semaphore(%arg9 : memref<!tpu.dma_semaphore, #tpu.memory_space<semaphore_mem>>) src(%dma_wait3A_454 : memref<100000x1024xf32, #tpu.memory_space<hbm>>) dst(%dma_wait3A_449 : memref<16x1024xf32, #tpu.memory_space<vmem>>)
    %add3A_455 = arith.constant 128 : i32
    %add3A_456 = arith.addi %mul3A_2, %add3A_455 : i32
    %dma_start3A_457 = arith.constant 2 : i32
    %dma_start3A_458 = arith.constant 0 : i32
    %dma_start3A_459 = arith.constant 0 : i32
    %dma_start3A_460 = tpu.memref_slice %arg6[%dma_start3A_457, %dma_start3A_458, %dma_start3A_459] : memref<6x16x1024xf32, #tpu.memory_space<vmem>> -> memref<1x16x1024xf32, #tpu.memory_space<vmem>>
    %dma_start3A_461 = tpu.memref_squeeze %dma_start3A_460 : memref<1x16x1024xf32, #tpu.memory_space<vmem>> -> memref<16x1024xf32, #tpu.memory_space<vmem>>
    %dma_start3A_462 = arith.constant 0 : i32
    %dma_start3A_463 = tpu.memref_slice %arg4[%add3A_456, %dma_start3A_462] : memref<16384x1024xf32, #tpu.memory_space<hbm>> -> memref<16x1024xf32, #tpu.memory_space<hbm>>
    %dma_start3A_464 = arith.constant 0 : i32
    %dma_start3A_465 = tpu.memref_slice %arg4[%add3A_456, %dma_start3A_464] : memref<16384x1024xf32, #tpu.memory_space<hbm>> -> memref<16x1024xf32, #tpu.memory_space<hbm>>
    %dma_start3A_466 = arith.constant 0 : i32
    %dma_start3A_467 = arith.constant 0 : i32
    %dma_start3A_468 = tpu.memref_slice %arg6[%dma_start3A_457, %dma_start3A_466, %dma_start3A_467] : memref<6x16x1024xf32, #tpu.memory_space<vmem>> -> memref<1x16x1024xf32, #tpu.memory_space<vmem>>
    %dma_start3A_469 = tpu.memref_squeeze %dma_start3A_468 : memref<1x16x1024xf32, #tpu.memory_space<vmem>> -> memref<16x1024xf32, #tpu.memory_space<vmem>>
    tpu.enqueue_dma source(%dma_start3A_469 : memref<16x1024xf32, #tpu.memory_space<vmem>>) target(%dma_start3A_465 : memref<16x1024xf32, #tpu.memory_space<hbm>>) target_semaphore(%arg15 : memref<!tpu.dma_semaphore, #tpu.memory_space<semaphore_mem>>)
    %dma_wait3A_470 = arith.constant 2 : i32
    %dma_wait3A_471 = arith.constant 0 : i32
    %dma_wait3A_472 = arith.constant 0 : i32
    %dma_wait3A_473 = tpu.memref_slice %arg6[%dma_wait3A_470, %dma_wait3A_471, %dma_wait3A_472] : memref<6x16x1024xf32, #tpu.memory_space<vmem>> -> memref<1x16x1024xf32, #tpu.memory_space<vmem>>
    %dma_wait3A_474 = tpu.memref_squeeze %dma_wait3A_473 : memref<1x16x1024xf32, #tpu.memory_space<vmem>> -> memref<16x1024xf32, #tpu.memory_space<vmem>>
    %dma_wait3A_475 = arith.constant 0 : i32
    %dma_wait3A_476 = tpu.memref_slice %arg4[%add3A_456, %dma_wait3A_475] : memref<16384x1024xf32, #tpu.memory_space<hbm>> -> memref<16x1024xf32, #tpu.memory_space<hbm>>
    %dma_wait3A_477 = arith.constant 0 : i32
    %dma_wait3A_478 = tpu.memref_slice %arg4[%add3A_456, %dma_wait3A_477] : memref<16384x1024xf32, #tpu.memory_space<hbm>> -> memref<16x1024xf32, #tpu.memory_space<hbm>>
    %dma_wait3A_479 = arith.constant 0 : i32
    %dma_wait3A_480 = arith.constant 0 : i32
    %dma_wait3A_481 = tpu.memref_slice %arg6[%dma_wait3A_470, %dma_wait3A_479, %dma_wait3A_480] : memref<6x16x1024xf32, #tpu.memory_space<vmem>> -> memref<1x16x1024xf32, #tpu.memory_space<vmem>>
    %dma_wait3A_482 = tpu.memref_squeeze %dma_wait3A_481 : memref<1x16x1024xf32, #tpu.memory_space<vmem>> -> memref<16x1024xf32, #tpu.memory_space<vmem>>
    tpu.wait_dma2 semaphore(%arg15 : memref<!tpu.dma_semaphore, #tpu.memory_space<semaphore_mem>>) src(%dma_wait3A_482 : memref<16x1024xf32, #tpu.memory_space<vmem>>) dst(%dma_wait3A_478 : memref<16x1024xf32, #tpu.memory_space<hbm>>)
    %dma_start3A_483 = arith.constant 2 : i32
    %dma_start3A_484 = arith.constant 0 : i32
    %dma_start3A_485 = arith.constant 0 : i32
    %dma_start3A_486 = tpu.memref_slice %arg6[%dma_start3A_483, %dma_start3A_484, %dma_start3A_485] : memref<6x16x1024xf32, #tpu.memory_space<vmem>> -> memref<1x16x1024xf32, #tpu.memory_space<vmem>>
    %dma_start3A_487 = tpu.memref_squeeze %dma_start3A_486 : memref<1x16x1024xf32, #tpu.memory_space<vmem>> -> memref<16x1024xf32, #tpu.memory_space<vmem>>
    %dma_start3A_488 = arith.constant 224 : i32
    %dma_start3A_489 = tpu.memref_slice %arg5[%dma_start3A_488] : memref<512xi32, #tpu.memory_space<vmem>> -> memref<16xi32, #tpu.memory_space<vmem>>
    %dma_start3A_490 = arith.constant 0 : i32
    %dma_start3A_491 = arith.constant 0 : i32
    %dma_start3A_492 = tpu.memref_slice %arg3[%dma_start3A_490, %dma_start3A_491] : memref<100000x1024xf32, #tpu.memory_space<hbm>> -> memref<100000x1024xf32, #tpu.memory_space<hbm>>
    tpu.enqueue_indirect_dma source(%dma_start3A_492 : memref<100000x1024xf32, #tpu.memory_space<hbm>>) target(%dma_start3A_487 : memref<16x1024xf32, #tpu.memory_space<vmem>>) offsets(%dma_start3A_489 : memref<16xi32, #tpu.memory_space<vmem>>) semaphore(%arg9 : memref<!tpu.dma_semaphore, #tpu.memory_space<semaphore_mem>>)
    %dma_wait3A_493 = arith.constant 3 : i32
    %dma_wait3A_494 = arith.constant 0 : i32
    %dma_wait3A_495 = arith.constant 0 : i32
    %dma_wait3A_496 = tpu.memref_slice %arg6[%dma_wait3A_493, %dma_wait3A_494, %dma_wait3A_495] : memref<6x16x1024xf32, #tpu.memory_space<vmem>> -> memref<1x16x1024xf32, #tpu.memory_space<vmem>>
    %dma_wait3A_497 = tpu.memref_squeeze %dma_wait3A_496 : memref<1x16x1024xf32, #tpu.memory_space<vmem>> -> memref<16x1024xf32, #tpu.memory_space<vmem>>
    %dma_wait3A_498 = arith.constant 144 : i32
    %dma_wait3A_499 = tpu.memref_slice %arg5[%dma_wait3A_498] : memref<512xi32, #tpu.memory_space<vmem>> -> memref<16xi32, #tpu.memory_space<vmem>>
    %dma_wait3A_500 = arith.constant 0 : i32
    %dma_wait3A_501 = arith.constant 0 : i32
    %dma_wait3A_502 = tpu.memref_slice %arg3[%dma_wait3A_500, %dma_wait3A_501] : memref<100000x1024xf32, #tpu.memory_space<hbm>> -> memref<100000x1024xf32, #tpu.memory_space<hbm>>
    tpu.wait_indirect_dma semaphore(%arg10 : memref<!tpu.dma_semaphore, #tpu.memory_space<semaphore_mem>>) src(%dma_wait3A_502 : memref<100000x1024xf32, #tpu.memory_space<hbm>>) dst(%dma_wait3A_497 : memref<16x1024xf32, #tpu.memory_space<vmem>>)
    %add3A_503 = arith.constant 144 : i32
    %add3A_504 = arith.addi %mul3A_2, %add3A_503 : i32
    %dma_start3A_505 = arith.constant 3 : i32
    %dma_start3A_506 = arith.constant 0 : i32
    %dma_start3A_507 = arith.constant 0 : i32
    %dma_start3A_508 = tpu.memref_slice %arg6[%dma_start3A_505, %dma_start3A_506, %dma_start3A_507] : memref<6x16x1024xf32, #tpu.memory_space<vmem>> -> memref<1x16x1024xf32, #tpu.memory_space<vmem>>
    %dma_start3A_509 = tpu.memref_squeeze %dma_start3A_508 : memref<1x16x1024xf32, #tpu.memory_space<vmem>> -> memref<16x1024xf32, #tpu.memory_space<vmem>>
    %dma_start3A_510 = arith.constant 0 : i32
    %dma_start3A_511 = tpu.memref_slice %arg4[%add3A_504, %dma_start3A_510] : memref<16384x1024xf32, #tpu.memory_space<hbm>> -> memref<16x1024xf32, #tpu.memory_space<hbm>>
    %dma_start3A_512 = arith.constant 0 : i32
    %dma_start3A_513 = tpu.memref_slice %arg4[%add3A_504, %dma_start3A_512] : memref<16384x1024xf32, #tpu.memory_space<hbm>> -> memref<16x1024xf32, #tpu.memory_space<hbm>>
    %dma_start3A_514 = arith.constant 0 : i32
    %dma_start3A_515 = arith.constant 0 : i32
    %dma_start3A_516 = tpu.memref_slice %arg6[%dma_start3A_505, %dma_start3A_514, %dma_start3A_515] : memref<6x16x1024xf32, #tpu.memory_space<vmem>> -> memref<1x16x1024xf32, #tpu.memory_space<vmem>>
    %dma_start3A_517 = tpu.memref_squeeze %dma_start3A_516 : memref<1x16x1024xf32, #tpu.memory_space<vmem>> -> memref<16x1024xf32, #tpu.memory_space<vmem>>
    tpu.enqueue_dma source(%dma_start3A_517 : memref<16x1024xf32, #tpu.memory_space<vmem>>) target(%dma_start3A_513 : memref<16x1024xf32, #tpu.memory_space<hbm>>) target_semaphore(%arg16 : memref<!tpu.dma_semaphore, #tpu.memory_space<semaphore_mem>>)
    %dma_wait3A_518 = arith.constant 3 : i32
    %dma_wait3A_519 = arith.constant 0 : i32
    %dma_wait3A_520 = arith.constant 0 : i32
    %dma_wait3A_521 = tpu.memref_slice %arg6[%dma_wait3A_518, %dma_wait3A_519, %dma_wait3A_520] : memref<6x16x1024xf32, #tpu.memory_space<vmem>> -> memref<1x16x1024xf32, #tpu.memory_space<vmem>>
    %dma_wait3A_522 = tpu.memref_squeeze %dma_wait3A_521 : memref<1x16x1024xf32, #tpu.memory_space<vmem>> -> memref<16x1024xf32, #tpu.memory_space<vmem>>
    %dma_wait3A_523 = arith.constant 0 : i32
    %dma_wait3A_524 = tpu.memref_slice %arg4[%add3A_504, %dma_wait3A_523] : memref<16384x1024xf32, #tpu.memory_space<hbm>> -> memref<16x1024xf32, #tpu.memory_space<hbm>>
    %dma_wait3A_525 = arith.constant 0 : i32
    %dma_wait3A_526 = tpu.memref_slice %arg4[%add3A_504, %dma_wait3A_525] : memref<16384x1024xf32, #tpu.memory_space<hbm>> -> memref<16x1024xf32, #tpu.memory_space<hbm>>
    %dma_wait3A_527 = arith.constant 0 : i32
    %dma_wait3A_528 = arith.constant 0 : i32
    %dma_wait3A_529 = tpu.memref_slice %arg6[%dma_wait3A_518, %dma_wait3A_527, %dma_wait3A_528] : memref<6x16x1024xf32, #tpu.memory_space<vmem>> -> memref<1x16x1024xf32, #tpu.memory_space<vmem>>
    %dma_wait3A_530 = tpu.memref_squeeze %dma_wait3A_529 : memref<1x16x1024xf32, #tpu.memory_space<vmem>> -> memref<16x1024xf32, #tpu.memory_space<vmem>>
    tpu.wait_dma2 semaphore(%arg16 : memref<!tpu.dma_semaphore, #tpu.memory_space<semaphore_mem>>) src(%dma_wait3A_530 : memref<16x1024xf32, #tpu.memory_space<vmem>>) dst(%dma_wait3A_526 : memref<16x1024xf32, #tpu.memory_space<hbm>>)
    %dma_start3A_531 = arith.constant 3 : i32
    %dma_start3A_532 = arith.constant 0 : i32
    %dma_start3A_533 = arith.constant 0 : i32
    %dma_start3A_534 = tpu.memref_slice %arg6[%dma_start3A_531, %dma_start3A_532, %dma_start3A_533] : memref<6x16x1024xf32, #tpu.memory_space<vmem>> -> memref<1x16x1024xf32, #tpu.memory_space<vmem>>
    %dma_start3A_535 = tpu.memref_squeeze %dma_start3A_534 : memref<1x16x1024xf32, #tpu.memory_space<vmem>> -> memref<16x1024xf32, #tpu.memory_space<vmem>>
    %dma_start3A_536 = arith.constant 240 : i32
    %dma_start3A_537 = tpu.memref_slice %arg5[%dma_start3A_536] : memref<512xi32, #tpu.memory_space<vmem>> -> memref<16xi32, #tpu.memory_space<vmem>>
    %dma_start3A_538 = arith.constant 0 : i32
    %dma_start3A_539 = arith.constant 0 : i32
    %dma_start3A_540 = tpu.memref_slice %arg3[%dma_start3A_538, %dma_start3A_539] : memref<100000x1024xf32, #tpu.memory_space<hbm>> -> memref<100000x1024xf32, #tpu.memory_space<hbm>>
    tpu.enqueue_indirect_dma source(%dma_start3A_540 : memref<100000x1024xf32, #tpu.memory_space<hbm>>) target(%dma_start3A_535 : memref<16x1024xf32, #tpu.memory_space<vmem>>) offsets(%dma_start3A_537 : memref<16xi32, #tpu.memory_space<vmem>>) semaphore(%arg10 : memref<!tpu.dma_semaphore, #tpu.memory_space<semaphore_mem>>)
    %dma_wait3A_541 = arith.constant 4 : i32
    %dma_wait3A_542 = arith.constant 0 : i32
    %dma_wait3A_543 = arith.constant 0 : i32
    %dma_wait3A_544 = tpu.memref_slice %arg6[%dma_wait3A_541, %dma_wait3A_542, %dma_wait3A_543] : memref<6x16x1024xf32, #tpu.memory_space<vmem>> -> memref<1x16x1024xf32, #tpu.memory_space<vmem>>
    %dma_wait3A_545 = tpu.memref_squeeze %dma_wait3A_544 : memref<1x16x1024xf32, #tpu.memory_space<vmem>> -> memref<16x1024xf32, #tpu.memory_space<vmem>>
    %dma_wait3A_546 = arith.constant 160 : i32
    %dma_wait3A_547 = tpu.memref_slice %arg5[%dma_wait3A_546] : memref<512xi32, #tpu.memory_space<vmem>> -> memref<16xi32, #tpu.memory_space<vmem>>
    %dma_wait3A_548 = arith.constant 0 : i32
    %dma_wait3A_549 = arith.constant 0 : i32
    %dma_wait3A_550 = tpu.memref_slice %arg3[%dma_wait3A_548, %dma_wait3A_549] : memref<100000x1024xf32, #tpu.memory_space<hbm>> -> memref<100000x1024xf32, #tpu.memory_space<hbm>>
    tpu.wait_indirect_dma semaphore(%arg11 : memref<!tpu.dma_semaphore, #tpu.memory_space<semaphore_mem>>) src(%dma_wait3A_550 : memref<100000x1024xf32, #tpu.memory_space<hbm>>) dst(%dma_wait3A_545 : memref<16x1024xf32, #tpu.memory_space<vmem>>)
    %add3A_551 = arith.constant 160 : i32
    %add3A_552 = arith.addi %mul3A_2, %add3A_551 : i32
    %dma_start3A_553 = arith.constant 4 : i32
    %dma_start3A_554 = arith.constant 0 : i32
    %dma_start3A_555 = arith.constant 0 : i32
    %dma_start3A_556 = tpu.memref_slice %arg6[%dma_start3A_553, %dma_start3A_554, %dma_start3A_555] : memref<6x16x1024xf32, #tpu.memory_space<vmem>> -> memref<1x16x1024xf32, #tpu.memory_space<vmem>>
    %dma_start3A_557 = tpu.memref_squeeze %dma_start3A_556 : memref<1x16x1024xf32, #tpu.memory_space<vmem>> -> memref<16x1024xf32, #tpu.memory_space<vmem>>
    %dma_start3A_558 = arith.constant 0 : i32
    %dma_start3A_559 = tpu.memref_slice %arg4[%add3A_552, %dma_start3A_558] : memref<16384x1024xf32, #tpu.memory_space<hbm>> -> memref<16x1024xf32, #tpu.memory_space<hbm>>
    %dma_start3A_560 = arith.constant 0 : i32
    %dma_start3A_561 = tpu.memref_slice %arg4[%add3A_552, %dma_start3A_560] : memref<16384x1024xf32, #tpu.memory_space<hbm>> -> memref<16x1024xf32, #tpu.memory_space<hbm>>
    %dma_start3A_562 = arith.constant 0 : i32
    %dma_start3A_563 = arith.constant 0 : i32
    %dma_start3A_564 = tpu.memref_slice %arg6[%dma_start3A_553, %dma_start3A_562, %dma_start3A_563] : memref<6x16x1024xf32, #tpu.memory_space<vmem>> -> memref<1x16x1024xf32, #tpu.memory_space<vmem>>
    %dma_start3A_565 = tpu.memref_squeeze %dma_start3A_564 : memref<1x16x1024xf32, #tpu.memory_space<vmem>> -> memref<16x1024xf32, #tpu.memory_space<vmem>>
    tpu.enqueue_dma source(%dma_start3A_565 : memref<16x1024xf32, #tpu.memory_space<vmem>>) target(%dma_start3A_561 : memref<16x1024xf32, #tpu.memory_space<hbm>>) target_semaphore(%arg17 : memref<!tpu.dma_semaphore, #tpu.memory_space<semaphore_mem>>)
    %dma_wait3A_566 = arith.constant 4 : i32
    %dma_wait3A_567 = arith.constant 0 : i32
    %dma_wait3A_568 = arith.constant 0 : i32
    %dma_wait3A_569 = tpu.memref_slice %arg6[%dma_wait3A_566, %dma_wait3A_567, %dma_wait3A_568] : memref<6x16x1024xf32, #tpu.memory_space<vmem>> -> memref<1x16x1024xf32, #tpu.memory_space<vmem>>
    %dma_wait3A_570 = tpu.memref_squeeze %dma_wait3A_569 : memref<1x16x1024xf32, #tpu.memory_space<vmem>> -> memref<16x1024xf32, #tpu.memory_space<vmem>>
    %dma_wait3A_571 = arith.constant 0 : i32
    %dma_wait3A_572 = tpu.memref_slice %arg4[%add3A_552, %dma_wait3A_571] : memref<16384x1024xf32, #tpu.memory_space<hbm>> -> memref<16x1024xf32, #tpu.memory_space<hbm>>
    %dma_wait3A_573 = arith.constant 0 : i32
    %dma_wait3A_574 = tpu.memref_slice %arg4[%add3A_552, %dma_wait3A_573] : memref<16384x1024xf32, #tpu.memory_space<hbm>> -> memref<16x1024xf32, #tpu.memory_space<hbm>>
    %dma_wait3A_575 = arith.constant 0 : i32
    %dma_wait3A_576 = arith.constant 0 : i32
    %dma_wait3A_577 = tpu.memref_slice %arg6[%dma_wait3A_566, %dma_wait3A_575, %dma_wait3A_576] : memref<6x16x1024xf32, #tpu.memory_space<vmem>> -> memref<1x16x1024xf32, #tpu.memory_space<vmem>>
    %dma_wait3A_578 = tpu.memref_squeeze %dma_wait3A_577 : memref<1x16x1024xf32, #tpu.memory_space<vmem>> -> memref<16x1024xf32, #tpu.memory_space<vmem>>
    tpu.wait_dma2 semaphore(%arg17 : memref<!tpu.dma_semaphore, #tpu.memory_space<semaphore_mem>>) src(%dma_wait3A_578 : memref<16x1024xf32, #tpu.memory_space<vmem>>) dst(%dma_wait3A_574 : memref<16x1024xf32, #tpu.memory_space<hbm>>)
    %dma_start3A_579 = arith.constant 4 : i32
    %dma_start3A_580 = arith.constant 0 : i32
    %dma_start3A_581 = arith.constant 0 : i32
    %dma_start3A_582 = tpu.memref_slice %arg6[%dma_start3A_579, %dma_start3A_580, %dma_start3A_581] : memref<6x16x1024xf32, #tpu.memory_space<vmem>> -> memref<1x16x1024xf32, #tpu.memory_space<vmem>>
    %dma_start3A_583 = tpu.memref_squeeze %dma_start3A_582 : memref<1x16x1024xf32, #tpu.memory_space<vmem>> -> memref<16x1024xf32, #tpu.memory_space<vmem>>
    %dma_start3A_584 = arith.constant 256 : i32
    %dma_start3A_585 = tpu.memref_slice %arg5[%dma_start3A_584] : memref<512xi32, #tpu.memory_space<vmem>> -> memref<16xi32, #tpu.memory_space<vmem>>
    %dma_start3A_586 = arith.constant 0 : i32
    %dma_start3A_587 = arith.constant 0 : i32
    %dma_start3A_588 = tpu.memref_slice %arg3[%dma_start3A_586, %dma_start3A_587] : memref<100000x1024xf32, #tpu.memory_space<hbm>> -> memref<100000x1024xf32, #tpu.memory_space<hbm>>
    tpu.enqueue_indirect_dma source(%dma_start3A_588 : memref<100000x1024xf32, #tpu.memory_space<hbm>>) target(%dma_start3A_583 : memref<16x1024xf32, #tpu.memory_space<vmem>>) offsets(%dma_start3A_585 : memref<16xi32, #tpu.memory_space<vmem>>) semaphore(%arg11 : memref<!tpu.dma_semaphore, #tpu.memory_space<semaphore_mem>>)
    %dma_wait3A_589 = arith.constant 5 : i32
    %dma_wait3A_590 = arith.constant 0 : i32
    %dma_wait3A_591 = arith.constant 0 : i32
    %dma_wait3A_592 = tpu.memref_slice %arg6[%dma_wait3A_589, %dma_wait3A_590, %dma_wait3A_591] : memref<6x16x1024xf32, #tpu.memory_space<vmem>> -> memref<1x16x1024xf32, #tpu.memory_space<vmem>>
    %dma_wait3A_593 = tpu.memref_squeeze %dma_wait3A_592 : memref<1x16x1024xf32, #tpu.memory_space<vmem>> -> memref<16x1024xf32, #tpu.memory_space<vmem>>
    %dma_wait3A_594 = arith.constant 176 : i32
    %dma_wait3A_595 = tpu.memref_slice %arg5[%dma_wait3A_594] : memref<512xi32, #tpu.memory_space<vmem>> -> memref<16xi32, #tpu.memory_space<vmem>>
    %dma_wait3A_596 = arith.constant 0 : i32
    %dma_wait3A_597 = arith.constant 0 : i32
    %dma_wait3A_598 = tpu.memref_slice %arg3[%dma_wait3A_596, %dma_wait3A_597] : memref<100000x1024xf32, #tpu.memory_space<hbm>> -> memref<100000x1024xf32, #tpu.memory_space<hbm>>
    tpu.wait_indirect_dma semaphore(%arg12 : memref<!tpu.dma_semaphore, #tpu.memory_space<semaphore_mem>>) src(%dma_wait3A_598 : memref<100000x1024xf32, #tpu.memory_space<hbm>>) dst(%dma_wait3A_593 : memref<16x1024xf32, #tpu.memory_space<vmem>>)
    %add3A_599 = arith.constant 176 : i32
    %add3A_600 = arith.addi %mul3A_2, %add3A_599 : i32
    %dma_start3A_601 = arith.constant 5 : i32
    %dma_start3A_602 = arith.constant 0 : i32
    %dma_start3A_603 = arith.constant 0 : i32
    %dma_start3A_604 = tpu.memref_slice %arg6[%dma_start3A_601, %dma_start3A_602, %dma_start3A_603] : memref<6x16x1024xf32, #tpu.memory_space<vmem>> -> memref<1x16x1024xf32, #tpu.memory_space<vmem>>
    %dma_start3A_605 = tpu.memref_squeeze %dma_start3A_604 : memref<1x16x1024xf32, #tpu.memory_space<vmem>> -> memref<16x1024xf32, #tpu.memory_space<vmem>>
    %dma_start3A_606 = arith.constant 0 : i32
    %dma_start3A_607 = tpu.memref_slice %arg4[%add3A_600, %dma_start3A_606] : memref<16384x1024xf32, #tpu.memory_space<hbm>> -> memref<16x1024xf32, #tpu.memory_space<hbm>>
    %dma_start3A_608 = arith.constant 0 : i32
    %dma_start3A_609 = tpu.memref_slice %arg4[%add3A_600, %dma_start3A_608] : memref<16384x1024xf32, #tpu.memory_space<hbm>> -> memref<16x1024xf32, #tpu.memory_space<hbm>>
    %dma_start3A_610 = arith.constant 0 : i32
    %dma_start3A_611 = arith.constant 0 : i32
    %dma_start3A_612 = tpu.memref_slice %arg6[%dma_start3A_601, %dma_start3A_610, %dma_start3A_611] : memref<6x16x1024xf32, #tpu.memory_space<vmem>> -> memref<1x16x1024xf32, #tpu.memory_space<vmem>>
    %dma_start3A_613 = tpu.memref_squeeze %dma_start3A_612 : memref<1x16x1024xf32, #tpu.memory_space<vmem>> -> memref<16x1024xf32, #tpu.memory_space<vmem>>
    tpu.enqueue_dma source(%dma_start3A_613 : memref<16x1024xf32, #tpu.memory_space<vmem>>) target(%dma_start3A_609 : memref<16x1024xf32, #tpu.memory_space<hbm>>) target_semaphore(%arg18 : memref<!tpu.dma_semaphore, #tpu.memory_space<semaphore_mem>>)
    %dma_wait3A_614 = arith.constant 5 : i32
    %dma_wait3A_615 = arith.constant 0 : i32
    %dma_wait3A_616 = arith.constant 0 : i32
    %dma_wait3A_617 = tpu.memref_slice %arg6[%dma_wait3A_614, %dma_wait3A_615, %dma_wait3A_616] : memref<6x16x1024xf32, #tpu.memory_space<vmem>> -> memref<1x16x1024xf32, #tpu.memory_space<vmem>>
    %dma_wait3A_618 = tpu.memref_squeeze %dma_wait3A_617 : memref<1x16x1024xf32, #tpu.memory_space<vmem>> -> memref<16x1024xf32, #tpu.memory_space<vmem>>
    %dma_wait3A_619 = arith.constant 0 : i32
    %dma_wait3A_620 = tpu.memref_slice %arg4[%add3A_600, %dma_wait3A_619] : memref<16384x1024xf32, #tpu.memory_space<hbm>> -> memref<16x1024xf32, #tpu.memory_space<hbm>>
    %dma_wait3A_621 = arith.constant 0 : i32
    %dma_wait3A_622 = tpu.memref_slice %arg4[%add3A_600, %dma_wait3A_621] : memref<16384x1024xf32, #tpu.memory_space<hbm>> -> memref<16x1024xf32, #tpu.memory_space<hbm>>
    %dma_wait3A_623 = arith.constant 0 : i32
    %dma_wait3A_624 = arith.constant 0 : i32
    %dma_wait3A_625 = tpu.memref_slice %arg6[%dma_wait3A_614, %dma_wait3A_623, %dma_wait3A_624] : memref<6x16x1024xf32, #tpu.memory_space<vmem>> -> memref<1x16x1024xf32, #tpu.memory_space<vmem>>
    %dma_wait3A_626 = tpu.memref_squeeze %dma_wait3A_625 : memref<1x16x1024xf32, #tpu.memory_space<vmem>> -> memref<16x1024xf32, #tpu.memory_space<vmem>>
    tpu.wait_dma2 semaphore(%arg18 : memref<!tpu.dma_semaphore, #tpu.memory_space<semaphore_mem>>) src(%dma_wait3A_626 : memref<16x1024xf32, #tpu.memory_space<vmem>>) dst(%dma_wait3A_622 : memref<16x1024xf32, #tpu.memory_space<hbm>>)
    %dma_start3A_627 = arith.constant 5 : i32
    %dma_start3A_628 = arith.constant 0 : i32
    %dma_start3A_629 = arith.constant 0 : i32
    %dma_start3A_630 = tpu.memref_slice %arg6[%dma_start3A_627, %dma_start3A_628, %dma_start3A_629] : memref<6x16x1024xf32, #tpu.memory_space<vmem>> -> memref<1x16x1024xf32, #tpu.memory_space<vmem>>
    %dma_start3A_631 = tpu.memref_squeeze %dma_start3A_630 : memref<1x16x1024xf32, #tpu.memory_space<vmem>> -> memref<16x1024xf32, #tpu.memory_space<vmem>>
    %dma_start3A_632 = arith.constant 272 : i32
    %dma_start3A_633 = tpu.memref_slice %arg5[%dma_start3A_632] : memref<512xi32, #tpu.memory_space<vmem>> -> memref<16xi32, #tpu.memory_space<vmem>>
    %dma_start3A_634 = arith.constant 0 : i32
    %dma_start3A_635 = arith.constant 0 : i32
    %dma_start3A_636 = tpu.memref_slice %arg3[%dma_start3A_634, %dma_start3A_635] : memref<100000x1024xf32, #tpu.memory_space<hbm>> -> memref<100000x1024xf32, #tpu.memory_space<hbm>>
    tpu.enqueue_indirect_dma source(%dma_start3A_636 : memref<100000x1024xf32, #tpu.memory_space<hbm>>) target(%dma_start3A_631 : memref<16x1024xf32, #tpu.memory_space<vmem>>) offsets(%dma_start3A_633 : memref<16xi32, #tpu.memory_space<vmem>>) semaphore(%arg12 : memref<!tpu.dma_semaphore, #tpu.memory_space<semaphore_mem>>)
    %dma_wait3A_637 = arith.constant 0 : i32
    %dma_wait3A_638 = arith.constant 0 : i32
    %dma_wait3A_639 = arith.constant 0 : i32
    %dma_wait3A_640 = tpu.memref_slice %arg6[%dma_wait3A_637, %dma_wait3A_638, %dma_wait3A_639] : memref<6x16x1024xf32, #tpu.memory_space<vmem>> -> memref<1x16x1024xf32, #tpu.memory_space<vmem>>
    %dma_wait3A_641 = tpu.memref_squeeze %dma_wait3A_640 : memref<1x16x1024xf32, #tpu.memory_space<vmem>> -> memref<16x1024xf32, #tpu.memory_space<vmem>>
    %dma_wait3A_642 = arith.constant 192 : i32
    %dma_wait3A_643 = tpu.memref_slice %arg5[%dma_wait3A_642] : memref<512xi32, #tpu.memory_space<vmem>> -> memref<16xi32, #tpu.memory_space<vmem>>
    %dma_wait3A_644 = arith.constant 0 : i32
    %dma_wait3A_645 = arith.constant 0 : i32
    %dma_wait3A_646 = tpu.memref_slice %arg3[%dma_wait3A_644, %dma_wait3A_645] : memref<100000x1024xf32, #tpu.memory_space<hbm>> -> memref<100000x1024xf32, #tpu.memory_space<hbm>>
    tpu.wait_indirect_dma semaphore(%arg7 : memref<!tpu.dma_semaphore, #tpu.memory_space<semaphore_mem>>) src(%dma_wait3A_646 : memref<100000x1024xf32, #tpu.memory_space<hbm>>) dst(%dma_wait3A_641 : memref<16x1024xf32, #tpu.memory_space<vmem>>)
    %add3A_647 = arith.constant 192 : i32
    %add3A_648 = arith.addi %mul3A_2, %add3A_647 : i32
    %dma_start3A_649 = arith.constant 0 : i32
    %dma_start3A_650 = arith.constant 0 : i32
    %dma_start3A_651 = arith.constant 0 : i32
    %dma_start3A_652 = tpu.memref_slice %arg6[%dma_start3A_649, %dma_start3A_650, %dma_start3A_651] : memref<6x16x1024xf32, #tpu.memory_space<vmem>> -> memref<1x16x1024xf32, #tpu.memory_space<vmem>>
    %dma_start3A_653 = tpu.memref_squeeze %dma_start3A_652 : memref<1x16x1024xf32, #tpu.memory_space<vmem>> -> memref<16x1024xf32, #tpu.memory_space<vmem>>
    %dma_start3A_654 = arith.constant 0 : i32
    %dma_start3A_655 = tpu.memref_slice %arg4[%add3A_648, %dma_start3A_654] : memref<16384x1024xf32, #tpu.memory_space<hbm>> -> memref<16x1024xf32, #tpu.memory_space<hbm>>
    %dma_start3A_656 = arith.constant 0 : i32
    %dma_start3A_657 = tpu.memref_slice %arg4[%add3A_648, %dma_start3A_656] : memref<16384x1024xf32, #tpu.memory_space<hbm>> -> memref<16x1024xf32, #tpu.memory_space<hbm>>
    %dma_start3A_658 = arith.constant 0 : i32
    %dma_start3A_659 = arith.constant 0 : i32
    %dma_start3A_660 = tpu.memref_slice %arg6[%dma_start3A_649, %dma_start3A_658, %dma_start3A_659] : memref<6x16x1024xf32, #tpu.memory_space<vmem>> -> memref<1x16x1024xf32, #tpu.memory_space<vmem>>
    %dma_start3A_661 = tpu.memref_squeeze %dma_start3A_660 : memref<1x16x1024xf32, #tpu.memory_space<vmem>> -> memref<16x1024xf32, #tpu.memory_space<vmem>>
    tpu.enqueue_dma source(%dma_start3A_661 : memref<16x1024xf32, #tpu.memory_space<vmem>>) target(%dma_start3A_657 : memref<16x1024xf32, #tpu.memory_space<hbm>>) target_semaphore(%arg13 : memref<!tpu.dma_semaphore, #tpu.memory_space<semaphore_mem>>)
    %dma_wait3A_662 = arith.constant 0 : i32
    %dma_wait3A_663 = arith.constant 0 : i32
    %dma_wait3A_664 = arith.constant 0 : i32
    %dma_wait3A_665 = tpu.memref_slice %arg6[%dma_wait3A_662, %dma_wait3A_663, %dma_wait3A_664] : memref<6x16x1024xf32, #tpu.memory_space<vmem>> -> memref<1x16x1024xf32, #tpu.memory_space<vmem>>
    %dma_wait3A_666 = tpu.memref_squeeze %dma_wait3A_665 : memref<1x16x1024xf32, #tpu.memory_space<vmem>> -> memref<16x1024xf32, #tpu.memory_space<vmem>>
    %dma_wait3A_667 = arith.constant 0 : i32
    %dma_wait3A_668 = tpu.memref_slice %arg4[%add3A_648, %dma_wait3A_667] : memref<16384x1024xf32, #tpu.memory_space<hbm>> -> memref<16x1024xf32, #tpu.memory_space<hbm>>
    %dma_wait3A_669 = arith.constant 0 : i32
    %dma_wait3A_670 = tpu.memref_slice %arg4[%add3A_648, %dma_wait3A_669] : memref<16384x1024xf32, #tpu.memory_space<hbm>> -> memref<16x1024xf32, #tpu.memory_space<hbm>>
    %dma_wait3A_671 = arith.constant 0 : i32
    %dma_wait3A_672 = arith.constant 0 : i32
    %dma_wait3A_673 = tpu.memref_slice %arg6[%dma_wait3A_662, %dma_wait3A_671, %dma_wait3A_672] : memref<6x16x1024xf32, #tpu.memory_space<vmem>> -> memref<1x16x1024xf32, #tpu.memory_space<vmem>>
    %dma_wait3A_674 = tpu.memref_squeeze %dma_wait3A_673 : memref<1x16x1024xf32, #tpu.memory_space<vmem>> -> memref<16x1024xf32, #tpu.memory_space<vmem>>
    tpu.wait_dma2 semaphore(%arg13 : memref<!tpu.dma_semaphore, #tpu.memory_space<semaphore_mem>>) src(%dma_wait3A_674 : memref<16x1024xf32, #tpu.memory_space<vmem>>) dst(%dma_wait3A_670 : memref<16x1024xf32, #tpu.memory_space<hbm>>)
    %dma_start3A_675 = arith.constant 0 : i32
    %dma_start3A_676 = arith.constant 0 : i32
    %dma_start3A_677 = arith.constant 0 : i32
    %dma_start3A_678 = tpu.memref_slice %arg6[%dma_start3A_675, %dma_start3A_676, %dma_start3A_677] : memref<6x16x1024xf32, #tpu.memory_space<vmem>> -> memref<1x16x1024xf32, #tpu.memory_space<vmem>>
    %dma_start3A_679 = tpu.memref_squeeze %dma_start3A_678 : memref<1x16x1024xf32, #tpu.memory_space<vmem>> -> memref<16x1024xf32, #tpu.memory_space<vmem>>
    %dma_start3A_680 = arith.constant 288 : i32
    %dma_start3A_681 = tpu.memref_slice %arg5[%dma_start3A_680] : memref<512xi32, #tpu.memory_space<vmem>> -> memref<16xi32, #tpu.memory_space<vmem>>
    %dma_start3A_682 = arith.constant 0 : i32
    %dma_start3A_683 = arith.constant 0 : i32
    %dma_start3A_684 = tpu.memref_slice %arg3[%dma_start3A_682, %dma_start3A_683] : memref<100000x1024xf32, #tpu.memory_space<hbm>> -> memref<100000x1024xf32, #tpu.memory_space<hbm>>
    tpu.enqueue_indirect_dma source(%dma_start3A_684 : memref<100000x1024xf32, #tpu.memory_space<hbm>>) target(%dma_start3A_679 : memref<16x1024xf32, #tpu.memory_space<vmem>>) offsets(%dma_start3A_681 : memref<16xi32, #tpu.memory_space<vmem>>) semaphore(%arg7 : memref<!tpu.dma_semaphore, #tpu.memory_space<semaphore_mem>>)
    %dma_wait3A_685 = arith.constant 1 : i32
    %dma_wait3A_686 = arith.constant 0 : i32
    %dma_wait3A_687 = arith.constant 0 : i32
    %dma_wait3A_688 = tpu.memref_slice %arg6[%dma_wait3A_685, %dma_wait3A_686, %dma_wait3A_687] : memref<6x16x1024xf32, #tpu.memory_space<vmem>> -> memref<1x16x1024xf32, #tpu.memory_space<vmem>>
    %dma_wait3A_689 = tpu.memref_squeeze %dma_wait3A_688 : memref<1x16x1024xf32, #tpu.memory_space<vmem>> -> memref<16x1024xf32, #tpu.memory_space<vmem>>
    %dma_wait3A_690 = arith.constant 208 : i32
    %dma_wait3A_691 = tpu.memref_slice %arg5[%dma_wait3A_690] : memref<512xi32, #tpu.memory_space<vmem>> -> memref<16xi32, #tpu.memory_space<vmem>>
    %dma_wait3A_692 = arith.constant 0 : i32
    %dma_wait3A_693 = arith.constant 0 : i32
    %dma_wait3A_694 = tpu.memref_slice %arg3[%dma_wait3A_692, %dma_wait3A_693] : memref<100000x1024xf32, #tpu.memory_space<hbm>> -> memref<100000x1024xf32, #tpu.memory_space<hbm>>
    tpu.wait_indirect_dma semaphore(%arg8 : memref<!tpu.dma_semaphore, #tpu.memory_space<semaphore_mem>>) src(%dma_wait3A_694 : memref<100000x1024xf32, #tpu.memory_space<hbm>>) dst(%dma_wait3A_689 : memref<16x1024xf32, #tpu.memory_space<vmem>>)
    %add3A_695 = arith.constant 208 : i32
    %add3A_696 = arith.addi %mul3A_2, %add3A_695 : i32
    %dma_start3A_697 = arith.constant 1 : i32
    %dma_start3A_698 = arith.constant 0 : i32
    %dma_start3A_699 = arith.constant 0 : i32
    %dma_start3A_700 = tpu.memref_slice %arg6[%dma_start3A_697, %dma_start3A_698, %dma_start3A_699] : memref<6x16x1024xf32, #tpu.memory_space<vmem>> -> memref<1x16x1024xf32, #tpu.memory_space<vmem>>
    %dma_start3A_701 = tpu.memref_squeeze %dma_start3A_700 : memref<1x16x1024xf32, #tpu.memory_space<vmem>> -> memref<16x1024xf32, #tpu.memory_space<vmem>>
    %dma_start3A_702 = arith.constant 0 : i32
    %dma_start3A_703 = tpu.memref_slice %arg4[%add3A_696, %dma_start3A_702] : memref<16384x1024xf32, #tpu.memory_space<hbm>> -> memref<16x1024xf32, #tpu.memory_space<hbm>>
    %dma_start3A_704 = arith.constant 0 : i32
    %dma_start3A_705 = tpu.memref_slice %arg4[%add3A_696, %dma_start3A_704] : memref<16384x1024xf32, #tpu.memory_space<hbm>> -> memref<16x1024xf32, #tpu.memory_space<hbm>>
    %dma_start3A_706 = arith.constant 0 : i32
    %dma_start3A_707 = arith.constant 0 : i32
    %dma_start3A_708 = tpu.memref_slice %arg6[%dma_start3A_697, %dma_start3A_706, %dma_start3A_707] : memref<6x16x1024xf32, #tpu.memory_space<vmem>> -> memref<1x16x1024xf32, #tpu.memory_space<vmem>>
    %dma_start3A_709 = tpu.memref_squeeze %dma_start3A_708 : memref<1x16x1024xf32, #tpu.memory_space<vmem>> -> memref<16x1024xf32, #tpu.memory_space<vmem>>
    tpu.enqueue_dma source(%dma_start3A_709 : memref<16x1024xf32, #tpu.memory_space<vmem>>) target(%dma_start3A_705 : memref<16x1024xf32, #tpu.memory_space<hbm>>) target_semaphore(%arg14 : memref<!tpu.dma_semaphore, #tpu.memory_space<semaphore_mem>>)
    %dma_wait3A_710 = arith.constant 1 : i32
    %dma_wait3A_711 = arith.constant 0 : i32
    %dma_wait3A_712 = arith.constant 0 : i32
    %dma_wait3A_713 = tpu.memref_slice %arg6[%dma_wait3A_710, %dma_wait3A_711, %dma_wait3A_712] : memref<6x16x1024xf32, #tpu.memory_space<vmem>> -> memref<1x16x1024xf32, #tpu.memory_space<vmem>>
    %dma_wait3A_714 = tpu.memref_squeeze %dma_wait3A_713 : memref<1x16x1024xf32, #tpu.memory_space<vmem>> -> memref<16x1024xf32, #tpu.memory_space<vmem>>
    %dma_wait3A_715 = arith.constant 0 : i32
    %dma_wait3A_716 = tpu.memref_slice %arg4[%add3A_696, %dma_wait3A_715] : memref<16384x1024xf32, #tpu.memory_space<hbm>> -> memref<16x1024xf32, #tpu.memory_space<hbm>>
    %dma_wait3A_717 = arith.constant 0 : i32
    %dma_wait3A_718 = tpu.memref_slice %arg4[%add3A_696, %dma_wait3A_717] : memref<16384x1024xf32, #tpu.memory_space<hbm>> -> memref<16x1024xf32, #tpu.memory_space<hbm>>
    %dma_wait3A_719 = arith.constant 0 : i32
    %dma_wait3A_720 = arith.constant 0 : i32
    %dma_wait3A_721 = tpu.memref_slice %arg6[%dma_wait3A_710, %dma_wait3A_719, %dma_wait3A_720] : memref<6x16x1024xf32, #tpu.memory_space<vmem>> -> memref<1x16x1024xf32, #tpu.memory_space<vmem>>
    %dma_wait3A_722 = tpu.memref_squeeze %dma_wait3A_721 : memref<1x16x1024xf32, #tpu.memory_space<vmem>> -> memref<16x1024xf32, #tpu.memory_space<vmem>>
    tpu.wait_dma2 semaphore(%arg14 : memref<!tpu.dma_semaphore, #tpu.memory_space<semaphore_mem>>) src(%dma_wait3A_722 : memref<16x1024xf32, #tpu.memory_space<vmem>>) dst(%dma_wait3A_718 : memref<16x1024xf32, #tpu.memory_space<hbm>>)
    %dma_start3A_723 = arith.constant 1 : i32
    %dma_start3A_724 = arith.constant 0 : i32
    %dma_start3A_725 = arith.constant 0 : i32
    %dma_start3A_726 = tpu.memref_slice %arg6[%dma_start3A_723, %dma_start3A_724, %dma_start3A_725] : memref<6x16x1024xf32, #tpu.memory_space<vmem>> -> memref<1x16x1024xf32, #tpu.memory_space<vmem>>
    %dma_start3A_727 = tpu.memref_squeeze %dma_start3A_726 : memref<1x16x1024xf32, #tpu.memory_space<vmem>> -> memref<16x1024xf32, #tpu.memory_space<vmem>>
    %dma_start3A_728 = arith.constant 304 : i32
    %dma_start3A_729 = tpu.memref_slice %arg5[%dma_start3A_728] : memref<512xi32, #tpu.memory_space<vmem>> -> memref<16xi32, #tpu.memory_space<vmem>>
    %dma_start3A_730 = arith.constant 0 : i32
    %dma_start3A_731 = arith.constant 0 : i32
    %dma_start3A_732 = tpu.memref_slice %arg3[%dma_start3A_730, %dma_start3A_731] : memref<100000x1024xf32, #tpu.memory_space<hbm>> -> memref<100000x1024xf32, #tpu.memory_space<hbm>>
    tpu.enqueue_indirect_dma source(%dma_start3A_732 : memref<100000x1024xf32, #tpu.memory_space<hbm>>) target(%dma_start3A_727 : memref<16x1024xf32, #tpu.memory_space<vmem>>) offsets(%dma_start3A_729 : memref<16xi32, #tpu.memory_space<vmem>>) semaphore(%arg8 : memref<!tpu.dma_semaphore, #tpu.memory_space<semaphore_mem>>)
    %dma_wait3A_733 = arith.constant 2 : i32
    %dma_wait3A_734 = arith.constant 0 : i32
    %dma_wait3A_735 = arith.constant 0 : i32
    %dma_wait3A_736 = tpu.memref_slice %arg6[%dma_wait3A_733, %dma_wait3A_734, %dma_wait3A_735] : memref<6x16x1024xf32, #tpu.memory_space<vmem>> -> memref<1x16x1024xf32, #tpu.memory_space<vmem>>
    %dma_wait3A_737 = tpu.memref_squeeze %dma_wait3A_736 : memref<1x16x1024xf32, #tpu.memory_space<vmem>> -> memref<16x1024xf32, #tpu.memory_space<vmem>>
    %dma_wait3A_738 = arith.constant 224 : i32
    %dma_wait3A_739 = tpu.memref_slice %arg5[%dma_wait3A_738] : memref<512xi32, #tpu.memory_space<vmem>> -> memref<16xi32, #tpu.memory_space<vmem>>
    %dma_wait3A_740 = arith.constant 0 : i32
    %dma_wait3A_741 = arith.constant 0 : i32
    %dma_wait3A_742 = tpu.memref_slice %arg3[%dma_wait3A_740, %dma_wait3A_741] : memref<100000x1024xf32, #tpu.memory_space<hbm>> -> memref<100000x1024xf32, #tpu.memory_space<hbm>>
    tpu.wait_indirect_dma semaphore(%arg9 : memref<!tpu.dma_semaphore, #tpu.memory_space<semaphore_mem>>) src(%dma_wait3A_742 : memref<100000x1024xf32, #tpu.memory_space<hbm>>) dst(%dma_wait3A_737 : memref<16x1024xf32, #tpu.memory_space<vmem>>)
    %add3A_743 = arith.constant 224 : i32
    %add3A_744 = arith.addi %mul3A_2, %add3A_743 : i32
    %dma_start3A_745 = arith.constant 2 : i32
    %dma_start3A_746 = arith.constant 0 : i32
    %dma_start3A_747 = arith.constant 0 : i32
    %dma_start3A_748 = tpu.memref_slice %arg6[%dma_start3A_745, %dma_start3A_746, %dma_start3A_747] : memref<6x16x1024xf32, #tpu.memory_space<vmem>> -> memref<1x16x1024xf32, #tpu.memory_space<vmem>>
    %dma_start3A_749 = tpu.memref_squeeze %dma_start3A_748 : memref<1x16x1024xf32, #tpu.memory_space<vmem>> -> memref<16x1024xf32, #tpu.memory_space<vmem>>
    %dma_start3A_750 = arith.constant 0 : i32
    %dma_start3A_751 = tpu.memref_slice %arg4[%add3A_744, %dma_start3A_750] : memref<16384x1024xf32, #tpu.memory_space<hbm>> -> memref<16x1024xf32, #tpu.memory_space<hbm>>
    %dma_start3A_752 = arith.constant 0 : i32
    %dma_start3A_753 = tpu.memref_slice %arg4[%add3A_744, %dma_start3A_752] : memref<16384x1024xf32, #tpu.memory_space<hbm>> -> memref<16x1024xf32, #tpu.memory_space<hbm>>
    %dma_start3A_754 = arith.constant 0 : i32
    %dma_start3A_755 = arith.constant 0 : i32
    %dma_start3A_756 = tpu.memref_slice %arg6[%dma_start3A_745, %dma_start3A_754, %dma_start3A_755] : memref<6x16x1024xf32, #tpu.memory_space<vmem>> -> memref<1x16x1024xf32, #tpu.memory_space<vmem>>
    %dma_start3A_757 = tpu.memref_squeeze %dma_start3A_756 : memref<1x16x1024xf32, #tpu.memory_space<vmem>> -> memref<16x1024xf32, #tpu.memory_space<vmem>>
    tpu.enqueue_dma source(%dma_start3A_757 : memref<16x1024xf32, #tpu.memory_space<vmem>>) target(%dma_start3A_753 : memref<16x1024xf32, #tpu.memory_space<hbm>>) target_semaphore(%arg15 : memref<!tpu.dma_semaphore, #tpu.memory_space<semaphore_mem>>)
    %dma_wait3A_758 = arith.constant 2 : i32
    %dma_wait3A_759 = arith.constant 0 : i32
    %dma_wait3A_760 = arith.constant 0 : i32
    %dma_wait3A_761 = tpu.memref_slice %arg6[%dma_wait3A_758, %dma_wait3A_759, %dma_wait3A_760] : memref<6x16x1024xf32, #tpu.memory_space<vmem>> -> memref<1x16x1024xf32, #tpu.memory_space<vmem>>
    %dma_wait3A_762 = tpu.memref_squeeze %dma_wait3A_761 : memref<1x16x1024xf32, #tpu.memory_space<vmem>> -> memref<16x1024xf32, #tpu.memory_space<vmem>>
    %dma_wait3A_763 = arith.constant 0 : i32
    %dma_wait3A_764 = tpu.memref_slice %arg4[%add3A_744, %dma_wait3A_763] : memref<16384x1024xf32, #tpu.memory_space<hbm>> -> memref<16x1024xf32, #tpu.memory_space<hbm>>
    %dma_wait3A_765 = arith.constant 0 : i32
    %dma_wait3A_766 = tpu.memref_slice %arg4[%add3A_744, %dma_wait3A_765] : memref<16384x1024xf32, #tpu.memory_space<hbm>> -> memref<16x1024xf32, #tpu.memory_space<hbm>>
    %dma_wait3A_767 = arith.constant 0 : i32
    %dma_wait3A_768 = arith.constant 0 : i32
    %dma_wait3A_769 = tpu.memref_slice %arg6[%dma_wait3A_758, %dma_wait3A_767, %dma_wait3A_768] : memref<6x16x1024xf32, #tpu.memory_space<vmem>> -> memref<1x16x1024xf32, #tpu.memory_space<vmem>>
    %dma_wait3A_770 = tpu.memref_squeeze %dma_wait3A_769 : memref<1x16x1024xf32, #tpu.memory_space<vmem>> -> memref<16x1024xf32, #tpu.memory_space<vmem>>
    tpu.wait_dma2 semaphore(%arg15 : memref<!tpu.dma_semaphore, #tpu.memory_space<semaphore_mem>>) src(%dma_wait3A_770 : memref<16x1024xf32, #tpu.memory_space<vmem>>) dst(%dma_wait3A_766 : memref<16x1024xf32, #tpu.memory_space<hbm>>)
    %dma_start3A_771 = arith.constant 2 : i32
    %dma_start3A_772 = arith.constant 0 : i32
    %dma_start3A_773 = arith.constant 0 : i32
    %dma_start3A_774 = tpu.memref_slice %arg6[%dma_start3A_771, %dma_start3A_772, %dma_start3A_773] : memref<6x16x1024xf32, #tpu.memory_space<vmem>> -> memref<1x16x1024xf32, #tpu.memory_space<vmem>>
    %dma_start3A_775 = tpu.memref_squeeze %dma_start3A_774 : memref<1x16x1024xf32, #tpu.memory_space<vmem>> -> memref<16x1024xf32, #tpu.memory_space<vmem>>
    %dma_start3A_776 = arith.constant 320 : i32
    %dma_start3A_777 = tpu.memref_slice %arg5[%dma_start3A_776] : memref<512xi32, #tpu.memory_space<vmem>> -> memref<16xi32, #tpu.memory_space<vmem>>
    %dma_start3A_778 = arith.constant 0 : i32
    %dma_start3A_779 = arith.constant 0 : i32
    %dma_start3A_780 = tpu.memref_slice %arg3[%dma_start3A_778, %dma_start3A_779] : memref<100000x1024xf32, #tpu.memory_space<hbm>> -> memref<100000x1024xf32, #tpu.memory_space<hbm>>
    tpu.enqueue_indirect_dma source(%dma_start3A_780 : memref<100000x1024xf32, #tpu.memory_space<hbm>>) target(%dma_start3A_775 : memref<16x1024xf32, #tpu.memory_space<vmem>>) offsets(%dma_start3A_777 : memref<16xi32, #tpu.memory_space<vmem>>) semaphore(%arg9 : memref<!tpu.dma_semaphore, #tpu.memory_space<semaphore_mem>>)
    %dma_wait3A_781 = arith.constant 3 : i32
    %dma_wait3A_782 = arith.constant 0 : i32
    %dma_wait3A_783 = arith.constant 0 : i32
    %dma_wait3A_784 = tpu.memref_slice %arg6[%dma_wait3A_781, %dma_wait3A_782, %dma_wait3A_783] : memref<6x16x1024xf32, #tpu.memory_space<vmem>> -> memref<1x16x1024xf32, #tpu.memory_space<vmem>>
    %dma_wait3A_785 = tpu.memref_squeeze %dma_wait3A_784 : memref<1x16x1024xf32, #tpu.memory_space<vmem>> -> memref<16x1024xf32, #tpu.memory_space<vmem>>
    %dma_wait3A_786 = arith.constant 240 : i32
    %dma_wait3A_787 = tpu.memref_slice %arg5[%dma_wait3A_786] : memref<512xi32, #tpu.memory_space<vmem>> -> memref<16xi32, #tpu.memory_space<vmem>>
    %dma_wait3A_788 = arith.constant 0 : i32
    %dma_wait3A_789 = arith.constant 0 : i32
    %dma_wait3A_790 = tpu.memref_slice %arg3[%dma_wait3A_788, %dma_wait3A_789] : memref<100000x1024xf32, #tpu.memory_space<hbm>> -> memref<100000x1024xf32, #tpu.memory_space<hbm>>
    tpu.wait_indirect_dma semaphore(%arg10 : memref<!tpu.dma_semaphore, #tpu.memory_space<semaphore_mem>>) src(%dma_wait3A_790 : memref<100000x1024xf32, #tpu.memory_space<hbm>>) dst(%dma_wait3A_785 : memref<16x1024xf32, #tpu.memory_space<vmem>>)
    %add3A_791 = arith.constant 240 : i32
    %add3A_792 = arith.addi %mul3A_2, %add3A_791 : i32
    %dma_start3A_793 = arith.constant 3 : i32
    %dma_start3A_794 = arith.constant 0 : i32
    %dma_start3A_795 = arith.constant 0 : i32
    %dma_start3A_796 = tpu.memref_slice %arg6[%dma_start3A_793, %dma_start3A_794, %dma_start3A_795] : memref<6x16x1024xf32, #tpu.memory_space<vmem>> -> memref<1x16x1024xf32, #tpu.memory_space<vmem>>
    %dma_start3A_797 = tpu.memref_squeeze %dma_start3A_796 : memref<1x16x1024xf32, #tpu.memory_space<vmem>> -> memref<16x1024xf32, #tpu.memory_space<vmem>>
    %dma_start3A_798 = arith.constant 0 : i32
    %dma_start3A_799 = tpu.memref_slice %arg4[%add3A_792, %dma_start3A_798] : memref<16384x1024xf32, #tpu.memory_space<hbm>> -> memref<16x1024xf32, #tpu.memory_space<hbm>>
    %dma_start3A_800 = arith.constant 0 : i32
    %dma_start3A_801 = tpu.memref_slice %arg4[%add3A_792, %dma_start3A_800] : memref<16384x1024xf32, #tpu.memory_space<hbm>> -> memref<16x1024xf32, #tpu.memory_space<hbm>>
    %dma_start3A_802 = arith.constant 0 : i32
    %dma_start3A_803 = arith.constant 0 : i32
    %dma_start3A_804 = tpu.memref_slice %arg6[%dma_start3A_793, %dma_start3A_802, %dma_start3A_803] : memref<6x16x1024xf32, #tpu.memory_space<vmem>> -> memref<1x16x1024xf32, #tpu.memory_space<vmem>>
    %dma_start3A_805 = tpu.memref_squeeze %dma_start3A_804 : memref<1x16x1024xf32, #tpu.memory_space<vmem>> -> memref<16x1024xf32, #tpu.memory_space<vmem>>
    tpu.enqueue_dma source(%dma_start3A_805 : memref<16x1024xf32, #tpu.memory_space<vmem>>) target(%dma_start3A_801 : memref<16x1024xf32, #tpu.memory_space<hbm>>) target_semaphore(%arg16 : memref<!tpu.dma_semaphore, #tpu.memory_space<semaphore_mem>>)
    %dma_wait3A_806 = arith.constant 3 : i32
    %dma_wait3A_807 = arith.constant 0 : i32
    %dma_wait3A_808 = arith.constant 0 : i32
    %dma_wait3A_809 = tpu.memref_slice %arg6[%dma_wait3A_806, %dma_wait3A_807, %dma_wait3A_808] : memref<6x16x1024xf32, #tpu.memory_space<vmem>> -> memref<1x16x1024xf32, #tpu.memory_space<vmem>>
    %dma_wait3A_810 = tpu.memref_squeeze %dma_wait3A_809 : memref<1x16x1024xf32, #tpu.memory_space<vmem>> -> memref<16x1024xf32, #tpu.memory_space<vmem>>
    %dma_wait3A_811 = arith.constant 0 : i32
    %dma_wait3A_812 = tpu.memref_slice %arg4[%add3A_792, %dma_wait3A_811] : memref<16384x1024xf32, #tpu.memory_space<hbm>> -> memref<16x1024xf32, #tpu.memory_space<hbm>>
    %dma_wait3A_813 = arith.constant 0 : i32
    %dma_wait3A_814 = tpu.memref_slice %arg4[%add3A_792, %dma_wait3A_813] : memref<16384x1024xf32, #tpu.memory_space<hbm>> -> memref<16x1024xf32, #tpu.memory_space<hbm>>
    %dma_wait3A_815 = arith.constant 0 : i32
    %dma_wait3A_816 = arith.constant 0 : i32
    %dma_wait3A_817 = tpu.memref_slice %arg6[%dma_wait3A_806, %dma_wait3A_815, %dma_wait3A_816] : memref<6x16x1024xf32, #tpu.memory_space<vmem>> -> memref<1x16x1024xf32, #tpu.memory_space<vmem>>
    %dma_wait3A_818 = tpu.memref_squeeze %dma_wait3A_817 : memref<1x16x1024xf32, #tpu.memory_space<vmem>> -> memref<16x1024xf32, #tpu.memory_space<vmem>>
    tpu.wait_dma2 semaphore(%arg16 : memref<!tpu.dma_semaphore, #tpu.memory_space<semaphore_mem>>) src(%dma_wait3A_818 : memref<16x1024xf32, #tpu.memory_space<vmem>>) dst(%dma_wait3A_814 : memref<16x1024xf32, #tpu.memory_space<hbm>>)
    %dma_start3A_819 = arith.constant 3 : i32
    %dma_start3A_820 = arith.constant 0 : i32
    %dma_start3A_821 = arith.constant 0 : i32
    %dma_start3A_822 = tpu.memref_slice %arg6[%dma_start3A_819, %dma_start3A_820, %dma_start3A_821] : memref<6x16x1024xf32, #tpu.memory_space<vmem>> -> memref<1x16x1024xf32, #tpu.memory_space<vmem>>
    %dma_start3A_823 = tpu.memref_squeeze %dma_start3A_822 : memref<1x16x1024xf32, #tpu.memory_space<vmem>> -> memref<16x1024xf32, #tpu.memory_space<vmem>>
    %dma_start3A_824 = arith.constant 336 : i32
    %dma_start3A_825 = tpu.memref_slice %arg5[%dma_start3A_824] : memref<512xi32, #tpu.memory_space<vmem>> -> memref<16xi32, #tpu.memory_space<vmem>>
    %dma_start3A_826 = arith.constant 0 : i32
    %dma_start3A_827 = arith.constant 0 : i32
    %dma_start3A_828 = tpu.memref_slice %arg3[%dma_start3A_826, %dma_start3A_827] : memref<100000x1024xf32, #tpu.memory_space<hbm>> -> memref<100000x1024xf32, #tpu.memory_space<hbm>>
    tpu.enqueue_indirect_dma source(%dma_start3A_828 : memref<100000x1024xf32, #tpu.memory_space<hbm>>) target(%dma_start3A_823 : memref<16x1024xf32, #tpu.memory_space<vmem>>) offsets(%dma_start3A_825 : memref<16xi32, #tpu.memory_space<vmem>>) semaphore(%arg10 : memref<!tpu.dma_semaphore, #tpu.memory_space<semaphore_mem>>)
    %dma_wait3A_829 = arith.constant 4 : i32
    %dma_wait3A_830 = arith.constant 0 : i32
    %dma_wait3A_831 = arith.constant 0 : i32
    %dma_wait3A_832 = tpu.memref_slice %arg6[%dma_wait3A_829, %dma_wait3A_830, %dma_wait3A_831] : memref<6x16x1024xf32, #tpu.memory_space<vmem>> -> memref<1x16x1024xf32, #tpu.memory_space<vmem>>
    %dma_wait3A_833 = tpu.memref_squeeze %dma_wait3A_832 : memref<1x16x1024xf32, #tpu.memory_space<vmem>> -> memref<16x1024xf32, #tpu.memory_space<vmem>>
    %dma_wait3A_834 = arith.constant 256 : i32
    %dma_wait3A_835 = tpu.memref_slice %arg5[%dma_wait3A_834] : memref<512xi32, #tpu.memory_space<vmem>> -> memref<16xi32, #tpu.memory_space<vmem>>
    %dma_wait3A_836 = arith.constant 0 : i32
    %dma_wait3A_837 = arith.constant 0 : i32
    %dma_wait3A_838 = tpu.memref_slice %arg3[%dma_wait3A_836, %dma_wait3A_837] : memref<100000x1024xf32, #tpu.memory_space<hbm>> -> memref<100000x1024xf32, #tpu.memory_space<hbm>>
    tpu.wait_indirect_dma semaphore(%arg11 : memref<!tpu.dma_semaphore, #tpu.memory_space<semaphore_mem>>) src(%dma_wait3A_838 : memref<100000x1024xf32, #tpu.memory_space<hbm>>) dst(%dma_wait3A_833 : memref<16x1024xf32, #tpu.memory_space<vmem>>)
    %add3A_839 = arith.constant 256 : i32
    %add3A_840 = arith.addi %mul3A_2, %add3A_839 : i32
    %dma_start3A_841 = arith.constant 4 : i32
    %dma_start3A_842 = arith.constant 0 : i32
    %dma_start3A_843 = arith.constant 0 : i32
    %dma_start3A_844 = tpu.memref_slice %arg6[%dma_start3A_841, %dma_start3A_842, %dma_start3A_843] : memref<6x16x1024xf32, #tpu.memory_space<vmem>> -> memref<1x16x1024xf32, #tpu.memory_space<vmem>>
    %dma_start3A_845 = tpu.memref_squeeze %dma_start3A_844 : memref<1x16x1024xf32, #tpu.memory_space<vmem>> -> memref<16x1024xf32, #tpu.memory_space<vmem>>
    %dma_start3A_846 = arith.constant 0 : i32
    %dma_start3A_847 = tpu.memref_slice %arg4[%add3A_840, %dma_start3A_846] : memref<16384x1024xf32, #tpu.memory_space<hbm>> -> memref<16x1024xf32, #tpu.memory_space<hbm>>
    %dma_start3A_848 = arith.constant 0 : i32
    %dma_start3A_849 = tpu.memref_slice %arg4[%add3A_840, %dma_start3A_848] : memref<16384x1024xf32, #tpu.memory_space<hbm>> -> memref<16x1024xf32, #tpu.memory_space<hbm>>
    %dma_start3A_850 = arith.constant 0 : i32
    %dma_start3A_851 = arith.constant 0 : i32
    %dma_start3A_852 = tpu.memref_slice %arg6[%dma_start3A_841, %dma_start3A_850, %dma_start3A_851] : memref<6x16x1024xf32, #tpu.memory_space<vmem>> -> memref<1x16x1024xf32, #tpu.memory_space<vmem>>
    %dma_start3A_853 = tpu.memref_squeeze %dma_start3A_852 : memref<1x16x1024xf32, #tpu.memory_space<vmem>> -> memref<16x1024xf32, #tpu.memory_space<vmem>>
    tpu.enqueue_dma source(%dma_start3A_853 : memref<16x1024xf32, #tpu.memory_space<vmem>>) target(%dma_start3A_849 : memref<16x1024xf32, #tpu.memory_space<hbm>>) target_semaphore(%arg17 : memref<!tpu.dma_semaphore, #tpu.memory_space<semaphore_mem>>)
    %dma_wait3A_854 = arith.constant 4 : i32
    %dma_wait3A_855 = arith.constant 0 : i32
    %dma_wait3A_856 = arith.constant 0 : i32
    %dma_wait3A_857 = tpu.memref_slice %arg6[%dma_wait3A_854, %dma_wait3A_855, %dma_wait3A_856] : memref<6x16x1024xf32, #tpu.memory_space<vmem>> -> memref<1x16x1024xf32, #tpu.memory_space<vmem>>
    %dma_wait3A_858 = tpu.memref_squeeze %dma_wait3A_857 : memref<1x16x1024xf32, #tpu.memory_space<vmem>> -> memref<16x1024xf32, #tpu.memory_space<vmem>>
    %dma_wait3A_859 = arith.constant 0 : i32
    %dma_wait3A_860 = tpu.memref_slice %arg4[%add3A_840, %dma_wait3A_859] : memref<16384x1024xf32, #tpu.memory_space<hbm>> -> memref<16x1024xf32, #tpu.memory_space<hbm>>
    %dma_wait3A_861 = arith.constant 0 : i32
    %dma_wait3A_862 = tpu.memref_slice %arg4[%add3A_840, %dma_wait3A_861] : memref<16384x1024xf32, #tpu.memory_space<hbm>> -> memref<16x1024xf32, #tpu.memory_space<hbm>>
    %dma_wait3A_863 = arith.constant 0 : i32
    %dma_wait3A_864 = arith.constant 0 : i32
    %dma_wait3A_865 = tpu.memref_slice %arg6[%dma_wait3A_854, %dma_wait3A_863, %dma_wait3A_864] : memref<6x16x1024xf32, #tpu.memory_space<vmem>> -> memref<1x16x1024xf32, #tpu.memory_space<vmem>>
    %dma_wait3A_866 = tpu.memref_squeeze %dma_wait3A_865 : memref<1x16x1024xf32, #tpu.memory_space<vmem>> -> memref<16x1024xf32, #tpu.memory_space<vmem>>
    tpu.wait_dma2 semaphore(%arg17 : memref<!tpu.dma_semaphore, #tpu.memory_space<semaphore_mem>>) src(%dma_wait3A_866 : memref<16x1024xf32, #tpu.memory_space<vmem>>) dst(%dma_wait3A_862 : memref<16x1024xf32, #tpu.memory_space<hbm>>)
    %dma_start3A_867 = arith.constant 4 : i32
    %dma_start3A_868 = arith.constant 0 : i32
    %dma_start3A_869 = arith.constant 0 : i32
    %dma_start3A_870 = tpu.memref_slice %arg6[%dma_start3A_867, %dma_start3A_868, %dma_start3A_869] : memref<6x16x1024xf32, #tpu.memory_space<vmem>> -> memref<1x16x1024xf32, #tpu.memory_space<vmem>>
    %dma_start3A_871 = tpu.memref_squeeze %dma_start3A_870 : memref<1x16x1024xf32, #tpu.memory_space<vmem>> -> memref<16x1024xf32, #tpu.memory_space<vmem>>
    %dma_start3A_872 = arith.constant 352 : i32
    %dma_start3A_873 = tpu.memref_slice %arg5[%dma_start3A_872] : memref<512xi32, #tpu.memory_space<vmem>> -> memref<16xi32, #tpu.memory_space<vmem>>
    %dma_start3A_874 = arith.constant 0 : i32
    %dma_start3A_875 = arith.constant 0 : i32
    %dma_start3A_876 = tpu.memref_slice %arg3[%dma_start3A_874, %dma_start3A_875] : memref<100000x1024xf32, #tpu.memory_space<hbm>> -> memref<100000x1024xf32, #tpu.memory_space<hbm>>
    tpu.enqueue_indirect_dma source(%dma_start3A_876 : memref<100000x1024xf32, #tpu.memory_space<hbm>>) target(%dma_start3A_871 : memref<16x1024xf32, #tpu.memory_space<vmem>>) offsets(%dma_start3A_873 : memref<16xi32, #tpu.memory_space<vmem>>) semaphore(%arg11 : memref<!tpu.dma_semaphore, #tpu.memory_space<semaphore_mem>>)
    %dma_wait3A_877 = arith.constant 5 : i32
    %dma_wait3A_878 = arith.constant 0 : i32
    %dma_wait3A_879 = arith.constant 0 : i32
    %dma_wait3A_880 = tpu.memref_slice %arg6[%dma_wait3A_877, %dma_wait3A_878, %dma_wait3A_879] : memref<6x16x1024xf32, #tpu.memory_space<vmem>> -> memref<1x16x1024xf32, #tpu.memory_space<vmem>>
    %dma_wait3A_881 = tpu.memref_squeeze %dma_wait3A_880 : memref<1x16x1024xf32, #tpu.memory_space<vmem>> -> memref<16x1024xf32, #tpu.memory_space<vmem>>
    %dma_wait3A_882 = arith.constant 272 : i32
    %dma_wait3A_883 = tpu.memref_slice %arg5[%dma_wait3A_882] : memref<512xi32, #tpu.memory_space<vmem>> -> memref<16xi32, #tpu.memory_space<vmem>>
    %dma_wait3A_884 = arith.constant 0 : i32
    %dma_wait3A_885 = arith.constant 0 : i32
    %dma_wait3A_886 = tpu.memref_slice %arg3[%dma_wait3A_884, %dma_wait3A_885] : memref<100000x1024xf32, #tpu.memory_space<hbm>> -> memref<100000x1024xf32, #tpu.memory_space<hbm>>
    tpu.wait_indirect_dma semaphore(%arg12 : memref<!tpu.dma_semaphore, #tpu.memory_space<semaphore_mem>>) src(%dma_wait3A_886 : memref<100000x1024xf32, #tpu.memory_space<hbm>>) dst(%dma_wait3A_881 : memref<16x1024xf32, #tpu.memory_space<vmem>>)
    %add3A_887 = arith.constant 272 : i32
    %add3A_888 = arith.addi %mul3A_2, %add3A_887 : i32
    %dma_start3A_889 = arith.constant 5 : i32
    %dma_start3A_890 = arith.constant 0 : i32
    %dma_start3A_891 = arith.constant 0 : i32
    %dma_start3A_892 = tpu.memref_slice %arg6[%dma_start3A_889, %dma_start3A_890, %dma_start3A_891] : memref<6x16x1024xf32, #tpu.memory_space<vmem>> -> memref<1x16x1024xf32, #tpu.memory_space<vmem>>
    %dma_start3A_893 = tpu.memref_squeeze %dma_start3A_892 : memref<1x16x1024xf32, #tpu.memory_space<vmem>> -> memref<16x1024xf32, #tpu.memory_space<vmem>>
    %dma_start3A_894 = arith.constant 0 : i32
    %dma_start3A_895 = tpu.memref_slice %arg4[%add3A_888, %dma_start3A_894] : memref<16384x1024xf32, #tpu.memory_space<hbm>> -> memref<16x1024xf32, #tpu.memory_space<hbm>>
    %dma_start3A_896 = arith.constant 0 : i32
    %dma_start3A_897 = tpu.memref_slice %arg4[%add3A_888, %dma_start3A_896] : memref<16384x1024xf32, #tpu.memory_space<hbm>> -> memref<16x1024xf32, #tpu.memory_space<hbm>>
    %dma_start3A_898 = arith.constant 0 : i32
    %dma_start3A_899 = arith.constant 0 : i32
    %dma_start3A_900 = tpu.memref_slice %arg6[%dma_start3A_889, %dma_start3A_898, %dma_start3A_899] : memref<6x16x1024xf32, #tpu.memory_space<vmem>> -> memref<1x16x1024xf32, #tpu.memory_space<vmem>>
    %dma_start3A_901 = tpu.memref_squeeze %dma_start3A_900 : memref<1x16x1024xf32, #tpu.memory_space<vmem>> -> memref<16x1024xf32, #tpu.memory_space<vmem>>
    tpu.enqueue_dma source(%dma_start3A_901 : memref<16x1024xf32, #tpu.memory_space<vmem>>) target(%dma_start3A_897 : memref<16x1024xf32, #tpu.memory_space<hbm>>) target_semaphore(%arg18 : memref<!tpu.dma_semaphore, #tpu.memory_space<semaphore_mem>>)
    %dma_wait3A_902 = arith.constant 5 : i32
    %dma_wait3A_903 = arith.constant 0 : i32
    %dma_wait3A_904 = arith.constant 0 : i32
    %dma_wait3A_905 = tpu.memref_slice %arg6[%dma_wait3A_902, %dma_wait3A_903, %dma_wait3A_904] : memref<6x16x1024xf32, #tpu.memory_space<vmem>> -> memref<1x16x1024xf32, #tpu.memory_space<vmem>>
    %dma_wait3A_906 = tpu.memref_squeeze %dma_wait3A_905 : memref<1x16x1024xf32, #tpu.memory_space<vmem>> -> memref<16x1024xf32, #tpu.memory_space<vmem>>
    %dma_wait3A_907 = arith.constant 0 : i32
    %dma_wait3A_908 = tpu.memref_slice %arg4[%add3A_888, %dma_wait3A_907] : memref<16384x1024xf32, #tpu.memory_space<hbm>> -> memref<16x1024xf32, #tpu.memory_space<hbm>>
    %dma_wait3A_909 = arith.constant 0 : i32
    %dma_wait3A_910 = tpu.memref_slice %arg4[%add3A_888, %dma_wait3A_909] : memref<16384x1024xf32, #tpu.memory_space<hbm>> -> memref<16x1024xf32, #tpu.memory_space<hbm>>
    %dma_wait3A_911 = arith.constant 0 : i32
    %dma_wait3A_912 = arith.constant 0 : i32
    %dma_wait3A_913 = tpu.memref_slice %arg6[%dma_wait3A_902, %dma_wait3A_911, %dma_wait3A_912] : memref<6x16x1024xf32, #tpu.memory_space<vmem>> -> memref<1x16x1024xf32, #tpu.memory_space<vmem>>
    %dma_wait3A_914 = tpu.memref_squeeze %dma_wait3A_913 : memref<1x16x1024xf32, #tpu.memory_space<vmem>> -> memref<16x1024xf32, #tpu.memory_space<vmem>>
    tpu.wait_dma2 semaphore(%arg18 : memref<!tpu.dma_semaphore, #tpu.memory_space<semaphore_mem>>) src(%dma_wait3A_914 : memref<16x1024xf32, #tpu.memory_space<vmem>>) dst(%dma_wait3A_910 : memref<16x1024xf32, #tpu.memory_space<hbm>>)
    %dma_start3A_915 = arith.constant 5 : i32
    %dma_start3A_916 = arith.constant 0 : i32
    %dma_start3A_917 = arith.constant 0 : i32
    %dma_start3A_918 = tpu.memref_slice %arg6[%dma_start3A_915, %dma_start3A_916, %dma_start3A_917] : memref<6x16x1024xf32, #tpu.memory_space<vmem>> -> memref<1x16x1024xf32, #tpu.memory_space<vmem>>
    %dma_start3A_919 = tpu.memref_squeeze %dma_start3A_918 : memref<1x16x1024xf32, #tpu.memory_space<vmem>> -> memref<16x1024xf32, #tpu.memory_space<vmem>>
    %dma_start3A_920 = arith.constant 368 : i32
    %dma_start3A_921 = tpu.memref_slice %arg5[%dma_start3A_920] : memref<512xi32, #tpu.memory_space<vmem>> -> memref<16xi32, #tpu.memory_space<vmem>>
    %dma_start3A_922 = arith.constant 0 : i32
    %dma_start3A_923 = arith.constant 0 : i32
    %dma_start3A_924 = tpu.memref_slice %arg3[%dma_start3A_922, %dma_start3A_923] : memref<100000x1024xf32, #tpu.memory_space<hbm>> -> memref<100000x1024xf32, #tpu.memory_space<hbm>>
    tpu.enqueue_indirect_dma source(%dma_start3A_924 : memref<100000x1024xf32, #tpu.memory_space<hbm>>) target(%dma_start3A_919 : memref<16x1024xf32, #tpu.memory_space<vmem>>) offsets(%dma_start3A_921 : memref<16xi32, #tpu.memory_space<vmem>>) semaphore(%arg12 : memref<!tpu.dma_semaphore, #tpu.memory_space<semaphore_mem>>)
    %dma_wait3A_925 = arith.constant 0 : i32
    %dma_wait3A_926 = arith.constant 0 : i32
    %dma_wait3A_927 = arith.constant 0 : i32
    %dma_wait3A_928 = tpu.memref_slice %arg6[%dma_wait3A_925, %dma_wait3A_926, %dma_wait3A_927] : memref<6x16x1024xf32, #tpu.memory_space<vmem>> -> memref<1x16x1024xf32, #tpu.memory_space<vmem>>
    %dma_wait3A_929 = tpu.memref_squeeze %dma_wait3A_928 : memref<1x16x1024xf32, #tpu.memory_space<vmem>> -> memref<16x1024xf32, #tpu.memory_space<vmem>>
    %dma_wait3A_930 = arith.constant 288 : i32
    %dma_wait3A_931 = tpu.memref_slice %arg5[%dma_wait3A_930] : memref<512xi32, #tpu.memory_space<vmem>> -> memref<16xi32, #tpu.memory_space<vmem>>
    %dma_wait3A_932 = arith.constant 0 : i32
    %dma_wait3A_933 = arith.constant 0 : i32
    %dma_wait3A_934 = tpu.memref_slice %arg3[%dma_wait3A_932, %dma_wait3A_933] : memref<100000x1024xf32, #tpu.memory_space<hbm>> -> memref<100000x1024xf32, #tpu.memory_space<hbm>>
    tpu.wait_indirect_dma semaphore(%arg7 : memref<!tpu.dma_semaphore, #tpu.memory_space<semaphore_mem>>) src(%dma_wait3A_934 : memref<100000x1024xf32, #tpu.memory_space<hbm>>) dst(%dma_wait3A_929 : memref<16x1024xf32, #tpu.memory_space<vmem>>)
    %add3A_935 = arith.constant 288 : i32
    %add3A_936 = arith.addi %mul3A_2, %add3A_935 : i32
    %dma_start3A_937 = arith.constant 0 : i32
    %dma_start3A_938 = arith.constant 0 : i32
    %dma_start3A_939 = arith.constant 0 : i32
    %dma_start3A_940 = tpu.memref_slice %arg6[%dma_start3A_937, %dma_start3A_938, %dma_start3A_939] : memref<6x16x1024xf32, #tpu.memory_space<vmem>> -> memref<1x16x1024xf32, #tpu.memory_space<vmem>>
    %dma_start3A_941 = tpu.memref_squeeze %dma_start3A_940 : memref<1x16x1024xf32, #tpu.memory_space<vmem>> -> memref<16x1024xf32, #tpu.memory_space<vmem>>
    %dma_start3A_942 = arith.constant 0 : i32
    %dma_start3A_943 = tpu.memref_slice %arg4[%add3A_936, %dma_start3A_942] : memref<16384x1024xf32, #tpu.memory_space<hbm>> -> memref<16x1024xf32, #tpu.memory_space<hbm>>
    %dma_start3A_944 = arith.constant 0 : i32
    %dma_start3A_945 = tpu.memref_slice %arg4[%add3A_936, %dma_start3A_944] : memref<16384x1024xf32, #tpu.memory_space<hbm>> -> memref<16x1024xf32, #tpu.memory_space<hbm>>
    %dma_start3A_946 = arith.constant 0 : i32
    %dma_start3A_947 = arith.constant 0 : i32
    %dma_start3A_948 = tpu.memref_slice %arg6[%dma_start3A_937, %dma_start3A_946, %dma_start3A_947] : memref<6x16x1024xf32, #tpu.memory_space<vmem>> -> memref<1x16x1024xf32, #tpu.memory_space<vmem>>
    %dma_start3A_949 = tpu.memref_squeeze %dma_start3A_948 : memref<1x16x1024xf32, #tpu.memory_space<vmem>> -> memref<16x1024xf32, #tpu.memory_space<vmem>>
    tpu.enqueue_dma source(%dma_start3A_949 : memref<16x1024xf32, #tpu.memory_space<vmem>>) target(%dma_start3A_945 : memref<16x1024xf32, #tpu.memory_space<hbm>>) target_semaphore(%arg13 : memref<!tpu.dma_semaphore, #tpu.memory_space<semaphore_mem>>)
    %dma_wait3A_950 = arith.constant 0 : i32
    %dma_wait3A_951 = arith.constant 0 : i32
    %dma_wait3A_952 = arith.constant 0 : i32
    %dma_wait3A_953 = tpu.memref_slice %arg6[%dma_wait3A_950, %dma_wait3A_951, %dma_wait3A_952] : memref<6x16x1024xf32, #tpu.memory_space<vmem>> -> memref<1x16x1024xf32, #tpu.memory_space<vmem>>
    %dma_wait3A_954 = tpu.memref_squeeze %dma_wait3A_953 : memref<1x16x1024xf32, #tpu.memory_space<vmem>> -> memref<16x1024xf32, #tpu.memory_space<vmem>>
    %dma_wait3A_955 = arith.constant 0 : i32
    %dma_wait3A_956 = tpu.memref_slice %arg4[%add3A_936, %dma_wait3A_955] : memref<16384x1024xf32, #tpu.memory_space<hbm>> -> memref<16x1024xf32, #tpu.memory_space<hbm>>
    %dma_wait3A_957 = arith.constant 0 : i32
    %dma_wait3A_958 = tpu.memref_slice %arg4[%add3A_936, %dma_wait3A_957] : memref<16384x1024xf32, #tpu.memory_space<hbm>> -> memref<16x1024xf32, #tpu.memory_space<hbm>>
    %dma_wait3A_959 = arith.constant 0 : i32
    %dma_wait3A_960 = arith.constant 0 : i32
    %dma_wait3A_961 = tpu.memref_slice %arg6[%dma_wait3A_950, %dma_wait3A_959, %dma_wait3A_960] : memref<6x16x1024xf32, #tpu.memory_space<vmem>> -> memref<1x16x1024xf32, #tpu.memory_space<vmem>>
    %dma_wait3A_962 = tpu.memref_squeeze %dma_wait3A_961 : memref<1x16x1024xf32, #tpu.memory_space<vmem>> -> memref<16x1024xf32, #tpu.memory_space<vmem>>
    tpu.wait_dma2 semaphore(%arg13 : memref<!tpu.dma_semaphore, #tpu.memory_space<semaphore_mem>>) src(%dma_wait3A_962 : memref<16x1024xf32, #tpu.memory_space<vmem>>) dst(%dma_wait3A_958 : memref<16x1024xf32, #tpu.memory_space<hbm>>)
    %dma_start3A_963 = arith.constant 0 : i32
    %dma_start3A_964 = arith.constant 0 : i32
    %dma_start3A_965 = arith.constant 0 : i32
    %dma_start3A_966 = tpu.memref_slice %arg6[%dma_start3A_963, %dma_start3A_964, %dma_start3A_965] : memref<6x16x1024xf32, #tpu.memory_space<vmem>> -> memref<1x16x1024xf32, #tpu.memory_space<vmem>>
    %dma_start3A_967 = tpu.memref_squeeze %dma_start3A_966 : memref<1x16x1024xf32, #tpu.memory_space<vmem>> -> memref<16x1024xf32, #tpu.memory_space<vmem>>
    %dma_start3A_968 = arith.constant 384 : i32
    %dma_start3A_969 = tpu.memref_slice %arg5[%dma_start3A_968] : memref<512xi32, #tpu.memory_space<vmem>> -> memref<16xi32, #tpu.memory_space<vmem>>
    %dma_start3A_970 = arith.constant 0 : i32
    %dma_start3A_971 = arith.constant 0 : i32
    %dma_start3A_972 = tpu.memref_slice %arg3[%dma_start3A_970, %dma_start3A_971] : memref<100000x1024xf32, #tpu.memory_space<hbm>> -> memref<100000x1024xf32, #tpu.memory_space<hbm>>
    tpu.enqueue_indirect_dma source(%dma_start3A_972 : memref<100000x1024xf32, #tpu.memory_space<hbm>>) target(%dma_start3A_967 : memref<16x1024xf32, #tpu.memory_space<vmem>>) offsets(%dma_start3A_969 : memref<16xi32, #tpu.memory_space<vmem>>) semaphore(%arg7 : memref<!tpu.dma_semaphore, #tpu.memory_space<semaphore_mem>>)
    %dma_wait3A_973 = arith.constant 1 : i32
    %dma_wait3A_974 = arith.constant 0 : i32
    %dma_wait3A_975 = arith.constant 0 : i32
    %dma_wait3A_976 = tpu.memref_slice %arg6[%dma_wait3A_973, %dma_wait3A_974, %dma_wait3A_975] : memref<6x16x1024xf32, #tpu.memory_space<vmem>> -> memref<1x16x1024xf32, #tpu.memory_space<vmem>>
    %dma_wait3A_977 = tpu.memref_squeeze %dma_wait3A_976 : memref<1x16x1024xf32, #tpu.memory_space<vmem>> -> memref<16x1024xf32, #tpu.memory_space<vmem>>
    %dma_wait3A_978 = arith.constant 304 : i32
    %dma_wait3A_979 = tpu.memref_slice %arg5[%dma_wait3A_978] : memref<512xi32, #tpu.memory_space<vmem>> -> memref<16xi32, #tpu.memory_space<vmem>>
    %dma_wait3A_980 = arith.constant 0 : i32
    %dma_wait3A_981 = arith.constant 0 : i32
    %dma_wait3A_982 = tpu.memref_slice %arg3[%dma_wait3A_980, %dma_wait3A_981] : memref<100000x1024xf32, #tpu.memory_space<hbm>> -> memref<100000x1024xf32, #tpu.memory_space<hbm>>
    tpu.wait_indirect_dma semaphore(%arg8 : memref<!tpu.dma_semaphore, #tpu.memory_space<semaphore_mem>>) src(%dma_wait3A_982 : memref<100000x1024xf32, #tpu.memory_space<hbm>>) dst(%dma_wait3A_977 : memref<16x1024xf32, #tpu.memory_space<vmem>>)
    %add3A_983 = arith.constant 304 : i32
    %add3A_984 = arith.addi %mul3A_2, %add3A_983 : i32
    %dma_start3A_985 = arith.constant 1 : i32
    %dma_start3A_986 = arith.constant 0 : i32
    %dma_start3A_987 = arith.constant 0 : i32
    %dma_start3A_988 = tpu.memref_slice %arg6[%dma_start3A_985, %dma_start3A_986, %dma_start3A_987] : memref<6x16x1024xf32, #tpu.memory_space<vmem>> -> memref<1x16x1024xf32, #tpu.memory_space<vmem>>
    %dma_start3A_989 = tpu.memref_squeeze %dma_start3A_988 : memref<1x16x1024xf32, #tpu.memory_space<vmem>> -> memref<16x1024xf32, #tpu.memory_space<vmem>>
    %dma_start3A_990 = arith.constant 0 : i32
    %dma_start3A_991 = tpu.memref_slice %arg4[%add3A_984, %dma_start3A_990] : memref<16384x1024xf32, #tpu.memory_space<hbm>> -> memref<16x1024xf32, #tpu.memory_space<hbm>>
    %dma_start3A_992 = arith.constant 0 : i32
    %dma_start3A_993 = tpu.memref_slice %arg4[%add3A_984, %dma_start3A_992] : memref<16384x1024xf32, #tpu.memory_space<hbm>> -> memref<16x1024xf32, #tpu.memory_space<hbm>>
    %dma_start3A_994 = arith.constant 0 : i32
    %dma_start3A_995 = arith.constant 0 : i32
    %dma_start3A_996 = tpu.memref_slice %arg6[%dma_start3A_985, %dma_start3A_994, %dma_start3A_995] : memref<6x16x1024xf32, #tpu.memory_space<vmem>> -> memref<1x16x1024xf32, #tpu.memory_space<vmem>>
    %dma_start3A_997 = tpu.memref_squeeze %dma_start3A_996 : memref<1x16x1024xf32, #tpu.memory_space<vmem>> -> memref<16x1024xf32, #tpu.memory_space<vmem>>
    tpu.enqueue_dma source(%dma_start3A_997 : memref<16x1024xf32, #tpu.memory_space<vmem>>) target(%dma_start3A_993 : memref<16x1024xf32, #tpu.memory_space<hbm>>) target_semaphore(%arg14 : memref<!tpu.dma_semaphore, #tpu.memory_space<semaphore_mem>>)
    %dma_wait3A_998 = arith.constant 1 : i32
    %dma_wait3A_999 = arith.constant 0 : i32
    %dma_wait3A_1000 = arith.constant 0 : i32
    %dma_wait3A_1001 = tpu.memref_slice %arg6[%dma_wait3A_998, %dma_wait3A_999, %dma_wait3A_1000] : memref<6x16x1024xf32, #tpu.memory_space<vmem>> -> memref<1x16x1024xf32, #tpu.memory_space<vmem>>
    %dma_wait3A_1002 = tpu.memref_squeeze %dma_wait3A_1001 : memref<1x16x1024xf32, #tpu.memory_space<vmem>> -> memref<16x1024xf32, #tpu.memory_space<vmem>>
    %dma_wait3A_1003 = arith.constant 0 : i32
    %dma_wait3A_1004 = tpu.memref_slice %arg4[%add3A_984, %dma_wait3A_1003] : memref<16384x1024xf32, #tpu.memory_space<hbm>> -> memref<16x1024xf32, #tpu.memory_space<hbm>>
    %dma_wait3A_1005 = arith.constant 0 : i32
    %dma_wait3A_1006 = tpu.memref_slice %arg4[%add3A_984, %dma_wait3A_1005] : memref<16384x1024xf32, #tpu.memory_space<hbm>> -> memref<16x1024xf32, #tpu.memory_space<hbm>>
    %dma_wait3A_1007 = arith.constant 0 : i32
    %dma_wait3A_1008 = arith.constant 0 : i32
    %dma_wait3A_1009 = tpu.memref_slice %arg6[%dma_wait3A_998, %dma_wait3A_1007, %dma_wait3A_1008] : memref<6x16x1024xf32, #tpu.memory_space<vmem>> -> memref<1x16x1024xf32, #tpu.memory_space<vmem>>
    %dma_wait3A_1010 = tpu.memref_squeeze %dma_wait3A_1009 : memref<1x16x1024xf32, #tpu.memory_space<vmem>> -> memref<16x1024xf32, #tpu.memory_space<vmem>>
    tpu.wait_dma2 semaphore(%arg14 : memref<!tpu.dma_semaphore, #tpu.memory_space<semaphore_mem>>) src(%dma_wait3A_1010 : memref<16x1024xf32, #tpu.memory_space<vmem>>) dst(%dma_wait3A_1006 : memref<16x1024xf32, #tpu.memory_space<hbm>>)
    %dma_start3A_1011 = arith.constant 1 : i32
    %dma_start3A_1012 = arith.constant 0 : i32
    %dma_start3A_1013 = arith.constant 0 : i32
    %dma_start3A_1014 = tpu.memref_slice %arg6[%dma_start3A_1011, %dma_start3A_1012, %dma_start3A_1013] : memref<6x16x1024xf32, #tpu.memory_space<vmem>> -> memref<1x16x1024xf32, #tpu.memory_space<vmem>>
    %dma_start3A_1015 = tpu.memref_squeeze %dma_start3A_1014 : memref<1x16x1024xf32, #tpu.memory_space<vmem>> -> memref<16x1024xf32, #tpu.memory_space<vmem>>
    %dma_start3A_1016 = arith.constant 400 : i32
    %dma_start3A_1017 = tpu.memref_slice %arg5[%dma_start3A_1016] : memref<512xi32, #tpu.memory_space<vmem>> -> memref<16xi32, #tpu.memory_space<vmem>>
    %dma_start3A_1018 = arith.constant 0 : i32
    %dma_start3A_1019 = arith.constant 0 : i32
    %dma_start3A_1020 = tpu.memref_slice %arg3[%dma_start3A_1018, %dma_start3A_1019] : memref<100000x1024xf32, #tpu.memory_space<hbm>> -> memref<100000x1024xf32, #tpu.memory_space<hbm>>
    tpu.enqueue_indirect_dma source(%dma_start3A_1020 : memref<100000x1024xf32, #tpu.memory_space<hbm>>) target(%dma_start3A_1015 : memref<16x1024xf32, #tpu.memory_space<vmem>>) offsets(%dma_start3A_1017 : memref<16xi32, #tpu.memory_space<vmem>>) semaphore(%arg8 : memref<!tpu.dma_semaphore, #tpu.memory_space<semaphore_mem>>)
    %dma_wait3A_1021 = arith.constant 2 : i32
    %dma_wait3A_1022 = arith.constant 0 : i32
    %dma_wait3A_1023 = arith.constant 0 : i32
    %dma_wait3A_1024 = tpu.memref_slice %arg6[%dma_wait3A_1021, %dma_wait3A_1022, %dma_wait3A_1023] : memref<6x16x1024xf32, #tpu.memory_space<vmem>> -> memref<1x16x1024xf32, #tpu.memory_space<vmem>>
    %dma_wait3A_1025 = tpu.memref_squeeze %dma_wait3A_1024 : memref<1x16x1024xf32, #tpu.memory_space<vmem>> -> memref<16x1024xf32, #tpu.memory_space<vmem>>
    %dma_wait3A_1026 = arith.constant 320 : i32
    %dma_wait3A_1027 = tpu.memref_slice %arg5[%dma_wait3A_1026] : memref<512xi32, #tpu.memory_space<vmem>> -> memref<16xi32, #tpu.memory_space<vmem>>
    %dma_wait3A_1028 = arith.constant 0 : i32
    %dma_wait3A_1029 = arith.constant 0 : i32
    %dma_wait3A_1030 = tpu.memref_slice %arg3[%dma_wait3A_1028, %dma_wait3A_1029] : memref<100000x1024xf32, #tpu.memory_space<hbm>> -> memref<100000x1024xf32, #tpu.memory_space<hbm>>
    tpu.wait_indirect_dma semaphore(%arg9 : memref<!tpu.dma_semaphore, #tpu.memory_space<semaphore_mem>>) src(%dma_wait3A_1030 : memref<100000x1024xf32, #tpu.memory_space<hbm>>) dst(%dma_wait3A_1025 : memref<16x1024xf32, #tpu.memory_space<vmem>>)
    %add3A_1031 = arith.constant 320 : i32
    %add3A_1032 = arith.addi %mul3A_2, %add3A_1031 : i32
    %dma_start3A_1033 = arith.constant 2 : i32
    %dma_start3A_1034 = arith.constant 0 : i32
    %dma_start3A_1035 = arith.constant 0 : i32
    %dma_start3A_1036 = tpu.memref_slice %arg6[%dma_start3A_1033, %dma_start3A_1034, %dma_start3A_1035] : memref<6x16x1024xf32, #tpu.memory_space<vmem>> -> memref<1x16x1024xf32, #tpu.memory_space<vmem>>
    %dma_start3A_1037 = tpu.memref_squeeze %dma_start3A_1036 : memref<1x16x1024xf32, #tpu.memory_space<vmem>> -> memref<16x1024xf32, #tpu.memory_space<vmem>>
    %dma_start3A_1038 = arith.constant 0 : i32
    %dma_start3A_1039 = tpu.memref_slice %arg4[%add3A_1032, %dma_start3A_1038] : memref<16384x1024xf32, #tpu.memory_space<hbm>> -> memref<16x1024xf32, #tpu.memory_space<hbm>>
    %dma_start3A_1040 = arith.constant 0 : i32
    %dma_start3A_1041 = tpu.memref_slice %arg4[%add3A_1032, %dma_start3A_1040] : memref<16384x1024xf32, #tpu.memory_space<hbm>> -> memref<16x1024xf32, #tpu.memory_space<hbm>>
    %dma_start3A_1042 = arith.constant 0 : i32
    %dma_start3A_1043 = arith.constant 0 : i32
    %dma_start3A_1044 = tpu.memref_slice %arg6[%dma_start3A_1033, %dma_start3A_1042, %dma_start3A_1043] : memref<6x16x1024xf32, #tpu.memory_space<vmem>> -> memref<1x16x1024xf32, #tpu.memory_space<vmem>>
    %dma_start3A_1045 = tpu.memref_squeeze %dma_start3A_1044 : memref<1x16x1024xf32, #tpu.memory_space<vmem>> -> memref<16x1024xf32, #tpu.memory_space<vmem>>
    tpu.enqueue_dma source(%dma_start3A_1045 : memref<16x1024xf32, #tpu.memory_space<vmem>>) target(%dma_start3A_1041 : memref<16x1024xf32, #tpu.memory_space<hbm>>) target_semaphore(%arg15 : memref<!tpu.dma_semaphore, #tpu.memory_space<semaphore_mem>>)
    %dma_wait3A_1046 = arith.constant 2 : i32
    %dma_wait3A_1047 = arith.constant 0 : i32
    %dma_wait3A_1048 = arith.constant 0 : i32
    %dma_wait3A_1049 = tpu.memref_slice %arg6[%dma_wait3A_1046, %dma_wait3A_1047, %dma_wait3A_1048] : memref<6x16x1024xf32, #tpu.memory_space<vmem>> -> memref<1x16x1024xf32, #tpu.memory_space<vmem>>
    %dma_wait3A_1050 = tpu.memref_squeeze %dma_wait3A_1049 : memref<1x16x1024xf32, #tpu.memory_space<vmem>> -> memref<16x1024xf32, #tpu.memory_space<vmem>>
    %dma_wait3A_1051 = arith.constant 0 : i32
    %dma_wait3A_1052 = tpu.memref_slice %arg4[%add3A_1032, %dma_wait3A_1051] : memref<16384x1024xf32, #tpu.memory_space<hbm>> -> memref<16x1024xf32, #tpu.memory_space<hbm>>
    %dma_wait3A_1053 = arith.constant 0 : i32
    %dma_wait3A_1054 = tpu.memref_slice %arg4[%add3A_1032, %dma_wait3A_1053] : memref<16384x1024xf32, #tpu.memory_space<hbm>> -> memref<16x1024xf32, #tpu.memory_space<hbm>>
    %dma_wait3A_1055 = arith.constant 0 : i32
    %dma_wait3A_1056 = arith.constant 0 : i32
    %dma_wait3A_1057 = tpu.memref_slice %arg6[%dma_wait3A_1046, %dma_wait3A_1055, %dma_wait3A_1056] : memref<6x16x1024xf32, #tpu.memory_space<vmem>> -> memref<1x16x1024xf32, #tpu.memory_space<vmem>>
    %dma_wait3A_1058 = tpu.memref_squeeze %dma_wait3A_1057 : memref<1x16x1024xf32, #tpu.memory_space<vmem>> -> memref<16x1024xf32, #tpu.memory_space<vmem>>
    tpu.wait_dma2 semaphore(%arg15 : memref<!tpu.dma_semaphore, #tpu.memory_space<semaphore_mem>>) src(%dma_wait3A_1058 : memref<16x1024xf32, #tpu.memory_space<vmem>>) dst(%dma_wait3A_1054 : memref<16x1024xf32, #tpu.memory_space<hbm>>)
    %dma_start3A_1059 = arith.constant 2 : i32
    %dma_start3A_1060 = arith.constant 0 : i32
    %dma_start3A_1061 = arith.constant 0 : i32
    %dma_start3A_1062 = tpu.memref_slice %arg6[%dma_start3A_1059, %dma_start3A_1060, %dma_start3A_1061] : memref<6x16x1024xf32, #tpu.memory_space<vmem>> -> memref<1x16x1024xf32, #tpu.memory_space<vmem>>
    %dma_start3A_1063 = tpu.memref_squeeze %dma_start3A_1062 : memref<1x16x1024xf32, #tpu.memory_space<vmem>> -> memref<16x1024xf32, #tpu.memory_space<vmem>>
    %dma_start3A_1064 = arith.constant 416 : i32
    %dma_start3A_1065 = tpu.memref_slice %arg5[%dma_start3A_1064] : memref<512xi32, #tpu.memory_space<vmem>> -> memref<16xi32, #tpu.memory_space<vmem>>
    %dma_start3A_1066 = arith.constant 0 : i32
    %dma_start3A_1067 = arith.constant 0 : i32
    %dma_start3A_1068 = tpu.memref_slice %arg3[%dma_start3A_1066, %dma_start3A_1067] : memref<100000x1024xf32, #tpu.memory_space<hbm>> -> memref<100000x1024xf32, #tpu.memory_space<hbm>>
    tpu.enqueue_indirect_dma source(%dma_start3A_1068 : memref<100000x1024xf32, #tpu.memory_space<hbm>>) target(%dma_start3A_1063 : memref<16x1024xf32, #tpu.memory_space<vmem>>) offsets(%dma_start3A_1065 : memref<16xi32, #tpu.memory_space<vmem>>) semaphore(%arg9 : memref<!tpu.dma_semaphore, #tpu.memory_space<semaphore_mem>>)
    %dma_wait3A_1069 = arith.constant 3 : i32
    %dma_wait3A_1070 = arith.constant 0 : i32
    %dma_wait3A_1071 = arith.constant 0 : i32
    %dma_wait3A_1072 = tpu.memref_slice %arg6[%dma_wait3A_1069, %dma_wait3A_1070, %dma_wait3A_1071] : memref<6x16x1024xf32, #tpu.memory_space<vmem>> -> memref<1x16x1024xf32, #tpu.memory_space<vmem>>
    %dma_wait3A_1073 = tpu.memref_squeeze %dma_wait3A_1072 : memref<1x16x1024xf32, #tpu.memory_space<vmem>> -> memref<16x1024xf32, #tpu.memory_space<vmem>>
    %dma_wait3A_1074 = arith.constant 336 : i32
    %dma_wait3A_1075 = tpu.memref_slice %arg5[%dma_wait3A_1074] : memref<512xi32, #tpu.memory_space<vmem>> -> memref<16xi32, #tpu.memory_space<vmem>>
    %dma_wait3A_1076 = arith.constant 0 : i32
    %dma_wait3A_1077 = arith.constant 0 : i32
    %dma_wait3A_1078 = tpu.memref_slice %arg3[%dma_wait3A_1076, %dma_wait3A_1077] : memref<100000x1024xf32, #tpu.memory_space<hbm>> -> memref<100000x1024xf32, #tpu.memory_space<hbm>>
    tpu.wait_indirect_dma semaphore(%arg10 : memref<!tpu.dma_semaphore, #tpu.memory_space<semaphore_mem>>) src(%dma_wait3A_1078 : memref<100000x1024xf32, #tpu.memory_space<hbm>>) dst(%dma_wait3A_1073 : memref<16x1024xf32, #tpu.memory_space<vmem>>)
    %add3A_1079 = arith.constant 336 : i32
    %add3A_1080 = arith.addi %mul3A_2, %add3A_1079 : i32
    %dma_start3A_1081 = arith.constant 3 : i32
    %dma_start3A_1082 = arith.constant 0 : i32
    %dma_start3A_1083 = arith.constant 0 : i32
    %dma_start3A_1084 = tpu.memref_slice %arg6[%dma_start3A_1081, %dma_start3A_1082, %dma_start3A_1083] : memref<6x16x1024xf32, #tpu.memory_space<vmem>> -> memref<1x16x1024xf32, #tpu.memory_space<vmem>>
    %dma_start3A_1085 = tpu.memref_squeeze %dma_start3A_1084 : memref<1x16x1024xf32, #tpu.memory_space<vmem>> -> memref<16x1024xf32, #tpu.memory_space<vmem>>
    %dma_start3A_1086 = arith.constant 0 : i32
    %dma_start3A_1087 = tpu.memref_slice %arg4[%add3A_1080, %dma_start3A_1086] : memref<16384x1024xf32, #tpu.memory_space<hbm>> -> memref<16x1024xf32, #tpu.memory_space<hbm>>
    %dma_start3A_1088 = arith.constant 0 : i32
    %dma_start3A_1089 = tpu.memref_slice %arg4[%add3A_1080, %dma_start3A_1088] : memref<16384x1024xf32, #tpu.memory_space<hbm>> -> memref<16x1024xf32, #tpu.memory_space<hbm>>
    %dma_start3A_1090 = arith.constant 0 : i32
    %dma_start3A_1091 = arith.constant 0 : i32
    %dma_start3A_1092 = tpu.memref_slice %arg6[%dma_start3A_1081, %dma_start3A_1090, %dma_start3A_1091] : memref<6x16x1024xf32, #tpu.memory_space<vmem>> -> memref<1x16x1024xf32, #tpu.memory_space<vmem>>
    %dma_start3A_1093 = tpu.memref_squeeze %dma_start3A_1092 : memref<1x16x1024xf32, #tpu.memory_space<vmem>> -> memref<16x1024xf32, #tpu.memory_space<vmem>>
    tpu.enqueue_dma source(%dma_start3A_1093 : memref<16x1024xf32, #tpu.memory_space<vmem>>) target(%dma_start3A_1089 : memref<16x1024xf32, #tpu.memory_space<hbm>>) target_semaphore(%arg16 : memref<!tpu.dma_semaphore, #tpu.memory_space<semaphore_mem>>)
    %dma_wait3A_1094 = arith.constant 3 : i32
    %dma_wait3A_1095 = arith.constant 0 : i32
    %dma_wait3A_1096 = arith.constant 0 : i32
    %dma_wait3A_1097 = tpu.memref_slice %arg6[%dma_wait3A_1094, %dma_wait3A_1095, %dma_wait3A_1096] : memref<6x16x1024xf32, #tpu.memory_space<vmem>> -> memref<1x16x1024xf32, #tpu.memory_space<vmem>>
    %dma_wait3A_1098 = tpu.memref_squeeze %dma_wait3A_1097 : memref<1x16x1024xf32, #tpu.memory_space<vmem>> -> memref<16x1024xf32, #tpu.memory_space<vmem>>
    %dma_wait3A_1099 = arith.constant 0 : i32
    %dma_wait3A_1100 = tpu.memref_slice %arg4[%add3A_1080, %dma_wait3A_1099] : memref<16384x1024xf32, #tpu.memory_space<hbm>> -> memref<16x1024xf32, #tpu.memory_space<hbm>>
    %dma_wait3A_1101 = arith.constant 0 : i32
    %dma_wait3A_1102 = tpu.memref_slice %arg4[%add3A_1080, %dma_wait3A_1101] : memref<16384x1024xf32, #tpu.memory_space<hbm>> -> memref<16x1024xf32, #tpu.memory_space<hbm>>
    %dma_wait3A_1103 = arith.constant 0 : i32
    %dma_wait3A_1104 = arith.constant 0 : i32
    %dma_wait3A_1105 = tpu.memref_slice %arg6[%dma_wait3A_1094, %dma_wait3A_1103, %dma_wait3A_1104] : memref<6x16x1024xf32, #tpu.memory_space<vmem>> -> memref<1x16x1024xf32, #tpu.memory_space<vmem>>
    %dma_wait3A_1106 = tpu.memref_squeeze %dma_wait3A_1105 : memref<1x16x1024xf32, #tpu.memory_space<vmem>> -> memref<16x1024xf32, #tpu.memory_space<vmem>>
    tpu.wait_dma2 semaphore(%arg16 : memref<!tpu.dma_semaphore, #tpu.memory_space<semaphore_mem>>) src(%dma_wait3A_1106 : memref<16x1024xf32, #tpu.memory_space<vmem>>) dst(%dma_wait3A_1102 : memref<16x1024xf32, #tpu.memory_space<hbm>>)
    %dma_start3A_1107 = arith.constant 3 : i32
    %dma_start3A_1108 = arith.constant 0 : i32
    %dma_start3A_1109 = arith.constant 0 : i32
    %dma_start3A_1110 = tpu.memref_slice %arg6[%dma_start3A_1107, %dma_start3A_1108, %dma_start3A_1109] : memref<6x16x1024xf32, #tpu.memory_space<vmem>> -> memref<1x16x1024xf32, #tpu.memory_space<vmem>>
    %dma_start3A_1111 = tpu.memref_squeeze %dma_start3A_1110 : memref<1x16x1024xf32, #tpu.memory_space<vmem>> -> memref<16x1024xf32, #tpu.memory_space<vmem>>
    %dma_start3A_1112 = arith.constant 432 : i32
    %dma_start3A_1113 = tpu.memref_slice %arg5[%dma_start3A_1112] : memref<512xi32, #tpu.memory_space<vmem>> -> memref<16xi32, #tpu.memory_space<vmem>>
    %dma_start3A_1114 = arith.constant 0 : i32
    %dma_start3A_1115 = arith.constant 0 : i32
    %dma_start3A_1116 = tpu.memref_slice %arg3[%dma_start3A_1114, %dma_start3A_1115] : memref<100000x1024xf32, #tpu.memory_space<hbm>> -> memref<100000x1024xf32, #tpu.memory_space<hbm>>
    tpu.enqueue_indirect_dma source(%dma_start3A_1116 : memref<100000x1024xf32, #tpu.memory_space<hbm>>) target(%dma_start3A_1111 : memref<16x1024xf32, #tpu.memory_space<vmem>>) offsets(%dma_start3A_1113 : memref<16xi32, #tpu.memory_space<vmem>>) semaphore(%arg10 : memref<!tpu.dma_semaphore, #tpu.memory_space<semaphore_mem>>)
    %dma_wait3A_1117 = arith.constant 4 : i32
    %dma_wait3A_1118 = arith.constant 0 : i32
    %dma_wait3A_1119 = arith.constant 0 : i32
    %dma_wait3A_1120 = tpu.memref_slice %arg6[%dma_wait3A_1117, %dma_wait3A_1118, %dma_wait3A_1119] : memref<6x16x1024xf32, #tpu.memory_space<vmem>> -> memref<1x16x1024xf32, #tpu.memory_space<vmem>>
    %dma_wait3A_1121 = tpu.memref_squeeze %dma_wait3A_1120 : memref<1x16x1024xf32, #tpu.memory_space<vmem>> -> memref<16x1024xf32, #tpu.memory_space<vmem>>
    %dma_wait3A_1122 = arith.constant 352 : i32
    %dma_wait3A_1123 = tpu.memref_slice %arg5[%dma_wait3A_1122] : memref<512xi32, #tpu.memory_space<vmem>> -> memref<16xi32, #tpu.memory_space<vmem>>
    %dma_wait3A_1124 = arith.constant 0 : i32
    %dma_wait3A_1125 = arith.constant 0 : i32
    %dma_wait3A_1126 = tpu.memref_slice %arg3[%dma_wait3A_1124, %dma_wait3A_1125] : memref<100000x1024xf32, #tpu.memory_space<hbm>> -> memref<100000x1024xf32, #tpu.memory_space<hbm>>
    tpu.wait_indirect_dma semaphore(%arg11 : memref<!tpu.dma_semaphore, #tpu.memory_space<semaphore_mem>>) src(%dma_wait3A_1126 : memref<100000x1024xf32, #tpu.memory_space<hbm>>) dst(%dma_wait3A_1121 : memref<16x1024xf32, #tpu.memory_space<vmem>>)
    %add3A_1127 = arith.constant 352 : i32
    %add3A_1128 = arith.addi %mul3A_2, %add3A_1127 : i32
    %dma_start3A_1129 = arith.constant 4 : i32
    %dma_start3A_1130 = arith.constant 0 : i32
    %dma_start3A_1131 = arith.constant 0 : i32
    %dma_start3A_1132 = tpu.memref_slice %arg6[%dma_start3A_1129, %dma_start3A_1130, %dma_start3A_1131] : memref<6x16x1024xf32, #tpu.memory_space<vmem>> -> memref<1x16x1024xf32, #tpu.memory_space<vmem>>
    %dma_start3A_1133 = tpu.memref_squeeze %dma_start3A_1132 : memref<1x16x1024xf32, #tpu.memory_space<vmem>> -> memref<16x1024xf32, #tpu.memory_space<vmem>>
    %dma_start3A_1134 = arith.constant 0 : i32
    %dma_start3A_1135 = tpu.memref_slice %arg4[%add3A_1128, %dma_start3A_1134] : memref<16384x1024xf32, #tpu.memory_space<hbm>> -> memref<16x1024xf32, #tpu.memory_space<hbm>>
    %dma_start3A_1136 = arith.constant 0 : i32
    %dma_start3A_1137 = tpu.memref_slice %arg4[%add3A_1128, %dma_start3A_1136] : memref<16384x1024xf32, #tpu.memory_space<hbm>> -> memref<16x1024xf32, #tpu.memory_space<hbm>>
    %dma_start3A_1138 = arith.constant 0 : i32
    %dma_start3A_1139 = arith.constant 0 : i32
    %dma_start3A_1140 = tpu.memref_slice %arg6[%dma_start3A_1129, %dma_start3A_1138, %dma_start3A_1139] : memref<6x16x1024xf32, #tpu.memory_space<vmem>> -> memref<1x16x1024xf32, #tpu.memory_space<vmem>>
    %dma_start3A_1141 = tpu.memref_squeeze %dma_start3A_1140 : memref<1x16x1024xf32, #tpu.memory_space<vmem>> -> memref<16x1024xf32, #tpu.memory_space<vmem>>
    tpu.enqueue_dma source(%dma_start3A_1141 : memref<16x1024xf32, #tpu.memory_space<vmem>>) target(%dma_start3A_1137 : memref<16x1024xf32, #tpu.memory_space<hbm>>) target_semaphore(%arg17 : memref<!tpu.dma_semaphore, #tpu.memory_space<semaphore_mem>>)
    %dma_wait3A_1142 = arith.constant 4 : i32
    %dma_wait3A_1143 = arith.constant 0 : i32
    %dma_wait3A_1144 = arith.constant 0 : i32
    %dma_wait3A_1145 = tpu.memref_slice %arg6[%dma_wait3A_1142, %dma_wait3A_1143, %dma_wait3A_1144] : memref<6x16x1024xf32, #tpu.memory_space<vmem>> -> memref<1x16x1024xf32, #tpu.memory_space<vmem>>
    %dma_wait3A_1146 = tpu.memref_squeeze %dma_wait3A_1145 : memref<1x16x1024xf32, #tpu.memory_space<vmem>> -> memref<16x1024xf32, #tpu.memory_space<vmem>>
    %dma_wait3A_1147 = arith.constant 0 : i32
    %dma_wait3A_1148 = tpu.memref_slice %arg4[%add3A_1128, %dma_wait3A_1147] : memref<16384x1024xf32, #tpu.memory_space<hbm>> -> memref<16x1024xf32, #tpu.memory_space<hbm>>
    %dma_wait3A_1149 = arith.constant 0 : i32
    %dma_wait3A_1150 = tpu.memref_slice %arg4[%add3A_1128, %dma_wait3A_1149] : memref<16384x1024xf32, #tpu.memory_space<hbm>> -> memref<16x1024xf32, #tpu.memory_space<hbm>>
    %dma_wait3A_1151 = arith.constant 0 : i32
    %dma_wait3A_1152 = arith.constant 0 : i32
    %dma_wait3A_1153 = tpu.memref_slice %arg6[%dma_wait3A_1142, %dma_wait3A_1151, %dma_wait3A_1152] : memref<6x16x1024xf32, #tpu.memory_space<vmem>> -> memref<1x16x1024xf32, #tpu.memory_space<vmem>>
    %dma_wait3A_1154 = tpu.memref_squeeze %dma_wait3A_1153 : memref<1x16x1024xf32, #tpu.memory_space<vmem>> -> memref<16x1024xf32, #tpu.memory_space<vmem>>
    tpu.wait_dma2 semaphore(%arg17 : memref<!tpu.dma_semaphore, #tpu.memory_space<semaphore_mem>>) src(%dma_wait3A_1154 : memref<16x1024xf32, #tpu.memory_space<vmem>>) dst(%dma_wait3A_1150 : memref<16x1024xf32, #tpu.memory_space<hbm>>)
    %dma_start3A_1155 = arith.constant 4 : i32
    %dma_start3A_1156 = arith.constant 0 : i32
    %dma_start3A_1157 = arith.constant 0 : i32
    %dma_start3A_1158 = tpu.memref_slice %arg6[%dma_start3A_1155, %dma_start3A_1156, %dma_start3A_1157] : memref<6x16x1024xf32, #tpu.memory_space<vmem>> -> memref<1x16x1024xf32, #tpu.memory_space<vmem>>
    %dma_start3A_1159 = tpu.memref_squeeze %dma_start3A_1158 : memref<1x16x1024xf32, #tpu.memory_space<vmem>> -> memref<16x1024xf32, #tpu.memory_space<vmem>>
    %dma_start3A_1160 = arith.constant 448 : i32
    %dma_start3A_1161 = tpu.memref_slice %arg5[%dma_start3A_1160] : memref<512xi32, #tpu.memory_space<vmem>> -> memref<16xi32, #tpu.memory_space<vmem>>
    %dma_start3A_1162 = arith.constant 0 : i32
    %dma_start3A_1163 = arith.constant 0 : i32
    %dma_start3A_1164 = tpu.memref_slice %arg3[%dma_start3A_1162, %dma_start3A_1163] : memref<100000x1024xf32, #tpu.memory_space<hbm>> -> memref<100000x1024xf32, #tpu.memory_space<hbm>>
    tpu.enqueue_indirect_dma source(%dma_start3A_1164 : memref<100000x1024xf32, #tpu.memory_space<hbm>>) target(%dma_start3A_1159 : memref<16x1024xf32, #tpu.memory_space<vmem>>) offsets(%dma_start3A_1161 : memref<16xi32, #tpu.memory_space<vmem>>) semaphore(%arg11 : memref<!tpu.dma_semaphore, #tpu.memory_space<semaphore_mem>>)
    %dma_wait3A_1165 = arith.constant 5 : i32
    %dma_wait3A_1166 = arith.constant 0 : i32
    %dma_wait3A_1167 = arith.constant 0 : i32
    %dma_wait3A_1168 = tpu.memref_slice %arg6[%dma_wait3A_1165, %dma_wait3A_1166, %dma_wait3A_1167] : memref<6x16x1024xf32, #tpu.memory_space<vmem>> -> memref<1x16x1024xf32, #tpu.memory_space<vmem>>
    %dma_wait3A_1169 = tpu.memref_squeeze %dma_wait3A_1168 : memref<1x16x1024xf32, #tpu.memory_space<vmem>> -> memref<16x1024xf32, #tpu.memory_space<vmem>>
    %dma_wait3A_1170 = arith.constant 368 : i32
    %dma_wait3A_1171 = tpu.memref_slice %arg5[%dma_wait3A_1170] : memref<512xi32, #tpu.memory_space<vmem>> -> memref<16xi32, #tpu.memory_space<vmem>>
    %dma_wait3A_1172 = arith.constant 0 : i32
    %dma_wait3A_1173 = arith.constant 0 : i32
    %dma_wait3A_1174 = tpu.memref_slice %arg3[%dma_wait3A_1172, %dma_wait3A_1173] : memref<100000x1024xf32, #tpu.memory_space<hbm>> -> memref<100000x1024xf32, #tpu.memory_space<hbm>>
    tpu.wait_indirect_dma semaphore(%arg12 : memref<!tpu.dma_semaphore, #tpu.memory_space<semaphore_mem>>) src(%dma_wait3A_1174 : memref<100000x1024xf32, #tpu.memory_space<hbm>>) dst(%dma_wait3A_1169 : memref<16x1024xf32, #tpu.memory_space<vmem>>)
    %add3A_1175 = arith.constant 368 : i32
    %add3A_1176 = arith.addi %mul3A_2, %add3A_1175 : i32
    %dma_start3A_1177 = arith.constant 5 : i32
    %dma_start3A_1178 = arith.constant 0 : i32
    %dma_start3A_1179 = arith.constant 0 : i32
    %dma_start3A_1180 = tpu.memref_slice %arg6[%dma_start3A_1177, %dma_start3A_1178, %dma_start3A_1179] : memref<6x16x1024xf32, #tpu.memory_space<vmem>> -> memref<1x16x1024xf32, #tpu.memory_space<vmem>>
    %dma_start3A_1181 = tpu.memref_squeeze %dma_start3A_1180 : memref<1x16x1024xf32, #tpu.memory_space<vmem>> -> memref<16x1024xf32, #tpu.memory_space<vmem>>
    %dma_start3A_1182 = arith.constant 0 : i32
    %dma_start3A_1183 = tpu.memref_slice %arg4[%add3A_1176, %dma_start3A_1182] : memref<16384x1024xf32, #tpu.memory_space<hbm>> -> memref<16x1024xf32, #tpu.memory_space<hbm>>
    %dma_start3A_1184 = arith.constant 0 : i32
    %dma_start3A_1185 = tpu.memref_slice %arg4[%add3A_1176, %dma_start3A_1184] : memref<16384x1024xf32, #tpu.memory_space<hbm>> -> memref<16x1024xf32, #tpu.memory_space<hbm>>
    %dma_start3A_1186 = arith.constant 0 : i32
    %dma_start3A_1187 = arith.constant 0 : i32
    %dma_start3A_1188 = tpu.memref_slice %arg6[%dma_start3A_1177, %dma_start3A_1186, %dma_start3A_1187] : memref<6x16x1024xf32, #tpu.memory_space<vmem>> -> memref<1x16x1024xf32, #tpu.memory_space<vmem>>
    %dma_start3A_1189 = tpu.memref_squeeze %dma_start3A_1188 : memref<1x16x1024xf32, #tpu.memory_space<vmem>> -> memref<16x1024xf32, #tpu.memory_space<vmem>>
    tpu.enqueue_dma source(%dma_start3A_1189 : memref<16x1024xf32, #tpu.memory_space<vmem>>) target(%dma_start3A_1185 : memref<16x1024xf32, #tpu.memory_space<hbm>>) target_semaphore(%arg18 : memref<!tpu.dma_semaphore, #tpu.memory_space<semaphore_mem>>)
    %dma_wait3A_1190 = arith.constant 5 : i32
    %dma_wait3A_1191 = arith.constant 0 : i32
    %dma_wait3A_1192 = arith.constant 0 : i32
    %dma_wait3A_1193 = tpu.memref_slice %arg6[%dma_wait3A_1190, %dma_wait3A_1191, %dma_wait3A_1192] : memref<6x16x1024xf32, #tpu.memory_space<vmem>> -> memref<1x16x1024xf32, #tpu.memory_space<vmem>>
    %dma_wait3A_1194 = tpu.memref_squeeze %dma_wait3A_1193 : memref<1x16x1024xf32, #tpu.memory_space<vmem>> -> memref<16x1024xf32, #tpu.memory_space<vmem>>
    %dma_wait3A_1195 = arith.constant 0 : i32
    %dma_wait3A_1196 = tpu.memref_slice %arg4[%add3A_1176, %dma_wait3A_1195] : memref<16384x1024xf32, #tpu.memory_space<hbm>> -> memref<16x1024xf32, #tpu.memory_space<hbm>>
    %dma_wait3A_1197 = arith.constant 0 : i32
    %dma_wait3A_1198 = tpu.memref_slice %arg4[%add3A_1176, %dma_wait3A_1197] : memref<16384x1024xf32, #tpu.memory_space<hbm>> -> memref<16x1024xf32, #tpu.memory_space<hbm>>
    %dma_wait3A_1199 = arith.constant 0 : i32
    %dma_wait3A_1200 = arith.constant 0 : i32
    %dma_wait3A_1201 = tpu.memref_slice %arg6[%dma_wait3A_1190, %dma_wait3A_1199, %dma_wait3A_1200] : memref<6x16x1024xf32, #tpu.memory_space<vmem>> -> memref<1x16x1024xf32, #tpu.memory_space<vmem>>
    %dma_wait3A_1202 = tpu.memref_squeeze %dma_wait3A_1201 : memref<1x16x1024xf32, #tpu.memory_space<vmem>> -> memref<16x1024xf32, #tpu.memory_space<vmem>>
    tpu.wait_dma2 semaphore(%arg18 : memref<!tpu.dma_semaphore, #tpu.memory_space<semaphore_mem>>) src(%dma_wait3A_1202 : memref<16x1024xf32, #tpu.memory_space<vmem>>) dst(%dma_wait3A_1198 : memref<16x1024xf32, #tpu.memory_space<hbm>>)
    %dma_start3A_1203 = arith.constant 5 : i32
    %dma_start3A_1204 = arith.constant 0 : i32
    %dma_start3A_1205 = arith.constant 0 : i32
    %dma_start3A_1206 = tpu.memref_slice %arg6[%dma_start3A_1203, %dma_start3A_1204, %dma_start3A_1205] : memref<6x16x1024xf32, #tpu.memory_space<vmem>> -> memref<1x16x1024xf32, #tpu.memory_space<vmem>>
    %dma_start3A_1207 = tpu.memref_squeeze %dma_start3A_1206 : memref<1x16x1024xf32, #tpu.memory_space<vmem>> -> memref<16x1024xf32, #tpu.memory_space<vmem>>
    %dma_start3A_1208 = arith.constant 464 : i32
    %dma_start3A_1209 = tpu.memref_slice %arg5[%dma_start3A_1208] : memref<512xi32, #tpu.memory_space<vmem>> -> memref<16xi32, #tpu.memory_space<vmem>>
    %dma_start3A_1210 = arith.constant 0 : i32
    %dma_start3A_1211 = arith.constant 0 : i32
    %dma_start3A_1212 = tpu.memref_slice %arg3[%dma_start3A_1210, %dma_start3A_1211] : memref<100000x1024xf32, #tpu.memory_space<hbm>> -> memref<100000x1024xf32, #tpu.memory_space<hbm>>
    tpu.enqueue_indirect_dma source(%dma_start3A_1212 : memref<100000x1024xf32, #tpu.memory_space<hbm>>) target(%dma_start3A_1207 : memref<16x1024xf32, #tpu.memory_space<vmem>>) offsets(%dma_start3A_1209 : memref<16xi32, #tpu.memory_space<vmem>>) semaphore(%arg12 : memref<!tpu.dma_semaphore, #tpu.memory_space<semaphore_mem>>)
    %dma_wait3A_1213 = arith.constant 0 : i32
    %dma_wait3A_1214 = arith.constant 0 : i32
    %dma_wait3A_1215 = arith.constant 0 : i32
    %dma_wait3A_1216 = tpu.memref_slice %arg6[%dma_wait3A_1213, %dma_wait3A_1214, %dma_wait3A_1215] : memref<6x16x1024xf32, #tpu.memory_space<vmem>> -> memref<1x16x1024xf32, #tpu.memory_space<vmem>>
    %dma_wait3A_1217 = tpu.memref_squeeze %dma_wait3A_1216 : memref<1x16x1024xf32, #tpu.memory_space<vmem>> -> memref<16x1024xf32, #tpu.memory_space<vmem>>
    %dma_wait3A_1218 = arith.constant 384 : i32
    %dma_wait3A_1219 = tpu.memref_slice %arg5[%dma_wait3A_1218] : memref<512xi32, #tpu.memory_space<vmem>> -> memref<16xi32, #tpu.memory_space<vmem>>
    %dma_wait3A_1220 = arith.constant 0 : i32
    %dma_wait3A_1221 = arith.constant 0 : i32
    %dma_wait3A_1222 = tpu.memref_slice %arg3[%dma_wait3A_1220, %dma_wait3A_1221] : memref<100000x1024xf32, #tpu.memory_space<hbm>> -> memref<100000x1024xf32, #tpu.memory_space<hbm>>
    tpu.wait_indirect_dma semaphore(%arg7 : memref<!tpu.dma_semaphore, #tpu.memory_space<semaphore_mem>>) src(%dma_wait3A_1222 : memref<100000x1024xf32, #tpu.memory_space<hbm>>) dst(%dma_wait3A_1217 : memref<16x1024xf32, #tpu.memory_space<vmem>>)
    %add3A_1223 = arith.constant 384 : i32
    %add3A_1224 = arith.addi %mul3A_2, %add3A_1223 : i32
    %dma_start3A_1225 = arith.constant 0 : i32
    %dma_start3A_1226 = arith.constant 0 : i32
    %dma_start3A_1227 = arith.constant 0 : i32
    %dma_start3A_1228 = tpu.memref_slice %arg6[%dma_start3A_1225, %dma_start3A_1226, %dma_start3A_1227] : memref<6x16x1024xf32, #tpu.memory_space<vmem>> -> memref<1x16x1024xf32, #tpu.memory_space<vmem>>
    %dma_start3A_1229 = tpu.memref_squeeze %dma_start3A_1228 : memref<1x16x1024xf32, #tpu.memory_space<vmem>> -> memref<16x1024xf32, #tpu.memory_space<vmem>>
    %dma_start3A_1230 = arith.constant 0 : i32
    %dma_start3A_1231 = tpu.memref_slice %arg4[%add3A_1224, %dma_start3A_1230] : memref<16384x1024xf32, #tpu.memory_space<hbm>> -> memref<16x1024xf32, #tpu.memory_space<hbm>>
    %dma_start3A_1232 = arith.constant 0 : i32
    %dma_start3A_1233 = tpu.memref_slice %arg4[%add3A_1224, %dma_start3A_1232] : memref<16384x1024xf32, #tpu.memory_space<hbm>> -> memref<16x1024xf32, #tpu.memory_space<hbm>>
    %dma_start3A_1234 = arith.constant 0 : i32
    %dma_start3A_1235 = arith.constant 0 : i32
    %dma_start3A_1236 = tpu.memref_slice %arg6[%dma_start3A_1225, %dma_start3A_1234, %dma_start3A_1235] : memref<6x16x1024xf32, #tpu.memory_space<vmem>> -> memref<1x16x1024xf32, #tpu.memory_space<vmem>>
    %dma_start3A_1237 = tpu.memref_squeeze %dma_start3A_1236 : memref<1x16x1024xf32, #tpu.memory_space<vmem>> -> memref<16x1024xf32, #tpu.memory_space<vmem>>
    tpu.enqueue_dma source(%dma_start3A_1237 : memref<16x1024xf32, #tpu.memory_space<vmem>>) target(%dma_start3A_1233 : memref<16x1024xf32, #tpu.memory_space<hbm>>) target_semaphore(%arg13 : memref<!tpu.dma_semaphore, #tpu.memory_space<semaphore_mem>>)
    %dma_wait3A_1238 = arith.constant 0 : i32
    %dma_wait3A_1239 = arith.constant 0 : i32
    %dma_wait3A_1240 = arith.constant 0 : i32
    %dma_wait3A_1241 = tpu.memref_slice %arg6[%dma_wait3A_1238, %dma_wait3A_1239, %dma_wait3A_1240] : memref<6x16x1024xf32, #tpu.memory_space<vmem>> -> memref<1x16x1024xf32, #tpu.memory_space<vmem>>
    %dma_wait3A_1242 = tpu.memref_squeeze %dma_wait3A_1241 : memref<1x16x1024xf32, #tpu.memory_space<vmem>> -> memref<16x1024xf32, #tpu.memory_space<vmem>>
    %dma_wait3A_1243 = arith.constant 0 : i32
    %dma_wait3A_1244 = tpu.memref_slice %arg4[%add3A_1224, %dma_wait3A_1243] : memref<16384x1024xf32, #tpu.memory_space<hbm>> -> memref<16x1024xf32, #tpu.memory_space<hbm>>
    %dma_wait3A_1245 = arith.constant 0 : i32
    %dma_wait3A_1246 = tpu.memref_slice %arg4[%add3A_1224, %dma_wait3A_1245] : memref<16384x1024xf32, #tpu.memory_space<hbm>> -> memref<16x1024xf32, #tpu.memory_space<hbm>>
    %dma_wait3A_1247 = arith.constant 0 : i32
    %dma_wait3A_1248 = arith.constant 0 : i32
    %dma_wait3A_1249 = tpu.memref_slice %arg6[%dma_wait3A_1238, %dma_wait3A_1247, %dma_wait3A_1248] : memref<6x16x1024xf32, #tpu.memory_space<vmem>> -> memref<1x16x1024xf32, #tpu.memory_space<vmem>>
    %dma_wait3A_1250 = tpu.memref_squeeze %dma_wait3A_1249 : memref<1x16x1024xf32, #tpu.memory_space<vmem>> -> memref<16x1024xf32, #tpu.memory_space<vmem>>
    tpu.wait_dma2 semaphore(%arg13 : memref<!tpu.dma_semaphore, #tpu.memory_space<semaphore_mem>>) src(%dma_wait3A_1250 : memref<16x1024xf32, #tpu.memory_space<vmem>>) dst(%dma_wait3A_1246 : memref<16x1024xf32, #tpu.memory_space<hbm>>)
    %dma_start3A_1251 = arith.constant 0 : i32
    %dma_start3A_1252 = arith.constant 0 : i32
    %dma_start3A_1253 = arith.constant 0 : i32
    %dma_start3A_1254 = tpu.memref_slice %arg6[%dma_start3A_1251, %dma_start3A_1252, %dma_start3A_1253] : memref<6x16x1024xf32, #tpu.memory_space<vmem>> -> memref<1x16x1024xf32, #tpu.memory_space<vmem>>
    %dma_start3A_1255 = tpu.memref_squeeze %dma_start3A_1254 : memref<1x16x1024xf32, #tpu.memory_space<vmem>> -> memref<16x1024xf32, #tpu.memory_space<vmem>>
    %dma_start3A_1256 = arith.constant 480 : i32
    %dma_start3A_1257 = tpu.memref_slice %arg5[%dma_start3A_1256] : memref<512xi32, #tpu.memory_space<vmem>> -> memref<16xi32, #tpu.memory_space<vmem>>
    %dma_start3A_1258 = arith.constant 0 : i32
    %dma_start3A_1259 = arith.constant 0 : i32
    %dma_start3A_1260 = tpu.memref_slice %arg3[%dma_start3A_1258, %dma_start3A_1259] : memref<100000x1024xf32, #tpu.memory_space<hbm>> -> memref<100000x1024xf32, #tpu.memory_space<hbm>>
    tpu.enqueue_indirect_dma source(%dma_start3A_1260 : memref<100000x1024xf32, #tpu.memory_space<hbm>>) target(%dma_start3A_1255 : memref<16x1024xf32, #tpu.memory_space<vmem>>) offsets(%dma_start3A_1257 : memref<16xi32, #tpu.memory_space<vmem>>) semaphore(%arg7 : memref<!tpu.dma_semaphore, #tpu.memory_space<semaphore_mem>>)
    %dma_wait3A_1261 = arith.constant 1 : i32
    %dma_wait3A_1262 = arith.constant 0 : i32
    %dma_wait3A_1263 = arith.constant 0 : i32
    %dma_wait3A_1264 = tpu.memref_slice %arg6[%dma_wait3A_1261, %dma_wait3A_1262, %dma_wait3A_1263] : memref<6x16x1024xf32, #tpu.memory_space<vmem>> -> memref<1x16x1024xf32, #tpu.memory_space<vmem>>
    %dma_wait3A_1265 = tpu.memref_squeeze %dma_wait3A_1264 : memref<1x16x1024xf32, #tpu.memory_space<vmem>> -> memref<16x1024xf32, #tpu.memory_space<vmem>>
    %dma_wait3A_1266 = arith.constant 400 : i32
    %dma_wait3A_1267 = tpu.memref_slice %arg5[%dma_wait3A_1266] : memref<512xi32, #tpu.memory_space<vmem>> -> memref<16xi32, #tpu.memory_space<vmem>>
    %dma_wait3A_1268 = arith.constant 0 : i32
    %dma_wait3A_1269 = arith.constant 0 : i32
    %dma_wait3A_1270 = tpu.memref_slice %arg3[%dma_wait3A_1268, %dma_wait3A_1269] : memref<100000x1024xf32, #tpu.memory_space<hbm>> -> memref<100000x1024xf32, #tpu.memory_space<hbm>>
    tpu.wait_indirect_dma semaphore(%arg8 : memref<!tpu.dma_semaphore, #tpu.memory_space<semaphore_mem>>) src(%dma_wait3A_1270 : memref<100000x1024xf32, #tpu.memory_space<hbm>>) dst(%dma_wait3A_1265 : memref<16x1024xf32, #tpu.memory_space<vmem>>)
    %add3A_1271 = arith.constant 400 : i32
    %add3A_1272 = arith.addi %mul3A_2, %add3A_1271 : i32
    %dma_start3A_1273 = arith.constant 1 : i32
    %dma_start3A_1274 = arith.constant 0 : i32
    %dma_start3A_1275 = arith.constant 0 : i32
    %dma_start3A_1276 = tpu.memref_slice %arg6[%dma_start3A_1273, %dma_start3A_1274, %dma_start3A_1275] : memref<6x16x1024xf32, #tpu.memory_space<vmem>> -> memref<1x16x1024xf32, #tpu.memory_space<vmem>>
    %dma_start3A_1277 = tpu.memref_squeeze %dma_start3A_1276 : memref<1x16x1024xf32, #tpu.memory_space<vmem>> -> memref<16x1024xf32, #tpu.memory_space<vmem>>
    %dma_start3A_1278 = arith.constant 0 : i32
    %dma_start3A_1279 = tpu.memref_slice %arg4[%add3A_1272, %dma_start3A_1278] : memref<16384x1024xf32, #tpu.memory_space<hbm>> -> memref<16x1024xf32, #tpu.memory_space<hbm>>
    %dma_start3A_1280 = arith.constant 0 : i32
    %dma_start3A_1281 = tpu.memref_slice %arg4[%add3A_1272, %dma_start3A_1280] : memref<16384x1024xf32, #tpu.memory_space<hbm>> -> memref<16x1024xf32, #tpu.memory_space<hbm>>
    %dma_start3A_1282 = arith.constant 0 : i32
    %dma_start3A_1283 = arith.constant 0 : i32
    %dma_start3A_1284 = tpu.memref_slice %arg6[%dma_start3A_1273, %dma_start3A_1282, %dma_start3A_1283] : memref<6x16x1024xf32, #tpu.memory_space<vmem>> -> memref<1x16x1024xf32, #tpu.memory_space<vmem>>
    %dma_start3A_1285 = tpu.memref_squeeze %dma_start3A_1284 : memref<1x16x1024xf32, #tpu.memory_space<vmem>> -> memref<16x1024xf32, #tpu.memory_space<vmem>>
    tpu.enqueue_dma source(%dma_start3A_1285 : memref<16x1024xf32, #tpu.memory_space<vmem>>) target(%dma_start3A_1281 : memref<16x1024xf32, #tpu.memory_space<hbm>>) target_semaphore(%arg14 : memref<!tpu.dma_semaphore, #tpu.memory_space<semaphore_mem>>)
    %dma_wait3A_1286 = arith.constant 1 : i32
    %dma_wait3A_1287 = arith.constant 0 : i32
    %dma_wait3A_1288 = arith.constant 0 : i32
    %dma_wait3A_1289 = tpu.memref_slice %arg6[%dma_wait3A_1286, %dma_wait3A_1287, %dma_wait3A_1288] : memref<6x16x1024xf32, #tpu.memory_space<vmem>> -> memref<1x16x1024xf32, #tpu.memory_space<vmem>>
    %dma_wait3A_1290 = tpu.memref_squeeze %dma_wait3A_1289 : memref<1x16x1024xf32, #tpu.memory_space<vmem>> -> memref<16x1024xf32, #tpu.memory_space<vmem>>
    %dma_wait3A_1291 = arith.constant 0 : i32
    %dma_wait3A_1292 = tpu.memref_slice %arg4[%add3A_1272, %dma_wait3A_1291] : memref<16384x1024xf32, #tpu.memory_space<hbm>> -> memref<16x1024xf32, #tpu.memory_space<hbm>>
    %dma_wait3A_1293 = arith.constant 0 : i32
    %dma_wait3A_1294 = tpu.memref_slice %arg4[%add3A_1272, %dma_wait3A_1293] : memref<16384x1024xf32, #tpu.memory_space<hbm>> -> memref<16x1024xf32, #tpu.memory_space<hbm>>
    %dma_wait3A_1295 = arith.constant 0 : i32
    %dma_wait3A_1296 = arith.constant 0 : i32
    %dma_wait3A_1297 = tpu.memref_slice %arg6[%dma_wait3A_1286, %dma_wait3A_1295, %dma_wait3A_1296] : memref<6x16x1024xf32, #tpu.memory_space<vmem>> -> memref<1x16x1024xf32, #tpu.memory_space<vmem>>
    %dma_wait3A_1298 = tpu.memref_squeeze %dma_wait3A_1297 : memref<1x16x1024xf32, #tpu.memory_space<vmem>> -> memref<16x1024xf32, #tpu.memory_space<vmem>>
    tpu.wait_dma2 semaphore(%arg14 : memref<!tpu.dma_semaphore, #tpu.memory_space<semaphore_mem>>) src(%dma_wait3A_1298 : memref<16x1024xf32, #tpu.memory_space<vmem>>) dst(%dma_wait3A_1294 : memref<16x1024xf32, #tpu.memory_space<hbm>>)
    %dma_start3A_1299 = arith.constant 1 : i32
    %dma_start3A_1300 = arith.constant 0 : i32
    %dma_start3A_1301 = arith.constant 0 : i32
    %dma_start3A_1302 = tpu.memref_slice %arg6[%dma_start3A_1299, %dma_start3A_1300, %dma_start3A_1301] : memref<6x16x1024xf32, #tpu.memory_space<vmem>> -> memref<1x16x1024xf32, #tpu.memory_space<vmem>>
    %dma_start3A_1303 = tpu.memref_squeeze %dma_start3A_1302 : memref<1x16x1024xf32, #tpu.memory_space<vmem>> -> memref<16x1024xf32, #tpu.memory_space<vmem>>
    %dma_start3A_1304 = arith.constant 496 : i32
    %dma_start3A_1305 = tpu.memref_slice %arg5[%dma_start3A_1304] : memref<512xi32, #tpu.memory_space<vmem>> -> memref<16xi32, #tpu.memory_space<vmem>>
    %dma_start3A_1306 = arith.constant 0 : i32
    %dma_start3A_1307 = arith.constant 0 : i32
    %dma_start3A_1308 = tpu.memref_slice %arg3[%dma_start3A_1306, %dma_start3A_1307] : memref<100000x1024xf32, #tpu.memory_space<hbm>> -> memref<100000x1024xf32, #tpu.memory_space<hbm>>
    tpu.enqueue_indirect_dma source(%dma_start3A_1308 : memref<100000x1024xf32, #tpu.memory_space<hbm>>) target(%dma_start3A_1303 : memref<16x1024xf32, #tpu.memory_space<vmem>>) offsets(%dma_start3A_1305 : memref<16xi32, #tpu.memory_space<vmem>>) semaphore(%arg8 : memref<!tpu.dma_semaphore, #tpu.memory_space<semaphore_mem>>)
    %dma_wait3A_1309 = arith.constant 2 : i32
    %dma_wait3A_1310 = arith.constant 0 : i32
    %dma_wait3A_1311 = arith.constant 0 : i32
    %dma_wait3A_1312 = tpu.memref_slice %arg6[%dma_wait3A_1309, %dma_wait3A_1310, %dma_wait3A_1311] : memref<6x16x1024xf32, #tpu.memory_space<vmem>> -> memref<1x16x1024xf32, #tpu.memory_space<vmem>>
    %dma_wait3A_1313 = tpu.memref_squeeze %dma_wait3A_1312 : memref<1x16x1024xf32, #tpu.memory_space<vmem>> -> memref<16x1024xf32, #tpu.memory_space<vmem>>
    %dma_wait3A_1314 = arith.constant 416 : i32
    %dma_wait3A_1315 = tpu.memref_slice %arg5[%dma_wait3A_1314] : memref<512xi32, #tpu.memory_space<vmem>> -> memref<16xi32, #tpu.memory_space<vmem>>
    %dma_wait3A_1316 = arith.constant 0 : i32
    %dma_wait3A_1317 = arith.constant 0 : i32
    %dma_wait3A_1318 = tpu.memref_slice %arg3[%dma_wait3A_1316, %dma_wait3A_1317] : memref<100000x1024xf32, #tpu.memory_space<hbm>> -> memref<100000x1024xf32, #tpu.memory_space<hbm>>
    tpu.wait_indirect_dma semaphore(%arg9 : memref<!tpu.dma_semaphore, #tpu.memory_space<semaphore_mem>>) src(%dma_wait3A_1318 : memref<100000x1024xf32, #tpu.memory_space<hbm>>) dst(%dma_wait3A_1313 : memref<16x1024xf32, #tpu.memory_space<vmem>>)
    %add3A_1319 = arith.constant 416 : i32
    %add3A_1320 = arith.addi %mul3A_2, %add3A_1319 : i32
    %dma_start3A_1321 = arith.constant 2 : i32
    %dma_start3A_1322 = arith.constant 0 : i32
    %dma_start3A_1323 = arith.constant 0 : i32
    %dma_start3A_1324 = tpu.memref_slice %arg6[%dma_start3A_1321, %dma_start3A_1322, %dma_start3A_1323] : memref<6x16x1024xf32, #tpu.memory_space<vmem>> -> memref<1x16x1024xf32, #tpu.memory_space<vmem>>
    %dma_start3A_1325 = tpu.memref_squeeze %dma_start3A_1324 : memref<1x16x1024xf32, #tpu.memory_space<vmem>> -> memref<16x1024xf32, #tpu.memory_space<vmem>>
    %dma_start3A_1326 = arith.constant 0 : i32
    %dma_start3A_1327 = tpu.memref_slice %arg4[%add3A_1320, %dma_start3A_1326] : memref<16384x1024xf32, #tpu.memory_space<hbm>> -> memref<16x1024xf32, #tpu.memory_space<hbm>>
    %dma_start3A_1328 = arith.constant 0 : i32
    %dma_start3A_1329 = tpu.memref_slice %arg4[%add3A_1320, %dma_start3A_1328] : memref<16384x1024xf32, #tpu.memory_space<hbm>> -> memref<16x1024xf32, #tpu.memory_space<hbm>>
    %dma_start3A_1330 = arith.constant 0 : i32
    %dma_start3A_1331 = arith.constant 0 : i32
    %dma_start3A_1332 = tpu.memref_slice %arg6[%dma_start3A_1321, %dma_start3A_1330, %dma_start3A_1331] : memref<6x16x1024xf32, #tpu.memory_space<vmem>> -> memref<1x16x1024xf32, #tpu.memory_space<vmem>>
    %dma_start3A_1333 = tpu.memref_squeeze %dma_start3A_1332 : memref<1x16x1024xf32, #tpu.memory_space<vmem>> -> memref<16x1024xf32, #tpu.memory_space<vmem>>
    tpu.enqueue_dma source(%dma_start3A_1333 : memref<16x1024xf32, #tpu.memory_space<vmem>>) target(%dma_start3A_1329 : memref<16x1024xf32, #tpu.memory_space<hbm>>) target_semaphore(%arg15 : memref<!tpu.dma_semaphore, #tpu.memory_space<semaphore_mem>>)
    %dma_wait3A_1334 = arith.constant 3 : i32
    %dma_wait3A_1335 = arith.constant 0 : i32
    %dma_wait3A_1336 = arith.constant 0 : i32
    %dma_wait3A_1337 = tpu.memref_slice %arg6[%dma_wait3A_1334, %dma_wait3A_1335, %dma_wait3A_1336] : memref<6x16x1024xf32, #tpu.memory_space<vmem>> -> memref<1x16x1024xf32, #tpu.memory_space<vmem>>
    %dma_wait3A_1338 = tpu.memref_squeeze %dma_wait3A_1337 : memref<1x16x1024xf32, #tpu.memory_space<vmem>> -> memref<16x1024xf32, #tpu.memory_space<vmem>>
    %dma_wait3A_1339 = arith.constant 432 : i32
    %dma_wait3A_1340 = tpu.memref_slice %arg5[%dma_wait3A_1339] : memref<512xi32, #tpu.memory_space<vmem>> -> memref<16xi32, #tpu.memory_space<vmem>>
    %dma_wait3A_1341 = arith.constant 0 : i32
    %dma_wait3A_1342 = arith.constant 0 : i32
    %dma_wait3A_1343 = tpu.memref_slice %arg3[%dma_wait3A_1341, %dma_wait3A_1342] : memref<100000x1024xf32, #tpu.memory_space<hbm>> -> memref<100000x1024xf32, #tpu.memory_space<hbm>>
    tpu.wait_indirect_dma semaphore(%arg10 : memref<!tpu.dma_semaphore, #tpu.memory_space<semaphore_mem>>) src(%dma_wait3A_1343 : memref<100000x1024xf32, #tpu.memory_space<hbm>>) dst(%dma_wait3A_1338 : memref<16x1024xf32, #tpu.memory_space<vmem>>)
    %add3A_1344 = arith.constant 432 : i32
    %add3A_1345 = arith.addi %mul3A_2, %add3A_1344 : i32
    %dma_start3A_1346 = arith.constant 3 : i32
    %dma_start3A_1347 = arith.constant 0 : i32
    %dma_start3A_1348 = arith.constant 0 : i32
    %dma_start3A_1349 = tpu.memref_slice %arg6[%dma_start3A_1346, %dma_start3A_1347, %dma_start3A_1348] : memref<6x16x1024xf32, #tpu.memory_space<vmem>> -> memref<1x16x1024xf32, #tpu.memory_space<vmem>>
    %dma_start3A_1350 = tpu.memref_squeeze %dma_start3A_1349 : memref<1x16x1024xf32, #tpu.memory_space<vmem>> -> memref<16x1024xf32, #tpu.memory_space<vmem>>
    %dma_start3A_1351 = arith.constant 0 : i32
    %dma_start3A_1352 = tpu.memref_slice %arg4[%add3A_1345, %dma_start3A_1351] : memref<16384x1024xf32, #tpu.memory_space<hbm>> -> memref<16x1024xf32, #tpu.memory_space<hbm>>
    %dma_start3A_1353 = arith.constant 0 : i32
    %dma_start3A_1354 = tpu.memref_slice %arg4[%add3A_1345, %dma_start3A_1353] : memref<16384x1024xf32, #tpu.memory_space<hbm>> -> memref<16x1024xf32, #tpu.memory_space<hbm>>
    %dma_start3A_1355 = arith.constant 0 : i32
    %dma_start3A_1356 = arith.constant 0 : i32
    %dma_start3A_1357 = tpu.memref_slice %arg6[%dma_start3A_1346, %dma_start3A_1355, %dma_start3A_1356] : memref<6x16x1024xf32, #tpu.memory_space<vmem>> -> memref<1x16x1024xf32, #tpu.memory_space<vmem>>
    %dma_start3A_1358 = tpu.memref_squeeze %dma_start3A_1357 : memref<1x16x1024xf32, #tpu.memory_space<vmem>> -> memref<16x1024xf32, #tpu.memory_space<vmem>>
    tpu.enqueue_dma source(%dma_start3A_1358 : memref<16x1024xf32, #tpu.memory_space<vmem>>) target(%dma_start3A_1354 : memref<16x1024xf32, #tpu.memory_space<hbm>>) target_semaphore(%arg16 : memref<!tpu.dma_semaphore, #tpu.memory_space<semaphore_mem>>)
    %dma_wait3A_1359 = arith.constant 4 : i32
    %dma_wait3A_1360 = arith.constant 0 : i32
    %dma_wait3A_1361 = arith.constant 0 : i32
    %dma_wait3A_1362 = tpu.memref_slice %arg6[%dma_wait3A_1359, %dma_wait3A_1360, %dma_wait3A_1361] : memref<6x16x1024xf32, #tpu.memory_space<vmem>> -> memref<1x16x1024xf32, #tpu.memory_space<vmem>>
    %dma_wait3A_1363 = tpu.memref_squeeze %dma_wait3A_1362 : memref<1x16x1024xf32, #tpu.memory_space<vmem>> -> memref<16x1024xf32, #tpu.memory_space<vmem>>
    %dma_wait3A_1364 = arith.constant 448 : i32
    %dma_wait3A_1365 = tpu.memref_slice %arg5[%dma_wait3A_1364] : memref<512xi32, #tpu.memory_space<vmem>> -> memref<16xi32, #tpu.memory_space<vmem>>
    %dma_wait3A_1366 = arith.constant 0 : i32
    %dma_wait3A_1367 = arith.constant 0 : i32
    %dma_wait3A_1368 = tpu.memref_slice %arg3[%dma_wait3A_1366, %dma_wait3A_1367] : memref<100000x1024xf32, #tpu.memory_space<hbm>> -> memref<100000x1024xf32, #tpu.memory_space<hbm>>
    tpu.wait_indirect_dma semaphore(%arg11 : memref<!tpu.dma_semaphore, #tpu.memory_space<semaphore_mem>>) src(%dma_wait3A_1368 : memref<100000x1024xf32, #tpu.memory_space<hbm>>) dst(%dma_wait3A_1363 : memref<16x1024xf32, #tpu.memory_space<vmem>>)
    %add3A_1369 = arith.constant 448 : i32
    %add3A_1370 = arith.addi %mul3A_2, %add3A_1369 : i32
    %dma_start3A_1371 = arith.constant 4 : i32
    %dma_start3A_1372 = arith.constant 0 : i32
    %dma_start3A_1373 = arith.constant 0 : i32
    %dma_start3A_1374 = tpu.memref_slice %arg6[%dma_start3A_1371, %dma_start3A_1372, %dma_start3A_1373] : memref<6x16x1024xf32, #tpu.memory_space<vmem>> -> memref<1x16x1024xf32, #tpu.memory_space<vmem>>
    %dma_start3A_1375 = tpu.memref_squeeze %dma_start3A_1374 : memref<1x16x1024xf32, #tpu.memory_space<vmem>> -> memref<16x1024xf32, #tpu.memory_space<vmem>>
    %dma_start3A_1376 = arith.constant 0 : i32
    %dma_start3A_1377 = tpu.memref_slice %arg4[%add3A_1370, %dma_start3A_1376] : memref<16384x1024xf32, #tpu.memory_space<hbm>> -> memref<16x1024xf32, #tpu.memory_space<hbm>>
    %dma_start3A_1378 = arith.constant 0 : i32
    %dma_start3A_1379 = tpu.memref_slice %arg4[%add3A_1370, %dma_start3A_1378] : memref<16384x1024xf32, #tpu.memory_space<hbm>> -> memref<16x1024xf32, #tpu.memory_space<hbm>>
    %dma_start3A_1380 = arith.constant 0 : i32
    %dma_start3A_1381 = arith.constant 0 : i32
    %dma_start3A_1382 = tpu.memref_slice %arg6[%dma_start3A_1371, %dma_start3A_1380, %dma_start3A_1381] : memref<6x16x1024xf32, #tpu.memory_space<vmem>> -> memref<1x16x1024xf32, #tpu.memory_space<vmem>>
    %dma_start3A_1383 = tpu.memref_squeeze %dma_start3A_1382 : memref<1x16x1024xf32, #tpu.memory_space<vmem>> -> memref<16x1024xf32, #tpu.memory_space<vmem>>
    tpu.enqueue_dma source(%dma_start3A_1383 : memref<16x1024xf32, #tpu.memory_space<vmem>>) target(%dma_start3A_1379 : memref<16x1024xf32, #tpu.memory_space<hbm>>) target_semaphore(%arg17 : memref<!tpu.dma_semaphore, #tpu.memory_space<semaphore_mem>>)
    %dma_wait3A_1384 = arith.constant 5 : i32
    %dma_wait3A_1385 = arith.constant 0 : i32
    %dma_wait3A_1386 = arith.constant 0 : i32
    %dma_wait3A_1387 = tpu.memref_slice %arg6[%dma_wait3A_1384, %dma_wait3A_1385, %dma_wait3A_1386] : memref<6x16x1024xf32, #tpu.memory_space<vmem>> -> memref<1x16x1024xf32, #tpu.memory_space<vmem>>
    %dma_wait3A_1388 = tpu.memref_squeeze %dma_wait3A_1387 : memref<1x16x1024xf32, #tpu.memory_space<vmem>> -> memref<16x1024xf32, #tpu.memory_space<vmem>>
    %dma_wait3A_1389 = arith.constant 464 : i32
    %dma_wait3A_1390 = tpu.memref_slice %arg5[%dma_wait3A_1389] : memref<512xi32, #tpu.memory_space<vmem>> -> memref<16xi32, #tpu.memory_space<vmem>>
    %dma_wait3A_1391 = arith.constant 0 : i32
    %dma_wait3A_1392 = arith.constant 0 : i32
    %dma_wait3A_1393 = tpu.memref_slice %arg3[%dma_wait3A_1391, %dma_wait3A_1392] : memref<100000x1024xf32, #tpu.memory_space<hbm>> -> memref<100000x1024xf32, #tpu.memory_space<hbm>>
    tpu.wait_indirect_dma semaphore(%arg12 : memref<!tpu.dma_semaphore, #tpu.memory_space<semaphore_mem>>) src(%dma_wait3A_1393 : memref<100000x1024xf32, #tpu.memory_space<hbm>>) dst(%dma_wait3A_1388 : memref<16x1024xf32, #tpu.memory_space<vmem>>)
    %add3A_1394 = arith.constant 464 : i32
    %add3A_1395 = arith.addi %mul3A_2, %add3A_1394 : i32
    %dma_start3A_1396 = arith.constant 5 : i32
    %dma_start3A_1397 = arith.constant 0 : i32
    %dma_start3A_1398 = arith.constant 0 : i32
    %dma_start3A_1399 = tpu.memref_slice %arg6[%dma_start3A_1396, %dma_start3A_1397, %dma_start3A_1398] : memref<6x16x1024xf32, #tpu.memory_space<vmem>> -> memref<1x16x1024xf32, #tpu.memory_space<vmem>>
    %dma_start3A_1400 = tpu.memref_squeeze %dma_start3A_1399 : memref<1x16x1024xf32, #tpu.memory_space<vmem>> -> memref<16x1024xf32, #tpu.memory_space<vmem>>
    %dma_start3A_1401 = arith.constant 0 : i32
    %dma_start3A_1402 = tpu.memref_slice %arg4[%add3A_1395, %dma_start3A_1401] : memref<16384x1024xf32, #tpu.memory_space<hbm>> -> memref<16x1024xf32, #tpu.memory_space<hbm>>
    %dma_start3A_1403 = arith.constant 0 : i32
    %dma_start3A_1404 = tpu.memref_slice %arg4[%add3A_1395, %dma_start3A_1403] : memref<16384x1024xf32, #tpu.memory_space<hbm>> -> memref<16x1024xf32, #tpu.memory_space<hbm>>
    %dma_start3A_1405 = arith.constant 0 : i32
    %dma_start3A_1406 = arith.constant 0 : i32
    %dma_start3A_1407 = tpu.memref_slice %arg6[%dma_start3A_1396, %dma_start3A_1405, %dma_start3A_1406] : memref<6x16x1024xf32, #tpu.memory_space<vmem>> -> memref<1x16x1024xf32, #tpu.memory_space<vmem>>
    %dma_start3A_1408 = tpu.memref_squeeze %dma_start3A_1407 : memref<1x16x1024xf32, #tpu.memory_space<vmem>> -> memref<16x1024xf32, #tpu.memory_space<vmem>>
    tpu.enqueue_dma source(%dma_start3A_1408 : memref<16x1024xf32, #tpu.memory_space<vmem>>) target(%dma_start3A_1404 : memref<16x1024xf32, #tpu.memory_space<hbm>>) target_semaphore(%arg18 : memref<!tpu.dma_semaphore, #tpu.memory_space<semaphore_mem>>)
    %dma_wait3A_1409 = arith.constant 0 : i32
    %dma_wait3A_1410 = arith.constant 0 : i32
    %dma_wait3A_1411 = arith.constant 0 : i32
    %dma_wait3A_1412 = tpu.memref_slice %arg6[%dma_wait3A_1409, %dma_wait3A_1410, %dma_wait3A_1411] : memref<6x16x1024xf32, #tpu.memory_space<vmem>> -> memref<1x16x1024xf32, #tpu.memory_space<vmem>>
    %dma_wait3A_1413 = tpu.memref_squeeze %dma_wait3A_1412 : memref<1x16x1024xf32, #tpu.memory_space<vmem>> -> memref<16x1024xf32, #tpu.memory_space<vmem>>
    %dma_wait3A_1414 = arith.constant 480 : i32
    %dma_wait3A_1415 = tpu.memref_slice %arg5[%dma_wait3A_1414] : memref<512xi32, #tpu.memory_space<vmem>> -> memref<16xi32, #tpu.memory_space<vmem>>
    %dma_wait3A_1416 = arith.constant 0 : i32
    %dma_wait3A_1417 = arith.constant 0 : i32
    %dma_wait3A_1418 = tpu.memref_slice %arg3[%dma_wait3A_1416, %dma_wait3A_1417] : memref<100000x1024xf32, #tpu.memory_space<hbm>> -> memref<100000x1024xf32, #tpu.memory_space<hbm>>
    tpu.wait_indirect_dma semaphore(%arg7 : memref<!tpu.dma_semaphore, #tpu.memory_space<semaphore_mem>>) src(%dma_wait3A_1418 : memref<100000x1024xf32, #tpu.memory_space<hbm>>) dst(%dma_wait3A_1413 : memref<16x1024xf32, #tpu.memory_space<vmem>>)
    %add3A_1419 = arith.constant 480 : i32
    %add3A_1420 = arith.addi %mul3A_2, %add3A_1419 : i32
    %dma_start3A_1421 = arith.constant 0 : i32
    %dma_start3A_1422 = arith.constant 0 : i32
    %dma_start3A_1423 = arith.constant 0 : i32
    %dma_start3A_1424 = tpu.memref_slice %arg6[%dma_start3A_1421, %dma_start3A_1422, %dma_start3A_1423] : memref<6x16x1024xf32, #tpu.memory_space<vmem>> -> memref<1x16x1024xf32, #tpu.memory_space<vmem>>
    %dma_start3A_1425 = tpu.memref_squeeze %dma_start3A_1424 : memref<1x16x1024xf32, #tpu.memory_space<vmem>> -> memref<16x1024xf32, #tpu.memory_space<vmem>>
    %dma_start3A_1426 = arith.constant 0 : i32
    %dma_start3A_1427 = tpu.memref_slice %arg4[%add3A_1420, %dma_start3A_1426] : memref<16384x1024xf32, #tpu.memory_space<hbm>> -> memref<16x1024xf32, #tpu.memory_space<hbm>>
    %dma_start3A_1428 = arith.constant 0 : i32
    %dma_start3A_1429 = tpu.memref_slice %arg4[%add3A_1420, %dma_start3A_1428] : memref<16384x1024xf32, #tpu.memory_space<hbm>> -> memref<16x1024xf32, #tpu.memory_space<hbm>>
    %dma_start3A_1430 = arith.constant 0 : i32
    %dma_start3A_1431 = arith.constant 0 : i32
    %dma_start3A_1432 = tpu.memref_slice %arg6[%dma_start3A_1421, %dma_start3A_1430, %dma_start3A_1431] : memref<6x16x1024xf32, #tpu.memory_space<vmem>> -> memref<1x16x1024xf32, #tpu.memory_space<vmem>>
    %dma_start3A_1433 = tpu.memref_squeeze %dma_start3A_1432 : memref<1x16x1024xf32, #tpu.memory_space<vmem>> -> memref<16x1024xf32, #tpu.memory_space<vmem>>
    tpu.enqueue_dma source(%dma_start3A_1433 : memref<16x1024xf32, #tpu.memory_space<vmem>>) target(%dma_start3A_1429 : memref<16x1024xf32, #tpu.memory_space<hbm>>) target_semaphore(%arg13 : memref<!tpu.dma_semaphore, #tpu.memory_space<semaphore_mem>>)
    %dma_wait3A_1434 = arith.constant 1 : i32
    %dma_wait3A_1435 = arith.constant 0 : i32
    %dma_wait3A_1436 = arith.constant 0 : i32
    %dma_wait3A_1437 = tpu.memref_slice %arg6[%dma_wait3A_1434, %dma_wait3A_1435, %dma_wait3A_1436] : memref<6x16x1024xf32, #tpu.memory_space<vmem>> -> memref<1x16x1024xf32, #tpu.memory_space<vmem>>
    %dma_wait3A_1438 = tpu.memref_squeeze %dma_wait3A_1437 : memref<1x16x1024xf32, #tpu.memory_space<vmem>> -> memref<16x1024xf32, #tpu.memory_space<vmem>>
    %dma_wait3A_1439 = arith.constant 496 : i32
    %dma_wait3A_1440 = tpu.memref_slice %arg5[%dma_wait3A_1439] : memref<512xi32, #tpu.memory_space<vmem>> -> memref<16xi32, #tpu.memory_space<vmem>>
    %dma_wait3A_1441 = arith.constant 0 : i32
    %dma_wait3A_1442 = arith.constant 0 : i32
    %dma_wait3A_1443 = tpu.memref_slice %arg3[%dma_wait3A_1441, %dma_wait3A_1442] : memref<100000x1024xf32, #tpu.memory_space<hbm>> -> memref<100000x1024xf32, #tpu.memory_space<hbm>>
    tpu.wait_indirect_dma semaphore(%arg8 : memref<!tpu.dma_semaphore, #tpu.memory_space<semaphore_mem>>) src(%dma_wait3A_1443 : memref<100000x1024xf32, #tpu.memory_space<hbm>>) dst(%dma_wait3A_1438 : memref<16x1024xf32, #tpu.memory_space<vmem>>)
    %add3A_1444 = arith.constant 496 : i32
    %add3A_1445 = arith.addi %mul3A_2, %add3A_1444 : i32
    %dma_start3A_1446 = arith.constant 1 : i32
    %dma_start3A_1447 = arith.constant 0 : i32
    %dma_start3A_1448 = arith.constant 0 : i32
    %dma_start3A_1449 = tpu.memref_slice %arg6[%dma_start3A_1446, %dma_start3A_1447, %dma_start3A_1448] : memref<6x16x1024xf32, #tpu.memory_space<vmem>> -> memref<1x16x1024xf32, #tpu.memory_space<vmem>>
    %dma_start3A_1450 = tpu.memref_squeeze %dma_start3A_1449 : memref<1x16x1024xf32, #tpu.memory_space<vmem>> -> memref<16x1024xf32, #tpu.memory_space<vmem>>
    %dma_start3A_1451 = arith.constant 0 : i32
    %dma_start3A_1452 = tpu.memref_slice %arg4[%add3A_1445, %dma_start3A_1451] : memref<16384x1024xf32, #tpu.memory_space<hbm>> -> memref<16x1024xf32, #tpu.memory_space<hbm>>
    %dma_start3A_1453 = arith.constant 0 : i32
    %dma_start3A_1454 = tpu.memref_slice %arg4[%add3A_1445, %dma_start3A_1453] : memref<16384x1024xf32, #tpu.memory_space<hbm>> -> memref<16x1024xf32, #tpu.memory_space<hbm>>
    %dma_start3A_1455 = arith.constant 0 : i32
    %dma_start3A_1456 = arith.constant 0 : i32
    %dma_start3A_1457 = tpu.memref_slice %arg6[%dma_start3A_1446, %dma_start3A_1455, %dma_start3A_1456] : memref<6x16x1024xf32, #tpu.memory_space<vmem>> -> memref<1x16x1024xf32, #tpu.memory_space<vmem>>
    %dma_start3A_1458 = tpu.memref_squeeze %dma_start3A_1457 : memref<1x16x1024xf32, #tpu.memory_space<vmem>> -> memref<16x1024xf32, #tpu.memory_space<vmem>>
    tpu.enqueue_dma source(%dma_start3A_1458 : memref<16x1024xf32, #tpu.memory_space<vmem>>) target(%dma_start3A_1454 : memref<16x1024xf32, #tpu.memory_space<hbm>>) target_semaphore(%arg14 : memref<!tpu.dma_semaphore, #tpu.memory_space<semaphore_mem>>)
    %dma_wait3A_1459 = arith.constant 2 : i32
    %dma_wait3A_1460 = arith.constant 0 : i32
    %dma_wait3A_1461 = arith.constant 0 : i32
    %dma_wait3A_1462 = tpu.memref_slice %arg6[%dma_wait3A_1459, %dma_wait3A_1460, %dma_wait3A_1461] : memref<6x16x1024xf32, #tpu.memory_space<vmem>> -> memref<1x16x1024xf32, #tpu.memory_space<vmem>>
    %dma_wait3A_1463 = tpu.memref_squeeze %dma_wait3A_1462 : memref<1x16x1024xf32, #tpu.memory_space<vmem>> -> memref<16x1024xf32, #tpu.memory_space<vmem>>
    %dma_wait3A_1464 = arith.constant 0 : i32
    %dma_wait3A_1465 = tpu.memref_slice %arg4[%add3A_1320, %dma_wait3A_1464] : memref<16384x1024xf32, #tpu.memory_space<hbm>> -> memref<16x1024xf32, #tpu.memory_space<hbm>>
    %dma_wait3A_1466 = arith.constant 0 : i32
    %dma_wait3A_1467 = tpu.memref_slice %arg4[%add3A_1320, %dma_wait3A_1466] : memref<16384x1024xf32, #tpu.memory_space<hbm>> -> memref<16x1024xf32, #tpu.memory_space<hbm>>
    %dma_wait3A_1468 = arith.constant 0 : i32
    %dma_wait3A_1469 = arith.constant 0 : i32
    %dma_wait3A_1470 = tpu.memref_slice %arg6[%dma_wait3A_1459, %dma_wait3A_1468, %dma_wait3A_1469] : memref<6x16x1024xf32, #tpu.memory_space<vmem>> -> memref<1x16x1024xf32, #tpu.memory_space<vmem>>
    %dma_wait3A_1471 = tpu.memref_squeeze %dma_wait3A_1470 : memref<1x16x1024xf32, #tpu.memory_space<vmem>> -> memref<16x1024xf32, #tpu.memory_space<vmem>>
    tpu.wait_dma2 semaphore(%arg15 : memref<!tpu.dma_semaphore, #tpu.memory_space<semaphore_mem>>) src(%dma_wait3A_1471 : memref<16x1024xf32, #tpu.memory_space<vmem>>) dst(%dma_wait3A_1467 : memref<16x1024xf32, #tpu.memory_space<hbm>>)
    %dma_wait3A_1472 = arith.constant 3 : i32
    %dma_wait3A_1473 = arith.constant 0 : i32
    %dma_wait3A_1474 = arith.constant 0 : i32
    %dma_wait3A_1475 = tpu.memref_slice %arg6[%dma_wait3A_1472, %dma_wait3A_1473, %dma_wait3A_1474] : memref<6x16x1024xf32, #tpu.memory_space<vmem>> -> memref<1x16x1024xf32, #tpu.memory_space<vmem>>
    %dma_wait3A_1476 = tpu.memref_squeeze %dma_wait3A_1475 : memref<1x16x1024xf32, #tpu.memory_space<vmem>> -> memref<16x1024xf32, #tpu.memory_space<vmem>>
    %dma_wait3A_1477 = arith.constant 0 : i32
    %dma_wait3A_1478 = tpu.memref_slice %arg4[%add3A_1345, %dma_wait3A_1477] : memref<16384x1024xf32, #tpu.memory_space<hbm>> -> memref<16x1024xf32, #tpu.memory_space<hbm>>
    %dma_wait3A_1479 = arith.constant 0 : i32
    %dma_wait3A_1480 = tpu.memref_slice %arg4[%add3A_1345, %dma_wait3A_1479] : memref<16384x1024xf32, #tpu.memory_space<hbm>> -> memref<16x1024xf32, #tpu.memory_space<hbm>>
    %dma_wait3A_1481 = arith.constant 0 : i32
    %dma_wait3A_1482 = arith.constant 0 : i32
    %dma_wait3A_1483 = tpu.memref_slice %arg6[%dma_wait3A_1472, %dma_wait3A_1481, %dma_wait3A_1482] : memref<6x16x1024xf32, #tpu.memory_space<vmem>> -> memref<1x16x1024xf32, #tpu.memory_space<vmem>>
    %dma_wait3A_1484 = tpu.memref_squeeze %dma_wait3A_1483 : memref<1x16x1024xf32, #tpu.memory_space<vmem>> -> memref<16x1024xf32, #tpu.memory_space<vmem>>
    tpu.wait_dma2 semaphore(%arg16 : memref<!tpu.dma_semaphore, #tpu.memory_space<semaphore_mem>>) src(%dma_wait3A_1484 : memref<16x1024xf32, #tpu.memory_space<vmem>>) dst(%dma_wait3A_1480 : memref<16x1024xf32, #tpu.memory_space<hbm>>)
    %dma_wait3A_1485 = arith.constant 4 : i32
    %dma_wait3A_1486 = arith.constant 0 : i32
    %dma_wait3A_1487 = arith.constant 0 : i32
    %dma_wait3A_1488 = tpu.memref_slice %arg6[%dma_wait3A_1485, %dma_wait3A_1486, %dma_wait3A_1487] : memref<6x16x1024xf32, #tpu.memory_space<vmem>> -> memref<1x16x1024xf32, #tpu.memory_space<vmem>>
    %dma_wait3A_1489 = tpu.memref_squeeze %dma_wait3A_1488 : memref<1x16x1024xf32, #tpu.memory_space<vmem>> -> memref<16x1024xf32, #tpu.memory_space<vmem>>
    %dma_wait3A_1490 = arith.constant 0 : i32
    %dma_wait3A_1491 = tpu.memref_slice %arg4[%add3A_1370, %dma_wait3A_1490] : memref<16384x1024xf32, #tpu.memory_space<hbm>> -> memref<16x1024xf32, #tpu.memory_space<hbm>>
    %dma_wait3A_1492 = arith.constant 0 : i32
    %dma_wait3A_1493 = tpu.memref_slice %arg4[%add3A_1370, %dma_wait3A_1492] : memref<16384x1024xf32, #tpu.memory_space<hbm>> -> memref<16x1024xf32, #tpu.memory_space<hbm>>
    %dma_wait3A_1494 = arith.constant 0 : i32
    %dma_wait3A_1495 = arith.constant 0 : i32
    %dma_wait3A_1496 = tpu.memref_slice %arg6[%dma_wait3A_1485, %dma_wait3A_1494, %dma_wait3A_1495] : memref<6x16x1024xf32, #tpu.memory_space<vmem>> -> memref<1x16x1024xf32, #tpu.memory_space<vmem>>
    %dma_wait3A_1497 = tpu.memref_squeeze %dma_wait3A_1496 : memref<1x16x1024xf32, #tpu.memory_space<vmem>> -> memref<16x1024xf32, #tpu.memory_space<vmem>>
    tpu.wait_dma2 semaphore(%arg17 : memref<!tpu.dma_semaphore, #tpu.memory_space<semaphore_mem>>) src(%dma_wait3A_1497 : memref<16x1024xf32, #tpu.memory_space<vmem>>) dst(%dma_wait3A_1493 : memref<16x1024xf32, #tpu.memory_space<hbm>>)
    %dma_wait3A_1498 = arith.constant 5 : i32
    %dma_wait3A_1499 = arith.constant 0 : i32
    %dma_wait3A_1500 = arith.constant 0 : i32
    %dma_wait3A_1501 = tpu.memref_slice %arg6[%dma_wait3A_1498, %dma_wait3A_1499, %dma_wait3A_1500] : memref<6x16x1024xf32, #tpu.memory_space<vmem>> -> memref<1x16x1024xf32, #tpu.memory_space<vmem>>
    %dma_wait3A_1502 = tpu.memref_squeeze %dma_wait3A_1501 : memref<1x16x1024xf32, #tpu.memory_space<vmem>> -> memref<16x1024xf32, #tpu.memory_space<vmem>>
    %dma_wait3A_1503 = arith.constant 0 : i32
    %dma_wait3A_1504 = tpu.memref_slice %arg4[%add3A_1395, %dma_wait3A_1503] : memref<16384x1024xf32, #tpu.memory_space<hbm>> -> memref<16x1024xf32, #tpu.memory_space<hbm>>
    %dma_wait3A_1505 = arith.constant 0 : i32
    %dma_wait3A_1506 = tpu.memref_slice %arg4[%add3A_1395, %dma_wait3A_1505] : memref<16384x1024xf32, #tpu.memory_space<hbm>> -> memref<16x1024xf32, #tpu.memory_space<hbm>>
    %dma_wait3A_1507 = arith.constant 0 : i32
    %dma_wait3A_1508 = arith.constant 0 : i32
    %dma_wait3A_1509 = tpu.memref_slice %arg6[%dma_wait3A_1498, %dma_wait3A_1507, %dma_wait3A_1508] : memref<6x16x1024xf32, #tpu.memory_space<vmem>> -> memref<1x16x1024xf32, #tpu.memory_space<vmem>>
    %dma_wait3A_1510 = tpu.memref_squeeze %dma_wait3A_1509 : memref<1x16x1024xf32, #tpu.memory_space<vmem>> -> memref<16x1024xf32, #tpu.memory_space<vmem>>
    tpu.wait_dma2 semaphore(%arg18 : memref<!tpu.dma_semaphore, #tpu.memory_space<semaphore_mem>>) src(%dma_wait3A_1510 : memref<16x1024xf32, #tpu.memory_space<vmem>>) dst(%dma_wait3A_1506 : memref<16x1024xf32, #tpu.memory_space<hbm>>)
    %dma_wait3A_1511 = arith.constant 0 : i32
    %dma_wait3A_1512 = arith.constant 0 : i32
    %dma_wait3A_1513 = arith.constant 0 : i32
    %dma_wait3A_1514 = tpu.memref_slice %arg6[%dma_wait3A_1511, %dma_wait3A_1512, %dma_wait3A_1513] : memref<6x16x1024xf32, #tpu.memory_space<vmem>> -> memref<1x16x1024xf32, #tpu.memory_space<vmem>>
    %dma_wait3A_1515 = tpu.memref_squeeze %dma_wait3A_1514 : memref<1x16x1024xf32, #tpu.memory_space<vmem>> -> memref<16x1024xf32, #tpu.memory_space<vmem>>
    %dma_wait3A_1516 = arith.constant 0 : i32
    %dma_wait3A_1517 = tpu.memref_slice %arg4[%add3A_1420, %dma_wait3A_1516] : memref<16384x1024xf32, #tpu.memory_space<hbm>> -> memref<16x1024xf32, #tpu.memory_space<hbm>>
    %dma_wait3A_1518 = arith.constant 0 : i32
    %dma_wait3A_1519 = tpu.memref_slice %arg4[%add3A_1420, %dma_wait3A_1518] : memref<16384x1024xf32, #tpu.memory_space<hbm>> -> memref<16x1024xf32, #tpu.memory_space<hbm>>
    %dma_wait3A_1520 = arith.constant 0 : i32
    %dma_wait3A_1521 = arith.constant 0 : i32
    %dma_wait3A_1522 = tpu.memref_slice %arg6[%dma_wait3A_1511, %dma_wait3A_1520, %dma_wait3A_1521] : memref<6x16x1024xf32, #tpu.memory_space<vmem>> -> memref<1x16x1024xf32, #tpu.memory_space<vmem>>
    %dma_wait3A_1523 = tpu.memref_squeeze %dma_wait3A_1522 : memref<1x16x1024xf32, #tpu.memory_space<vmem>> -> memref<16x1024xf32, #tpu.memory_space<vmem>>
    tpu.wait_dma2 semaphore(%arg13 : memref<!tpu.dma_semaphore, #tpu.memory_space<semaphore_mem>>) src(%dma_wait3A_1523 : memref<16x1024xf32, #tpu.memory_space<vmem>>) dst(%dma_wait3A_1519 : memref<16x1024xf32, #tpu.memory_space<hbm>>)
    %dma_wait3A_1524 = arith.constant 1 : i32
    %dma_wait3A_1525 = arith.constant 0 : i32
    %dma_wait3A_1526 = arith.constant 0 : i32
    %dma_wait3A_1527 = tpu.memref_slice %arg6[%dma_wait3A_1524, %dma_wait3A_1525, %dma_wait3A_1526] : memref<6x16x1024xf32, #tpu.memory_space<vmem>> -> memref<1x16x1024xf32, #tpu.memory_space<vmem>>
    %dma_wait3A_1528 = tpu.memref_squeeze %dma_wait3A_1527 : memref<1x16x1024xf32, #tpu.memory_space<vmem>> -> memref<16x1024xf32, #tpu.memory_space<vmem>>
    %dma_wait3A_1529 = arith.constant 0 : i32
    %dma_wait3A_1530 = tpu.memref_slice %arg4[%add3A_1445, %dma_wait3A_1529] : memref<16384x1024xf32, #tpu.memory_space<hbm>> -> memref<16x1024xf32, #tpu.memory_space<hbm>>
    %dma_wait3A_1531 = arith.constant 0 : i32
    %dma_wait3A_1532 = tpu.memref_slice %arg4[%add3A_1445, %dma_wait3A_1531] : memref<16384x1024xf32, #tpu.memory_space<hbm>> -> memref<16x1024xf32, #tpu.memory_space<hbm>>
    %dma_wait3A_1533 = arith.constant 0 : i32
    %dma_wait3A_1534 = arith.constant 0 : i32
    %dma_wait3A_1535 = tpu.memref_slice %arg6[%dma_wait3A_1524, %dma_wait3A_1533, %dma_wait3A_1534] : memref<6x16x1024xf32, #tpu.memory_space<vmem>> -> memref<1x16x1024xf32, #tpu.memory_space<vmem>>
    %dma_wait3A_1536 = tpu.memref_squeeze %dma_wait3A_1535 : memref<1x16x1024xf32, #tpu.memory_space<vmem>> -> memref<16x1024xf32, #tpu.memory_space<vmem>>
    tpu.wait_dma2 semaphore(%arg14 : memref<!tpu.dma_semaphore, #tpu.memory_space<semaphore_mem>>) src(%dma_wait3A_1536 : memref<16x1024xf32, #tpu.memory_space<vmem>>) dst(%dma_wait3A_1532 : memref<16x1024xf32, #tpu.memory_space<hbm>>)
    return
  }
}

</mosaic_0001>

<sc_bundles>
// kernel: kernel.3.cloned.1.call-start
scs
__scs_entry_jumppad:
0x0: {  	(pc) =	sbr.rel $0x88, $3  }
0x1: {  	(tag) =	ssettag $0x0;
	lr =	simm.s32 $0x1  }
0x2: {  	[smem:$0x3F9F] =	sst lr;
	_ =	strace $0xD0000000  }
0x3: {  	_ = 	snop  }
0x4: {  	_ = 	snop  }
0x5: {  	_ = 	snop  }
0x6: {  	_ = 	snop  }
0x7: {  	_ = 	snop  }
__scs_overlays_trampoline_lowered:
0x8: {  	[smem:$0x3FAE] =	sst s0  }
0x9: {  	[smem:$0x3FAF] =	sst s1  }
0xa: {  	[smem:$0x3FB0] =	sst s2  }
0xb: {  	[smem:$0x3FB1] =	sst s3  }
0xc: {  	[smem:$0x3FB2] =	sst s4  }
0xd: {  	[smem:$0x3FB3] =	sst s5  }
0xe: {  	[smem:$0x3FB4] =	sst s6  }
0xf: {  	[smem:$0x3FB5] =	sst s7  }
0x10: {  	[smem:$0x3FB6] =	sst s8  }
0x11: {  	[smem:$0x3FB7] =	sst s9;
	s0 =	simm.s32 @!p0 $0x0  }
0x12: {  	s1 =	sld [smem:$0x3F9D];
	s0 =	simm.s32 @p0 $0x1  }
0x13: {  	[smem:$0x3FB8] =	sst s0;
	s0 =	simm.s32 @!p1 $0x0  }
0x14: {  	s2 =	sld [smem:$0x3F9C];
	s0 =	simm.s32 @p1 $0x1  }
0x15: {  	[smem:$0x3FB9] =	sst s0;
	s0 =	simm.s32 @!p2 $0x0  }
0x16: {  	s3 =	sld [smem:$0x3FDB];
	s0 =	simm.s32 @p2 $0x1  }
0x17: {  	s4 =	simm.s32 $0x1BF5;
	[smem:$0x3FBB] =	sst s0  }
0x18: {  	s0 =	sld [smem:$0x3F9E];
	_ =	swait.ge [sflag:s4], $0x0  }
0x19: {  	s7 =	sld [smem:$0x3F9F]  }
0x1a: {  	s8 =	sadd.s32 $0xFFFFE003, lr  }
0x1b: {  	s9 =	sadd.s32 $0xFFFFFEF7, lr;
	s5 =	simm.s32 $0xFFFFFFFF;
	p2 =	slt.u32 s8, $0xFFFFF086  }
0x1c: {  	p1 =	slt.u32 s9, $0xF7A;
	s5 =	simm.s32 @!p2 $0x0  }
0x1d: {  	s5 =	simm.s32 @p1 $0x1;
	p0 =	seq.s32 s7, s2  }
0x1e: {  	s7 =	smul.u32 @!p0 $0xF7A, s2;
	p2 =	seq.s32 @!p0 s5, $0x0  }
0x1f: {  	s9 =	smul.u32 $0xF7A, s1;
	s8 =	simm.s32 @!p0 $0x1BF5;
	p2 =	por !p2, p0  }
0x20: {  	[sflag:s8] =	ssyncset.s32 @!p0 $0xFFFFF086;
	s6 =	sadd.s32 @!p0 s3, s7;
	s7 =	simm.s32 @!p0 $0x108  }
0x21: {  	s3 =	sadd.s32 s3, s9;
	s6 =	sadd.s32 @!p0 $0x88, s6;
	s7 =	simm.s32 @p2 $0x1082  }
0x22: {  	[simem:s7], [sflag:s8] =	dma.local @!p0 [hbm:s6], $0xF7A  }
0x23: {  	s9 =	sor.u32 $0xD0000000, s2;
	s6 =	simm.s32 $0x108;
	_ =	swait.ge @!p0 [sflag:s8], $0x0  }
0x24: {  	s3 =	sadd.s32 $0x88, s3;
	s6 =	simm.s32 @!p1 $0x1082;
	[sflag:s4] =	ssyncset.s32 $0xFFFFF086  }
0x25: {  	[simem:s6], [sflag:s4] =	dma.local [hbm:s3], $0xF7A  }
0x26: {  	[smem:$0x3F9F] =	sst s1;
	(tag) =	ssettag s2;
	_ =	strace s9  }
0x27: {  	s1 =	sld [smem:$0x3FAF]  }
0x28: {  	s2 =	sld [smem:$0x3FB0]  }
0x29: {  	s4 =	sld [smem:$0x3FB2]  }
0x2a: {  	p0 =	seq.s32 s5, $0x0;
	s5 =	sld [smem:$0x3FB3]  }
0x2b: {  	s6 =	sld [smem:$0x3FB4]  }
0x2c: {  	s7 =	sld [smem:$0x3FB5]  }
0x2d: {  	s3 =	simm.s32 $0x108;
	s8 =	sld [smem:$0x3FB6]  }
0x2e: {  	s3 =	simm.s32 @!p0 $0x1082;
	s9 =	sld [smem:$0x3FB7]  }
0x2f: {  	lr =	sadd.s32 s0, s3;
	s0 =	sld [smem:$0x3FAE]  }
0x30: {  	s3 =	sld [smem:$0x3FB1]  }
0x31: {  	[smem:$0x3FBA] =	sst s10  }
0x32: {  	s10 =	sld [smem:$0x3FB8];
	_ =	sdelay $0x3  }
0x33: {  	p0 =	seq.s32 s10, $0x1;
	s10 =	sld [smem:$0x3FBA];
	_ =	sdelay $0x3  }
0x34: {  	[smem:$0x3FBA] =	sst s10  }
0x35: {  	s10 =	sld [smem:$0x3FB9];
	_ =	sdelay $0x3  }
0x36: {  	p1 =	seq.s32 s10, $0x1;
	s10 =	sld [smem:$0x3FBA];
	_ =	sdelay $0x3  }
0x37: {  	[smem:$0x3FBA] =	sst s10  }
0x38: {  	s10 =	sld [smem:$0x3FBB]  }
0x39: {  	_ = 	snop;
	(pc) =	sbr.ind lr, $3  }
0x3a: {  	_ = 	snop  }
0x3b: {  	_ = 	snop  }
0x3c: {  	p2 =	seq.s32 s10, $0x1;
	s10 =	sld [smem:$0x3FBA]  }
0x3d: {  	_ =	shalt  }
0x3e: {  	_ =	shalt  }
0x3f: {  	_ =	shalt  }
0x40: {  	_ =	shalt  }
0x41: {  	_ =	shalt  }
0x42: {  	_ =	shalt  }
0x43: {  	_ =	shalt  }
0x44: {  	_ =	shalt  }
0x45: {  	_ =	shalt  }
0x46: {  	_ =	shalt  }
0x47: {  	_ =	shalt  }
0x48: {  	_ =	shalt  }
0x49: {  	_ =	shalt  }
0x4a: {  	_ =	shalt  }
0x4b: {  	_ =	shalt  }
0x4c: {  	_ =	shalt  }
0x4d: {  	_ =	shalt  }
0x4e: {  	_ =	shalt  }
0x4f: {  	_ =	shalt  }
0x50: {  	_ =	shalt  }
0x51: {  	_ =	shalt  }
0x52: {  	_ =	shalt  }
0x53: {  	_ =	shalt  }
0x54: {  	_ =	shalt  }
0x55: {  	_ =	shalt  }
0x56: {  	_ =	shalt  }
0x57: {  	_ =	shalt  }
0x58: {  	_ =	shalt  }
0x59: {  	_ =	shalt  }
0x5a: {  	_ =	shalt  }
0x5b: {  	_ =	shalt  }
0x5c: {  	_ =	shalt  }
0x5d: {  	_ =	shalt  }
0x5e: {  	_ =	shalt  }
0x5f: {  	_ =	shalt  }
0x60: {  	_ =	shalt  }
0x61: {  	_ =	shalt  }
0x62: {  	_ =	shalt  }
0x63: {  	_ =	shalt  }
0x64: {  	_ =	shalt  }
0x65: {  	_ =	shalt  }
0x66: {  	_ =	shalt  }
0x67: {  	_ =	shalt  }
0x68: {  	_ =	shalt  }
0x69: {  	_ =	shalt  }
0x6a: {  	_ =	shalt  }
0x6b: {  	_ =	shalt  }
0x6c: {  	_ =	shalt  }
0x6d: {  	_ =	shalt  }
0x6e: {  	_ =	shalt  }
0x6f: {  	_ =	shalt  }
0x70: {  	_ =	shalt  }
0x71: {  	_ =	shalt  }
0x72: {  	_ =	shalt  }
0x73: {  	_ =	shalt  }
0x74: {  	_ =	shalt  }
0x75: {  	_ =	shalt  }
0x76: {  	_ =	shalt  }
0x77: {  	_ =	shalt  }
0x78: {  	_ =	shalt  }
0x79: {  	_ =	shalt  }
0x7a: {  	_ =	shalt  }
0x7b: {  	_ =	shalt  }
0x7c: {  	_ =	shalt  }
0x7d: {  	_ =	shalt  }
0x7e: {  	_ =	shalt  }
0x7f: {  	_ =	shalt  }
0x80: {  	_ =	shalt  }
0x81: {  	_ =	shalt  }
0x82: {  	_ =	shalt  }
0x83: {  	_ =	shalt  }
0x84: {  	_ =	shalt  }
0x85: {  	_ =	shalt  }
0x86: {  	_ =	shalt  }
0x87: {  	_ =	shalt  }
.Lfunc_end0:
.L_simem_size_0:
called_computation_lowered:
.L_overlay_start_0:
0x88: {  	s2 =	sld [smem:$0x3FD9]  }
0x89: {  	s3 =	sld [smem:$0x3FFE];
	_ =	sdelay $0x1  }
0x8a: {  	s1 =	srdreg.scid  }
0x8b: {  	s0 =	sand.u32 $0x1, s1  }
0x8c: {  	s17 =	sshll.u32 s0, $0xA;
	s2 =	sadd.s32 s3, s2  }
0x8d: {  	s2 =	sadd.s32 s2, s17  }
0x8e: {  	[smem:$0x3FC6] =	sst s2  }
0x8f: {  	_ = 	snop  }
0x90: {  	s2 =	sld [smem:$0x3FC8]  }
0x91: {  	s18 =	sld [smem:$0x3FD0];
	(tm) =	ssettm $0x1  }
0x92: {  	s4 =	sld [smem:$0x3FFB];
	_ =	sdelay $0x3  }
0x93: {  	_ =	strace s4  }
0x94: {  	s4 =	sld [smem:$0x3FFC];
	_ =	sdelay $0x3  }
0x95: {  	_ =	strace s4  }
0x96: {  	s4 =	sld [smem:$0x3FFD];
	_ =	sdelay $0x3  }
0x97: {  	_ =	strace s4  }
0x98: {  	_ =	strace $0x8FFFFFFF  }
0x99: {  	s19 =	sld [smem:$0x3FDB];
	_ =	sdelay $0x1  }
0x9a: {  	s5 =	simm.s32 $_scs_section_size  }
0x9b: {  	s6 =	simm.s32 $_size__tile_overlayer_lowered;
	s7 =	simm.s32 $_tile_overlayer_lowered  }
0x9c: {  	s22 =	simm.s32 $0x1BFF;
	s21 =	sshll.u32 s7, $0x1;
	s4 =	sadd.s32 s5, s19  }
0x9d: {  	s8 =	simm.s32 $0x0;
	s20 =	sshll.u32 s6, $0x1;
	s6 =	sadd.s32 s21, s4  }
0x9e: {  	[timem:s8], [sflag:s22] =	dma.local [hbm:s6], s20  }
0x9f: {  	_ =	swait.ge [sflag:s22], s20  }
0xa0: {  	s5 =	ssub.s32 $0x0, s20;
	[sflag:s22] =	ssyncset.done $0x0  }
0xa1: {  	[sflag:s22] =	ssyncadd.s32 s5;
	_ =	sdelay $0x1  }
0xa2: {  	s23 =	simm.s32 $0x1B8B  }
0xa3: {  	_ =	swait.ge [sflag:s23], $0x1  }
0xa4: {  	[sflag:s23] =	ssyncset.done $0x0  }
0xa5: {  	s25 =	simm.s32 $0x1B8E;
	s24 =	sld [smem:$0x3FFE];
	[sflag:s23] =	ssyncadd.s32 $0xFFFFFFFF  }
0xa6: {  	s26 =	simm.s32 $execute0_lowered;
	[smem:$0x3FD2] =	sst s25  }
0xa7: {  	s6 =	sshll.u32 s26, $0x1;
	_ =	strace $0x80000046;
	[dreg:$0x1] =	wrdreg $0xFFFFFFFF  }
0xa8: {  	s28 =	simm.s32 $_size_execute0_lowered;
	s4 =	sadd.s32 s4, s6;
	[dreg:$0x0] =	wrdreg $0x0  }
0xa9: {  	s6 =	sshll.u32 s28, $0x1;
	[dreg:$0x2] =	wrdreg s4  }
0xaa: {  	[dreg:$0x3] =	wrdreg s6  }
0xab: {  	[dreg:$0x4] =	wrdreg $0xC0  }
0xac: {  	_ =	task [dreg:s8], $0x5FFFF  }
0xad: {  	[dreg:$0x1] =	wrdreg $0xFFFFFFFF  }
0xae: {  	[dreg:$0x0] =	wrdreg $0x60  }
0xaf: {  	[dreg:$0x2] =	wrdreg s24  }
0xb0: {  	[dreg:$0x3] =	wrdreg s2  }
0xb1: {  	[dreg:$0x4] =	wrdreg s18  }
0xb2: {  	[dreg:$0x5] =	wrdreg $0x9  }
0xb3: {  	_ =	task.clear_ibuf [dreg:s8], $0x6FFFF;
	_ =	strace $0x90000046  }
0xb4: {  	s29 =	simm.s32 $0x9;
	_ =	strace $0x80000048  }
0xb5: {  	_ =	swait.ge [sflag:s29], $0x1  }
0xb6: {  	[sflag:s29] =	ssyncadd.s32 $0xFFFFFFFF  }
0xb7: {  	_ =	strace $0x90000048  }
0xb8: {  	_ =	sfence  }
0xb9: {  	s30 =	sld [smem:$0x0];
	_ =	sdelay $0x2  }
0xba: {  	s31 =	sshll.u32 s1, $0xD;
	s1 =	sshrl.u32 s1, $0x2  }
0xbb: {  	s3 =	sand.u32 $0x4000, s31;
	s1 =	sadd.s32 s1, s30  }
0xbc: {  	s0 =	sor.u32 s3, s0;
	s1 =	sshll.u32 s1, $0x11  }
0xbd: {  	s0 =	sor.u32 s1, s0  }
0xbe: {  	s0 =	sadd.s32 $0x8F2B, s0  }
0xbf: {  	[sflag:s0] =	ssyncadd.remote.s32 $0x1  }
0xc0: {  	_ =	sfence.sel $0xFFFF  }
0xc1: {  	[dreg:$0x0] =	wrdreg $0xFFFFFFFF;
	(pc) =	sbr.abs _section_cstart, $3  }
0xc2: {  	[dreg:$0x1] =	wrdreg $0xFFFFFFFF  }
0xc3: {  	_ =	task.clear_ibuf [dreg:s8], $0x2FFFF;
	_ =	strace $0x9FFFFFFF  }
0xc4: {  	(tm) =	ssettm $0x7FFFFFFF  }
0xc5: {  	_ =	shalt  }
tec
execute0_lowered:
.L_overlay_start_1:
0x0: {  	(tag) =	ssettag $0x1  }
0x1: {  	s0 =	srdreg.scid  }
0x2: {  	s1 =	rddreg [dreg:$0x0];
	s3 =	stileid.u32;
	s0 =	sand.u32 $0x1, s0  }
0x3: {  	s2 =	rddreg [dreg:$0x1];
	s3 =	sshll.u32 s3, $0xA;
	s4 =	sshll.u32 s0, $0x9  }
0x4: {  	s5 =	rddreg [dreg:$0x2];
	s4 =	sor.u32 s4, s3  }
0x5: {  	s3 =	simm.s32 $0x0;
	s6 =	sshrl.u32 s4, $0x3;
	s4 =	sshll.u32 s4, $0x7  }
0x6: {  	[smem:$0x7FF] =	sst s3;
	s1 =	sadd.s32 s6, s1;
	s8 =	sadd.s32 s5, s4  }
0x7: {  	_ =	strace $0x80000047;
	s1 =	sadd.s32 $0x400, s1;
	[smem:$0x7FC] =	sst s8  }
0x8: {  	s21 =	sadd.s32 $0x800, s8;
	[dreg:$0x4] =	wrdreg s1  }
0x9: {  	s22 =	sadd.s32 $0x1000, s8;
	[dreg:$0x5] =	wrdreg s21  }
0xa: {  	s23 =	sadd.s32 $0x1800, s8;
	[dreg:$0x6] =	wrdreg s22  }
0xb: {  	s24 =	sadd.s32 $0x2000, s8;
	[dreg:$0x7] =	wrdreg s23  }
0xc: {  	s25 =	sadd.s32 $0x2800, s8;
	[dreg:$0x8] =	wrdreg s24  }
0xd: {  	s26 =	sadd.s32 $0x3000, s8;
	[dreg:$0x9] =	wrdreg s25  }
0xe: {  	s28 =	sadd.s32 $0x3800, s8;
	[dreg:$0xa] =	wrdreg s26  }
0xf: {  	s30 =	sadd.s32 $0x4000, s8;
	[dreg:$0xb] =	wrdreg s28  }
0x10: {  	s4 =	sadd.s32 $0x4800, s8;
	[dreg:$0xc] =	wrdreg s30  }
0x11: {  	s5 =	sadd.s32 $0x5000, s8;
	[dreg:$0xd] =	wrdreg s4  }
0x12: {  	s6 =	sadd.s32 $0x5800, s8;
	[dreg:$0xe] =	wrdreg s5  }
0x13: {  	s7 =	sadd.s32 $0x6000, s8;
	[dreg:$0xf] =	wrdreg s6  }
0x14: {  	s9 =	sadd.s32 $0x6800, s8;
	[dreg:$0x10] =	wrdreg s7  }
0x15: {  	s10 =	sadd.s32 $0x7000, s8;
	[dreg:$0x11] =	wrdreg s9  }
0x16: {  	s11 =	sadd.s32 $0x7800, s8;
	[dreg:$0x12] =	wrdreg s10  }
0x17: {  	s12 =	sadd.s32 $0x8000, s8;
	[dreg:$0x13] =	wrdreg s11  }
0x18: {  	s13 =	sadd.s32 $0x8800, s8;
	[dreg:$0x14] =	wrdreg s12  }
0x19: {  	s14 =	sadd.s32 $0x9000, s8;
	[dreg:$0x15] =	wrdreg s13  }
0x1a: {  	s15 =	sadd.s32 $0x9800, s8;
	[dreg:$0x16] =	wrdreg s14  }
0x1b: {  	s16 =	sadd.s32 $0xA000, s8;
	[dreg:$0x17] =	wrdreg s15  }
0x1c: {  	s17 =	sadd.s32 $0xA800, s8;
	[dreg:$0x18] =	wrdreg s16  }
0x1d: {  	s18 =	sadd.s32 $0xB000, s8;
	[dreg:$0x19] =	wrdreg s17  }
0x1e: {  	s19 =	sadd.s32 $0xB800, s8;
	[dreg:$0x1a] =	wrdreg s18  }
0x1f: {  	s29 =	simm.s32 $0x2;
	s20 =	sadd.s32 $0xC000, s8;
	[dreg:$0x1b] =	wrdreg s19  }
0x20: {  	s31 =	simm.s32 $0x8;
	s0 =	ssub.s32 $0x2, s0;
	[dreg:$0x1c] =	wrdreg s20  }
0x21: {  	s21 =	sadd.s32 $0xC800, s8;
	s22 =	sadd.s32 $0xD000, s8;
	s23 =	sshrl.u32 s0, $0x1  }
0x22: {  	s24 =	sadd.s32 $0xD800, s8;
	s25 =	sadd.s32 $0xE000, s8;
	s5 =	sadd.s32 $0x100, s2  }
0x23: {  	s26 =	sadd.s32 $0xE800, s8;
	s6 =	sadd.s32 $0x200, s2;
	s28 =	sadd.s32 $0xF000, s8  }
0x24: {  	s7 =	sadd.s32 $0x300, s2;
	s30 =	sadd.s32 $0xF800, s8;
	[dreg:$0x1d] =	wrdreg s21  }
0x25: {  	s9 =	simm.s32 $0x7;
	s18 =	simm.s32 $0x3;
	[dreg:$0x1e] =	wrdreg s22  }
0x26: {  	s11 =	simm.s32 $0x9;
	s12 =	simm.s32 $0x4;
	[dreg:$0x1f] =	wrdreg s24  }
0x27: {  	s13 =	simm.s32 $0xA;
	s14 =	simm.s32 $0x5;
	[smem:$0x7F9] =	sst s25  }
0x28: {  	v2 =	vlaneseq.u32;
	s15 =	simm.s32 $0xB;
	s16 =	simm.s32 $0x6;
	[smem:$0x7FA] =	sst s26  }
0x29: {  	vm0 =	vmmov $0xffff;
	v1 =	vshrl.u32 v2, $0x3;
	s17 =	simm.s32 $0xC;
	s0 =	ssub.s32 s0, s23;
	[smem:$0x7FB] =	sst s28  }
0x2a: {  	v0 =	vand.u32 $0x7, v2;
	v2 =	vor.u32 $0x8, v2;
	v1 =	vmul.u32 $0x8, v1;
	[smem:$0x7FD] =	sst s30;
	s4 =	smax.u32 s0, $0x1;
	s0 =	simm.s32 $0x1  }
.LBB2_1:
0x2b: {  	[smem:$0x7F8] =	sst s4  }
0x2c: {  	s19 =	rddreg [dreg:$0x4];
	s4 =	simm.s32 $0xD  }
0x2d: {  	[tilespmem:s3], [sflag:$0xD] =	stream.linear.gather [hbm4b:s19+s3], $0x200, $0x38;
	[tilespmem:$0x18200] =	vst v63  }
0x2e: {  	_ =	swait.ge [sflag:s4], $0x200  }
0x2f: {  	[sflag:s4] =	ssyncset.done $0x0  }
0x30: {  	[sflag:s4] =	ssyncadd.s32 $0xFFFFFE00  }
0x31: {  	v3 =	vld [tilespmem:$0x0];
	_ =	sdelay $0x4  }
0x32: {  	v4 =	vshll.u32 v3, $0x3  }
0x33: {  	v3 =	vand.u32 $0x7, v3;
	v4 =	vand.u32 $0xFFFFFFC0, v4  }
0x34: {  	v3 =	vor.u32 v3, v4  }
0x35: {  	v4 =	vperm.xlane v3, v0;
	_ =	sdelay $0x1  }
0x36: {  	v4 =	vadd.s32 v1, v4;
	_ =	sdelay $0x3  }
0x37: {  	s8 =	simm.s32 $0x200  }
0x38: {  	[tilespmem:s8], [sflag:$0x1] =	stream.indirect_vreg.gather [hbm4b:s2+s3], $0x80, v4, vm0, $0xb8;
	[tilespmem:$0x18200] =	vst v63  }
0x39: {  	s10 =	simm.s32 $0xA00;
	v3 =	vperm.xlane v3, v2  }
0x3a: {  	[tilespmem:s10], [sflag:$0x1] =	stream.indirect_vreg.gather [hbm4b:s5+s3], $0x80, v4, vm0, $0xb8;
	[tilespmem:$0x18200] =	vst v63  }
0x3b: {  	s19 =	simm.s32 $0x1200;
	v3 =	vadd.s32 v1, v3  }
0x3c: {  	[tilespmem:s19], [sflag:$0x1] =	stream.indirect_vreg.gather [hbm4b:s6+s3], $0x80, v4, vm0, $0xb8;
	[tilespmem:$0x18200] =	vst v63  }
0x3d: {  	s20 =	simm.s32 $0x1A00  }
0x3e: {  	[tilespmem:s20], [sflag:$0x1] =	stream.indirect_vreg.gather [hbm4b:s7+s3], $0x80, v4, vm0, $0xb8;
	[tilespmem:$0x18200] =	vst v63  }
0x3f: {  	s22 =	simm.s32 $0x2200  }
0x40: {  	[tilespmem:s22], [sflag:$0x1] =	stream.indirect_vreg.gather [hbm4b:s2+s3], $0x80, v3, vm0, $0xb8;
	[tilespmem:$0x18200] =	vst v63  }
0x41: {  	s23 =	simm.s32 $0x2A00  }
0x42: {  	[tilespmem:s23], [sflag:$0x1] =	stream.indirect_vreg.gather [hbm4b:s5+s3], $0x80, v3, vm0, $0xb8;
	[tilespmem:$0x18200] =	vst v63  }
0x43: {  	s26 =	simm.s32 $0x3200  }
0x44: {  	[tilespmem:s26], [sflag:$0x1] =	stream.indirect_vreg.gather [hbm4b:s6+s3], $0x80, v3, vm0, $0xb8;
	[tilespmem:$0x18200] =	vst v63  }
0x45: {  	s28 =	simm.s32 $0x3A00  }
0x46: {  	[tilespmem:s28], [sflag:$0x1] =	stream.indirect_vreg.gather [hbm4b:s7+s3], $0x80, v3, vm0, $0xb8;
	[tilespmem:$0x18200] =	vst v63  }
0x47: {  	v3 =	vld [tilespmem:$0x10];
	_ =	sdelay $0x4  }
0x48: {  	v33 =	vshll.u32 v3, $0x3  }
0x49: {  	v3 =	vand.u32 $0x7, v3;
	v4 =	vand.u32 $0xFFFFFFC0, v33  }
0x4a: {  	v3 =	vor.u32 v3, v4  }
0x4b: {  	v4 =	vperm.xlane v3, v0;
	_ =	sdelay $0x1  }
0x4c: {  	v4 =	vadd.s32 v1, v4;
	_ =	sdelay $0x3  }
0x4d: {  	s30 =	simm.s32 $0x4200  }
0x4e: {  	[tilespmem:s30], [sflag:$0x2] =	stream.indirect_vreg.gather [hbm4b:s2+s3], $0x80, v4, vm0, $0xb8;
	[tilespmem:$0x18200] =	vst v63  }
0x4f: {  	s1 =	simm.s32 $0x4A00;
	v3 =	vperm.xlane v3, v2  }
0x50: {  	[tilespmem:s1], [sflag:$0x2] =	stream.indirect_vreg.gather [hbm4b:s5+s3], $0x80, v4, vm0, $0xb8;
	[tilespmem:$0x18200] =	vst v63  }
0x51: {  	s4 =	simm.s32 $0x5200;
	v3 =	vadd.s32 v1, v3  }
0x52: {  	[tilespmem:s4], [sflag:$0x2] =	stream.indirect_vreg.gather [hbm4b:s6+s3], $0x80, v4, vm0, $0xb8;
	[tilespmem:$0x18200] =	vst v63  }
0x53: {  	s10 =	simm.s32 $0x5A00  }
0x54: {  	[tilespmem:s10], [sflag:$0x2] =	stream.indirect_vreg.gather [hbm4b:s7+s3], $0x80, v4, vm0, $0xb8;
	[tilespmem:$0x18200] =	vst v63  }
0x55: {  	s20 =	simm.s32 $0x6200  }
0x56: {  	[tilespmem:s20], [sflag:$0x2] =	stream.indirect_vreg.gather [hbm4b:s2+s3], $0x80, v3, vm0, $0xb8;
	[tilespmem:$0x18200] =	vst v63  }
0x57: {  	s22 =	simm.s32 $0x6A00  }
0x58: {  	[tilespmem:s22], [sflag:$0x2] =	stream.indirect_vreg.gather [hbm4b:s5+s3], $0x80, v3, vm0, $0xb8;
	[tilespmem:$0x18200] =	vst v63  }
0x59: {  	s28 =	simm.s32 $0x7200  }
0x5a: {  	[tilespmem:s28], [sflag:$0x2] =	stream.indirect_vreg.gather [hbm4b:s6+s3], $0x80, v3, vm0, $0xb8;
	[tilespmem:$0x18200] =	vst v63  }
0x5b: {  	s30 =	simm.s32 $0x7A00  }
0x5c: {  	[tilespmem:s30], [sflag:$0x2] =	stream.indirect_vreg.gather [hbm4b:s7+s3], $0x80, v3, vm0, $0xb8;
	[tilespmem:$0x18200] =	vst v63  }
0x5d: {  	v3 =	vld [tilespmem:$0x20];
	_ =	sdelay $0x4  }
0x5e: {  	v34 =	vshll.u32 v3, $0x3  }
0x5f: {  	v3 =	vand.u32 $0x7, v3;
	v4 =	vand.u32 $0xFFFFFFC0, v34  }
0x60: {  	v3 =	vor.u32 v3, v4  }
0x61: {  	v4 =	vperm.xlane v3, v0;
	_ =	sdelay $0x1  }
0x62: {  	v4 =	vadd.s32 v1, v4;
	_ =	sdelay $0x3  }
0x63: {  	s10 =	simm.s32 $0x8200  }
0x64: {  	[tilespmem:s10], [sflag:$0x3] =	stream.indirect_vreg.gather [hbm4b:s2+s3], $0x80, v4, vm0, $0xb8;
	[tilespmem:$0x18200] =	vst v63  }
0x65: {  	s1 =	simm.s32 $0x8A00;
	v3 =	vperm.xlane v3, v2  }
0x66: {  	[tilespmem:s1], [sflag:$0x3] =	stream.indirect_vreg.gather [hbm4b:s5+s3], $0x80, v4, vm0, $0xb8;
	[tilespmem:$0x18200] =	vst v63  }
0x67: {  	v3 =	vadd.s32 v1, v3;
	s10 =	simm.s32 $0x9200  }
0x68: {  	[tilespmem:s10], [sflag:$0x3] =	stream.indirect_vreg.gather [hbm4b:s6+s3], $0x80, v4, vm0, $0xb8;
	[tilespmem:$0x18200] =	vst v63  }
0x69: {  	s19 =	simm.s32 $0x9A00  }
0x6a: {  	[tilespmem:s19], [sflag:$0x3] =	stream.indirect_vreg.gather [hbm4b:s7+s3], $0x80, v4, vm0, $0xb8;
	[tilespmem:$0x18200] =	vst v63  }
0x6b: {  	s20 =	simm.s32 $0xA200  }
0x6c: {  	[tilespmem:s20], [sflag:$0x3] =	stream.indirect_vreg.gather [hbm4b:s2+s3], $0x80, v3, vm0, $0xb8;
	[tilespmem:$0x18200] =	vst v63  }
0x6d: {  	s22 =	simm.s32 $0xAA00  }
0x6e: {  	[tilespmem:s22], [sflag:$0x3] =	stream.indirect_vreg.gather [hbm4b:s5+s3], $0x80, v3, vm0, $0xb8;
	[tilespmem:$0x18200] =	vst v63  }
0x6f: {  	s10 =	simm.s32 $0xB200  }
0x70: {  	[tilespmem:s10], [sflag:$0x3] =	stream.indirect_vreg.gather [hbm4b:s6+s3], $0x80, v3, vm0, $0xb8;
	[tilespmem:$0x18200] =	vst v63  }
0x71: {  	s19 =	simm.s32 $0xBA00  }
0x72: {  	[tilespmem:s19], [sflag:$0x3] =	stream.indirect_vreg.gather [hbm4b:s7+s3], $0x80, v3, vm0, $0xb8;
	[tilespmem:$0x18200] =	vst v63  }
0x73: {  	v3 =	vld [tilespmem:$0x30];
	_ =	sdelay $0x4  }
0x74: {  	v35 =	vshll.u32 v3, $0x3  }
0x75: {  	v3 =	vand.u32 $0x7, v3;
	v4 =	vand.u32 $0xFFFFFFC0, v35  }
0x76: {  	v3 =	vor.u32 v3, v4  }
0x77: {  	v4 =	vperm.xlane v3, v0;
	_ =	sdelay $0x1  }
0x78: {  	v4 =	vadd.s32 v1, v4;
	_ =	sdelay $0x3  }
0x79: {  	s22 =	simm.s32 $0xC200  }
0x7a: {  	[tilespmem:s22], [sflag:$0x4] =	stream.indirect_vreg.gather [hbm4b:s2+s3], $0x80, v4, vm0, $0xb8;
	[tilespmem:$0x18200] =	vst v63  }
0x7b: {  	s4 =	simm.s32 $0xCA00;
	v3 =	vperm.xlane v3, v2  }
0x7c: {  	[tilespmem:s4], [sflag:$0x4] =	stream.indirect_vreg.gather [hbm4b:s5+s3], $0x80, v4, vm0, $0xb8;
	[tilespmem:$0x18200] =	vst v63  }
0x7d: {  	s19 =	simm.s32 $0xD200;
	v3 =	vadd.s32 v1, v3  }
0x7e: {  	[tilespmem:s19], [sflag:$0x4] =	stream.indirect_vreg.gather [hbm4b:s6+s3], $0x80, v4, vm0, $0xb8;
	[tilespmem:$0x18200] =	vst v63  }
0x7f: {  	s4 =	simm.s32 $0xDA00  }
0x80: {  	[tilespmem:s4], [sflag:$0x4] =	stream.indirect_vreg.gather [hbm4b:s7+s3], $0x80, v4, vm0, $0xb8;
	[tilespmem:$0x18200] =	vst v63  }
0x81: {  	s19 =	simm.s32 $0xE200  }
0x82: {  	[tilespmem:s19], [sflag:$0x4] =	stream.indirect_vreg.gather [hbm4b:s2+s3], $0x80, v3, vm0, $0xb8;
	[tilespmem:$0x18200] =	vst v63  }
0x83: {  	s4 =	simm.s32 $0xEA00  }
0x84: {  	[tilespmem:s4], [sflag:$0x4] =	stream.indirect_vreg.gather [hbm4b:s5+s3], $0x80, v3, vm0, $0xb8;
	[tilespmem:$0x18200] =	vst v63  }
0x85: {  	s19 =	simm.s32 $0xF200  }
0x86: {  	[tilespmem:s19], [sflag:$0x4] =	stream.indirect_vreg.gather [hbm4b:s6+s3], $0x80, v3, vm0, $0xb8;
	[tilespmem:$0x18200] =	vst v63  }
0x87: {  	s4 =	simm.s32 $0xFA00  }
0x88: {  	[tilespmem:s4], [sflag:$0x4] =	stream.indirect_vreg.gather [hbm4b:s7+s3], $0x80, v3, vm0, $0xb8;
	[tilespmem:$0x18200] =	vst v63  }
0x89: {  	v3 =	vld [tilespmem:$0x40];
	_ =	sdelay $0x4  }
0x8a: {  	v36 =	vshll.u32 v3, $0x3  }
0x8b: {  	v3 =	vand.u32 $0x7, v3;
	v4 =	vand.u32 $0xFFFFFFC0, v36  }
0x8c: {  	v3 =	vor.u32 v3, v4  }
0x8d: {  	v4 =	vperm.xlane v3, v0;
	_ =	sdelay $0x1  }
0x8e: {  	v4 =	vadd.s32 v1, v4;
	_ =	sdelay $0x3  }
0x8f: {  	s19 =	simm.s32 $0x10200  }
0x90: {  	[tilespmem:s19], [sflag:$0x5] =	stream.indirect_vreg.gather [hbm4b:s2+s3], $0x80, v4, vm0, $0xb8;
	[tilespmem:$0x18200] =	vst v63  }
0x91: {  	s4 =	simm.s32 $0x10A00;
	v3 =	vperm.xlane v3, v2  }
0x92: {  	[tilespmem:s4], [sflag:$0x5] =	stream.indirect_vreg.gather [hbm4b:s5+s3], $0x80, v4, vm0, $0xb8;
	[tilespmem:$0x18200] =	vst v63  }
0x93: {  	v3 =	vadd.s32 v1, v3;
	s19 =	simm.s32 $0x11200  }
0x94: {  	[tilespmem:s19], [sflag:$0x5] =	stream.indirect_vreg.gather [hbm4b:s6+s3], $0x80, v4, vm0, $0xb8;
	[tilespmem:$0x18200] =	vst v63  }
0x95: {  	s4 =	simm.s32 $0x11A00  }
0x96: {  	[tilespmem:s4], [sflag:$0x5] =	stream.indirect_vreg.gather [hbm4b:s7+s3], $0x80, v4, vm0, $0xb8;
	[tilespmem:$0x18200] =	vst v63  }
0x97: {  	s19 =	simm.s32 $0x12200  }
0x98: {  	[tilespmem:s19], [sflag:$0x5] =	stream.indirect_vreg.gather [hbm4b:s2+s3], $0x80, v3, vm0, $0xb8;
	[tilespmem:$0x18200] =	vst v63  }
0x99: {  	s4 =	simm.s32 $0x12A00  }
0x9a: {  	[tilespmem:s4], [sflag:$0x5] =	stream.indirect_vreg.gather [hbm4b:s5+s3], $0x80, v3, vm0, $0xb8;
	[tilespmem:$0x18200] =	vst v63  }
0x9b: {  	s19 =	simm.s32 $0x13200  }
0x9c: {  	[tilespmem:s19], [sflag:$0x5] =	stream.indirect_vreg.gather [hbm4b:s6+s3], $0x80, v3, vm0, $0xb8;
	[tilespmem:$0x18200] =	vst v63  }
0x9d: {  	s4 =	simm.s32 $0x13A00  }
0x9e: {  	[tilespmem:s4], [sflag:$0x5] =	stream.indirect_vreg.gather [hbm4b:s7+s3], $0x80, v3, vm0, $0xb8;
	[tilespmem:$0x18200] =	vst v63  }
0x9f: {  	v3 =	vld [tilespmem:$0x50];
	_ =	sdelay $0x4  }
0xa0: {  	v37 =	vshll.u32 v3, $0x3  }
0xa1: {  	v3 =	vand.u32 $0x7, v3;
	v4 =	vand.u32 $0xFFFFFFC0, v37  }
0xa2: {  	v3 =	vor.u32 v3, v4  }
0xa3: {  	v4 =	vperm.xlane v3, v0;
	_ =	sdelay $0x1  }
0xa4: {  	v4 =	vadd.s32 v1, v4;
	_ =	sdelay $0x3  }
0xa5: {  	s19 =	simm.s32 $0x14200  }
0xa6: {  	[tilespmem:s19], [sflag:$0x6] =	stream.indirect_vreg.gather [hbm4b:s2+s3], $0x80, v4, vm0, $0xb8;
	[tilespmem:$0x18200] =	vst v63  }
0xa7: {  	s10 =	simm.s32 $0x14A00;
	v3 =	vperm.xlane v3, v2  }
0xa8: {  	[tilespmem:s10], [sflag:$0x6] =	stream.indirect_vreg.gather [hbm4b:s5+s3], $0x80, v4, vm0, $0xb8;
	[tilespmem:$0x18200] =	vst v63  }
0xa9: {  	s4 =	simm.s32 $0x15200;
	v3 =	vadd.s32 v1, v3  }
0xaa: {  	[tilespmem:s4], [sflag:$0x6] =	stream.indirect_vreg.gather [hbm4b:s6+s3], $0x80, v4, vm0, $0xb8;
	[tilespmem:$0x18200] =	vst v63  }
0xab: {  	s10 =	simm.s32 $0x15A00  }
0xac: {  	[tilespmem:s10], [sflag:$0x6] =	stream.indirect_vreg.gather [hbm4b:s7+s3], $0x80, v4, vm0, $0xb8;
	[tilespmem:$0x18200] =	vst v63  }
0xad: {  	s4 =	simm.s32 $0x16200  }
0xae: {  	[tilespmem:s4], [sflag:$0x6] =	stream.indirect_vreg.gather [hbm4b:s2+s3], $0x80, v3, vm0, $0xb8;
	[tilespmem:$0x18200] =	vst v63  }
0xaf: {  	s10 =	simm.s32 $0x16A00  }
0xb0: {  	[tilespmem:s10], [sflag:$0x6] =	stream.indirect_vreg.gather [hbm4b:s5+s3], $0x80, v3, vm0, $0xb8;
	[tilespmem:$0x18200] =	vst v63  }
0xb1: {  	s4 =	simm.s32 $0x17200  }
0xb2: {  	[tilespmem:s4], [sflag:$0x6] =	stream.indirect_vreg.gather [hbm4b:s6+s3], $0x80, v3, vm0, $0xb8;
	[tilespmem:$0x18200] =	vst v63  }
0xb3: {  	s10 =	simm.s32 $0x17A00  }
0xb4: {  	[tilespmem:s10], [sflag:$0x6] =	stream.indirect_vreg.gather [hbm4b:s7+s3], $0x80, v3, vm0, $0xb8;
	[tilespmem:$0x18200] =	vst v63  }
0xb5: {  	_ =	swait.ge [sflag:s0], $0x4000  }
0xb6: {  	s4 =	sld [smem:$0x7FC]  }
0xb7: {  	[sflag:s0] =	ssyncset.done $0x0  }
0xb8: {  	s10 =	simm.s32 $0x200;
	[sflag:s0] =	ssyncadd.s32 $0xFFFFC000  }
0xb9: {  	[hbm4b:s4+s3] =	stream.linear.scatter [tilespmem:s10], [sflag:$0x7], $0x4000, $0x38;
	[tilespmem:$0x18200] =	vst v63  }
0xba: {  	_ =	swait.ge [sflag:s9], $0x4000  }
0xbb: {  	[sflag:s9] =	ssyncset.done $0x0  }
0xbc: {  	[sflag:s9] =	ssyncadd.s32 $0xFFFFC000  }
0xbd: {  	v3 =	vld [tilespmem:$0x60];
	_ =	sdelay $0x4  }
0xbe: {  	v38 =	vshll.u32 v3, $0x3  }
0xbf: {  	v3 =	vand.u32 $0x7, v3;
	v4 =	vand.u32 $0xFFFFFFC0, v38  }
0xc0: {  	v3 =	vor.u32 v3, v4  }
0xc1: {  	v4 =	vperm.xlane v3, v0;
	_ =	sdelay $0x1  }
0xc2: {  	v4 =	vadd.s32 v1, v4;
	_ =	sdelay $0x4  }
0xc3: {  	[tilespmem:s10], [sflag:$0x1] =	stream.indirect_vreg.gather [hbm4b:s2+s3], $0x80, v4, vm0, $0xb8;
	[tilespmem:$0x18200] =	vst v63  }
0xc4: {  	s21 =	simm.s32 $0xA00;
	v3 =	vperm.xlane v3, v2  }
0xc5: {  	[tilespmem:s21], [sflag:$0x1] =	stream.indirect_vreg.gather [hbm4b:s5+s3], $0x80, v4, vm0, $0xb8;
	[tilespmem:$0x18200] =	vst v63  }
0xc6: {  	s24 =	simm.s32 $0x1200;
	v3 =	vadd.s32 v1, v3  }
0xc7: {  	[tilespmem:s24], [sflag:$0x1] =	stream.indirect_vreg.gather [hbm4b:s6+s3], $0x80, v4, vm0, $0xb8;
	[tilespmem:$0x18200] =	vst v63  }
0xc8: {  	s25 =	simm.s32 $0x1A00  }
0xc9: {  	[tilespmem:s25], [sflag:$0x1] =	stream.indirect_vreg.gather [hbm4b:s7+s3], $0x80, v4, vm0, $0xb8;
	[tilespmem:$0x18200] =	vst v63  }
0xca: {  	s19 =	simm.s32 $0x2200  }
0xcb: {  	[tilespmem:s19], [sflag:$0x1] =	stream.indirect_vreg.gather [hbm4b:s2+s3], $0x80, v3, vm0, $0xb8;
	[tilespmem:$0x18200] =	vst v63  }
0xcc: {  	s8 =	simm.s32 $0x2A00  }
0xcd: {  	[tilespmem:s8], [sflag:$0x1] =	stream.indirect_vreg.gather [hbm4b:s5+s3], $0x80, v3, vm0, $0xb8;
	[tilespmem:$0x18200] =	vst v63  }
0xce: {  	s23 =	simm.s32 $0x3200  }
0xcf: {  	[tilespmem:s23], [sflag:$0x1] =	stream.indirect_vreg.gather [hbm4b:s6+s3], $0x80, v3, vm0, $0xb8;
	[tilespmem:$0x18200] =	vst v63  }
0xd0: {  	s26 =	simm.s32 $0x3A00  }
0xd1: {  	[tilespmem:s26], [sflag:$0x1] =	stream.indirect_vreg.gather [hbm4b:s7+s3], $0x80, v3, vm0, $0xb8;
	[tilespmem:$0x18200] =	vst v63  }
0xd2: {  	_ =	swait.ge [sflag:s29], $0x4000  }
0xd3: {  	[sflag:s29] =	ssyncset.done $0x0  }
0xd4: {  	s23 =	simm.s32 $0x4200;
	s21 =	rddreg [dreg:$0x5];
	[sflag:s29] =	ssyncadd.s32 $0xFFFFC000  }
0xd5: {  	[hbm4b:s21+s3] =	stream.linear.scatter [tilespmem:s23], [sflag:$0x8], $0x4000, $0x38;
	[tilespmem:$0x18200] =	vst v63  }
0xd6: {  	_ =	swait.ge [sflag:s31], $0x4000  }
0xd7: {  	[sflag:s31] =	ssyncset.done $0x0  }
0xd8: {  	[sflag:s31] =	ssyncadd.s32 $0xFFFFC000  }
0xd9: {  	v3 =	vld [tilespmem:$0x70];
	_ =	sdelay $0x4  }
0xda: {  	v39 =	vshll.u32 v3, $0x3  }
0xdb: {  	v3 =	vand.u32 $0x7, v3;
	v4 =	vand.u32 $0xFFFFFFC0, v39  }
0xdc: {  	v3 =	vor.u32 v3, v4  }
0xdd: {  	v4 =	vperm.xlane v3, v0;
	_ =	sdelay $0x1  }
0xde: {  	v4 =	vadd.s32 v1, v4;
	_ =	sdelay $0x4  }
0xdf: {  	[tilespmem:s23], [sflag:$0x2] =	stream.indirect_vreg.gather [hbm4b:s2+s3], $0x80, v4, vm0, $0xb8;
	[tilespmem:$0x18200] =	vst v63  }
0xe0: {  	s24 =	simm.s32 $0x4A00;
	v3 =	vperm.xlane v3, v2  }
0xe1: {  	[tilespmem:s24], [sflag:$0x2] =	stream.indirect_vreg.gather [hbm4b:s5+s3], $0x80, v4, vm0, $0xb8;
	[tilespmem:$0x18200] =	vst v63  }
0xe2: {  	s25 =	simm.s32 $0x5200;
	v3 =	vadd.s32 v1, v3  }
0xe3: {  	[tilespmem:s25], [sflag:$0x2] =	stream.indirect_vreg.gather [hbm4b:s6+s3], $0x80, v4, vm0, $0xb8;
	[tilespmem:$0x18200] =	vst v63  }
0xe4: {  	s26 =	simm.s32 $0x5A00  }
0xe5: {  	[tilespmem:s26], [sflag:$0x2] =	stream.indirect_vreg.gather [hbm4b:s7+s3], $0x80, v4, vm0, $0xb8;
	[tilespmem:$0x18200] =	vst v63  }
0xe6: {  	s8 =	simm.s32 $0x6200  }
0xe7: {  	[tilespmem:s8], [sflag:$0x2] =	stream.indirect_vreg.gather [hbm4b:s2+s3], $0x80, v3, vm0, $0xb8;
	[tilespmem:$0x18200] =	vst v63  }
0xe8: {  	s10 =	simm.s32 $0x6A00  }
0xe9: {  	[tilespmem:s10], [sflag:$0x2] =	stream.indirect_vreg.gather [hbm4b:s5+s3], $0x80, v3, vm0, $0xb8;
	[tilespmem:$0x18200] =	vst v63  }
0xea: {  	s19 =	simm.s32 $0x7200  }
0xeb: {  	[tilespmem:s19], [sflag:$0x2] =	stream.indirect_vreg.gather [hbm4b:s6+s3], $0x80, v3, vm0, $0xb8;
	[tilespmem:$0x18200] =	vst v63  }
0xec: {  	s21 =	simm.s32 $0x7A00  }
0xed: {  	[tilespmem:s21], [sflag:$0x2] =	stream.indirect_vreg.gather [hbm4b:s7+s3], $0x80, v3, vm0, $0xb8;
	[tilespmem:$0x18200] =	vst v63  }
0xee: {  	_ =	swait.ge [sflag:s18], $0x4000  }
0xef: {  	[sflag:s18] =	ssyncset.done $0x0  }
0xf0: {  	s25 =	simm.s32 $0x8200;
	s24 =	rddreg [dreg:$0x6];
	[sflag:s18] =	ssyncadd.s32 $0xFFFFC000  }
0xf1: {  	[hbm4b:s24+s3] =	stream.linear.scatter [tilespmem:s25], [sflag:$0x9], $0x4000, $0x38;
	[tilespmem:$0x18200] =	vst v63  }
0xf2: {  	_ =	swait.ge [sflag:s11], $0x4000  }
0xf3: {  	[sflag:s11] =	ssyncset.done $0x0  }
0xf4: {  	[sflag:s11] =	ssyncadd.s32 $0xFFFFC000  }
0xf5: {  	v3 =	vld [tilespmem:$0x80];
	_ =	sdelay $0x4  }
0xf6: {  	v40 =	vshll.u32 v3, $0x3  }
0xf7: {  	v3 =	vand.u32 $0x7, v3;
	v4 =	vand.u32 $0xFFFFFFC0, v40  }
0xf8: {  	v3 =	vor.u32 v3, v4  }
0xf9: {  	v4 =	vperm.xlane v3, v0;
	_ =	sdelay $0x1  }
0xfa: {  	v4 =	vadd.s32 v1, v4;
	_ =	sdelay $0x4  }
0xfb: {  	[tilespmem:s25], [sflag:$0x3] =	stream.indirect_vreg.gather [hbm4b:s2+s3], $0x80, v4, vm0, $0xb8;
	[tilespmem:$0x18200] =	vst v63  }
0xfc: {  	s26 =	simm.s32 $0x8A00;
	v3 =	vperm.xlane v3, v2  }
0xfd: {  	[tilespmem:s26], [sflag:$0x3] =	stream.indirect_vreg.gather [hbm4b:s5+s3], $0x80, v4, vm0, $0xb8;
	[tilespmem:$0x18200] =	vst v63  }
0xfe: {  	s1 =	simm.s32 $0x9200;
	v3 =	vadd.s32 v1, v3  }
0xff: {  	[tilespmem:s1], [sflag:$0x3] =	stream.indirect_vreg.gather [hbm4b:s6+s3], $0x80, v4, vm0, $0xb8;
	[tilespmem:$0x18200] =	vst v63  }
0x100: {  	s28 =	simm.s32 $0x9A00  }
0x101: {  	[tilespmem:s28], [sflag:$0x3] =	stream.indirect_vreg.gather [hbm4b:s7+s3], $0x80, v4, vm0, $0xb8;
	[tilespmem:$0x18200] =	vst v63  }
0x102: {  	s30 =	simm.s32 $0xA200  }
0x103: {  	[tilespmem:s30], [sflag:$0x3] =	stream.indirect_vreg.gather [hbm4b:s2+s3], $0x80, v3, vm0, $0xb8;
	[tilespmem:$0x18200] =	vst v63  }
0x104: {  	s4 =	simm.s32 $0xAA00  }
0x105: {  	[tilespmem:s4], [sflag:$0x3] =	stream.indirect_vreg.gather [hbm4b:s5+s3], $0x80, v3, vm0, $0xb8;
	[tilespmem:$0x18200] =	vst v63  }
0x106: {  	s20 =	simm.s32 $0xB200  }
0x107: {  	[tilespmem:s20], [sflag:$0x3] =	stream.indirect_vreg.gather [hbm4b:s6+s3], $0x80, v3, vm0, $0xb8;
	[tilespmem:$0x18200] =	vst v63  }
0x108: {  	s8 =	simm.s32 $0xBA00  }
0x109: {  	[tilespmem:s8], [sflag:$0x3] =	stream.indirect_vreg.gather [hbm4b:s7+s3], $0x80, v3, vm0, $0xb8;
	[tilespmem:$0x18200] =	vst v63  }
0x10a: {  	_ =	swait.ge [sflag:s12], $0x4000  }
0x10b: {  	[sflag:s12] =	ssyncset.done $0x0  }
0x10c: {  	s10 =	simm.s32 $0xC200;
	s1 =	rddreg [dreg:$0x7];
	[sflag:s12] =	ssyncadd.s32 $0xFFFFC000  }
0x10d: {  	[hbm4b:s1+s3] =	stream.linear.scatter [tilespmem:s10], [sflag:$0xA], $0x4000, $0x38;
	[tilespmem:$0x18200] =	vst v63  }
0x10e: {  	_ =	swait.ge [sflag:s13], $0x4000  }
0x10f: {  	[sflag:s13] =	ssyncset.done $0x0  }
0x110: {  	[sflag:s13] =	ssyncadd.s32 $0xFFFFC000  }
0x111: {  	v3 =	vld [tilespmem:$0x90];
	_ =	sdelay $0x4  }
0x112: {  	v41 =	vshll.u32 v3, $0x3  }
0x113: {  	v3 =	vand.u32 $0x7, v3;
	v4 =	vand.u32 $0xFFFFFFC0, v41  }
0x114: {  	v3 =	vor.u32 v3, v4  }
0x115: {  	v4 =	vperm.xlane v3, v0;
	_ =	sdelay $0x1  }
0x116: {  	v4 =	vadd.s32 v1, v4;
	_ =	sdelay $0x4  }
0x117: {  	[tilespmem:s10], [sflag:$0x4] =	stream.indirect_vreg.gather [hbm4b:s2+s3], $0x80, v4, vm0, $0xb8;
	[tilespmem:$0x18200] =	vst v63  }
0x118: {  	s22 =	simm.s32 $0xCA00;
	v3 =	vperm.xlane v3, v2  }
0x119: {  	[tilespmem:s22], [sflag:$0x4] =	stream.indirect_vreg.gather [hbm4b:s5+s3], $0x80, v4, vm0, $0xb8;
	[tilespmem:$0x18200] =	vst v63  }
0x11a: {  	v3 =	vadd.s32 v1, v3;
	s22 =	simm.s32 $0xD200  }
0x11b: {  	[tilespmem:s22], [sflag:$0x4] =	stream.indirect_vreg.gather [hbm4b:s6+s3], $0x80, v4, vm0, $0xb8;
	[tilespmem:$0x18200] =	vst v63  }
0x11c: {  	s28 =	simm.s32 $0xDA00  }
0x11d: {  	[tilespmem:s28], [sflag:$0x4] =	stream.indirect_vreg.gather [hbm4b:s7+s3], $0x80, v4, vm0, $0xb8;
	[tilespmem:$0x18200] =	vst v63  }
0x11e: {  	s30 =	simm.s32 $0xE200  }
0x11f: {  	[tilespmem:s30], [sflag:$0x4] =	stream.indirect_vreg.gather [hbm4b:s2+s3], $0x80, v3, vm0, $0xb8;
	[tilespmem:$0x18200] =	vst v63  }
0x120: {  	s20 =	simm.s32 $0xEA00  }
0x121: {  	[tilespmem:s20], [sflag:$0x4] =	stream.indirect_vreg.gather [hbm4b:s5+s3], $0x80, v3, vm0, $0xb8;
	[tilespmem:$0x18200] =	vst v63  }
0x122: {  	s10 =	simm.s32 $0xF200  }
0x123: {  	[tilespmem:s10], [sflag:$0x4] =	stream.indirect_vreg.gather [hbm4b:s6+s3], $0x80, v3, vm0, $0xb8;
	[tilespmem:$0x18200] =	vst v63  }
0x124: {  	s19 =	simm.s32 $0xFA00  }
0x125: {  	[tilespmem:s19], [sflag:$0x4] =	stream.indirect_vreg.gather [hbm4b:s7+s3], $0x80, v3, vm0, $0xb8;
	[tilespmem:$0x18200] =	vst v63  }
0x126: {  	_ =	swait.ge [sflag:s14], $0x4000  }
0x127: {  	[sflag:s14] =	ssyncset.done $0x0  }
0x128: {  	s24 =	simm.s32 $0x10200;
	s21 =	rddreg [dreg:$0x8];
	[sflag:s14] =	ssyncadd.s32 $0xFFFFC000  }
0x129: {  	[hbm4b:s21+s3] =	stream.linear.scatter [tilespmem:s24], [sflag:$0xB], $0x4000, $0x38;
	[tilespmem:$0x18200] =	vst v63  }
0x12a: {  	_ =	swait.ge [sflag:s15], $0x4000  }
0x12b: {  	[sflag:s15] =	ssyncset.done $0x0  }
0x12c: {  	[sflag:s15] =	ssyncadd.s32 $0xFFFFC000  }
0x12d: {  	v3 =	vld [tilespmem:$0xA0];
	_ =	sdelay $0x4  }
0x12e: {  	v42 =	vshll.u32 v3, $0x3  }
0x12f: {  	v3 =	vand.u32 $0x7, v3;
	v4 =	vand.u32 $0xFFFFFFC0, v42  }
0x130: {  	v3 =	vor.u32 v3, v4  }
0x131: {  	v4 =	vperm.xlane v3, v0;
	_ =	sdelay $0x1  }
0x132: {  	v4 =	vadd.s32 v1, v4;
	_ =	sdelay $0x4  }
0x133: {  	[tilespmem:s24], [sflag:$0x5] =	stream.indirect_vreg.gather [hbm4b:s2+s3], $0x80, v4, vm0, $0xb8;
	[tilespmem:$0x18200] =	vst v63  }
0x134: {  	s21 =	simm.s32 $0x10A00;
	v3 =	vperm.xlane v3, v2  }
0x135: {  	[tilespmem:s21], [sflag:$0x5] =	stream.indirect_vreg.gather [hbm4b:s5+s3], $0x80, v4, vm0, $0xb8;
	[tilespmem:$0x18200] =	vst v63  }
0x136: {  	s25 =	simm.s32 $0x11200;
	v3 =	vadd.s32 v1, v3  }
0x137: {  	[tilespmem:s25], [sflag:$0x5] =	stream.indirect_vreg.gather [hbm4b:s6+s3], $0x80, v4, vm0, $0xb8;
	[tilespmem:$0x18200] =	vst v63  }
0x138: {  	s26 =	simm.s32 $0x11A00  }
0x139: {  	[tilespmem:s26], [sflag:$0x5] =	stream.indirect_vreg.gather [hbm4b:s7+s3], $0x80, v4, vm0, $0xb8;
	[tilespmem:$0x18200] =	vst v63  }
0x13a: {  	s24 =	simm.s32 $0x12200  }
0x13b: {  	[tilespmem:s24], [sflag:$0x5] =	stream.indirect_vreg.gather [hbm4b:s2+s3], $0x80, v3, vm0, $0xb8;
	[tilespmem:$0x18200] =	vst v63  }
0x13c: {  	s25 =	simm.s32 $0x12A00  }
0x13d: {  	[tilespmem:s25], [sflag:$0x5] =	stream.indirect_vreg.gather [hbm4b:s5+s3], $0x80, v3, vm0, $0xb8;
	[tilespmem:$0x18200] =	vst v63  }
0x13e: {  	s26 =	simm.s32 $0x13200  }
0x13f: {  	[tilespmem:s26], [sflag:$0x5] =	stream.indirect_vreg.gather [hbm4b:s6+s3], $0x80, v3, vm0, $0xb8;
	[tilespmem:$0x18200] =	vst v63  }
0x140: {  	s19 =	simm.s32 $0x13A00  }
0x141: {  	[tilespmem:s19], [sflag:$0x5] =	stream.indirect_vreg.gather [hbm4b:s7+s3], $0x80, v3, vm0, $0xb8;
	[tilespmem:$0x18200] =	vst v63  }
0x142: {  	_ =	swait.ge [sflag:s16], $0x4000  }
0x143: {  	[sflag:s16] =	ssyncset.done $0x0  }
0x144: {  	s1 =	simm.s32 $0x14200;
	s19 =	rddreg [dreg:$0x9];
	[sflag:s16] =	ssyncadd.s32 $0xFFFFC000  }
0x145: {  	[hbm4b:s19+s3] =	stream.linear.scatter [tilespmem:s1], [sflag:$0xC], $0x4000, $0x38;
	[tilespmem:$0x18200] =	vst v63  }
0x146: {  	_ =	swait.ge [sflag:s17], $0x4000  }
0x147: {  	[sflag:s17] =	ssyncset.done $0x0  }
0x148: {  	[sflag:s17] =	ssyncadd.s32 $0xFFFFC000  }
0x149: {  	v3 =	vld [tilespmem:$0xB0];
	_ =	sdelay $0x4  }
0x14a: {  	v43 =	vshll.u32 v3, $0x3  }
0x14b: {  	v3 =	vand.u32 $0x7, v3;
	v4 =	vand.u32 $0xFFFFFFC0, v43  }
0x14c: {  	v3 =	vor.u32 v3, v4  }
0x14d: {  	v4 =	vperm.xlane v3, v0;
	_ =	sdelay $0x1  }
0x14e: {  	v4 =	vadd.s32 v1, v4;
	_ =	sdelay $0x4  }
0x14f: {  	[tilespmem:s1], [sflag:$0x6] =	stream.indirect_vreg.gather [hbm4b:s2+s3], $0x80, v4, vm0, $0xb8;
	[tilespmem:$0x18200] =	vst v63  }
0x150: {  	s19 =	simm.s32 $0x14A00;
	v3 =	vperm.xlane v3, v2  }
0x151: {  	[tilespmem:s19], [sflag:$0x6] =	stream.indirect_vreg.gather [hbm4b:s5+s3], $0x80, v4, vm0, $0xb8;
	[tilespmem:$0x18200] =	vst v63  }
0x152: {  	v3 =	vadd.s32 v1, v3;
	s19 =	simm.s32 $0x15200  }
0x153: {  	[tilespmem:s19], [sflag:$0x6] =	stream.indirect_vreg.gather [hbm4b:s6+s3], $0x80, v4, vm0, $0xb8;
	[tilespmem:$0x18200] =	vst v63  }
0x154: {  	s19 =	simm.s32 $0x15A00  }
0x155: {  	[tilespmem:s19], [sflag:$0x6] =	stream.indirect_vreg.gather [hbm4b:s7+s3], $0x80, v4, vm0, $0xb8;
	[tilespmem:$0x18200] =	vst v63  }
0x156: {  	s19 =	simm.s32 $0x16200  }
0x157: {  	[tilespmem:s19], [sflag:$0x6] =	stream.indirect_vreg.gather [hbm4b:s2+s3], $0x80, v3, vm0, $0xb8;
	[tilespmem:$0x18200] =	vst v63  }
0x158: {  	s19 =	simm.s32 $0x16A00  }
0x159: {  	[tilespmem:s19], [sflag:$0x6] =	stream.indirect_vreg.gather [hbm4b:s5+s3], $0x80, v3, vm0, $0xb8;
	[tilespmem:$0x18200] =	vst v63  }
0x15a: {  	s19 =	simm.s32 $0x17200  }
0x15b: {  	[tilespmem:s19], [sflag:$0x6] =	stream.indirect_vreg.gather [hbm4b:s6+s3], $0x80, v3, vm0, $0xb8;
	[tilespmem:$0x18200] =	vst v63  }
0x15c: {  	s19 =	simm.s32 $0x17A00  }
0x15d: {  	[tilespmem:s19], [sflag:$0x6] =	stream.indirect_vreg.gather [hbm4b:s7+s3], $0x80, v3, vm0, $0xb8;
	[tilespmem:$0x18200] =	vst v63  }
0x15e: {  	_ =	swait.ge [sflag:s0], $0x4000  }
0x15f: {  	[sflag:s0] =	ssyncset.done $0x0  }
0x160: {  	s1 =	simm.s32 $0x200;
	s19 =	rddreg [dreg:$0xa];
	[sflag:s0] =	ssyncadd.s32 $0xFFFFC000  }
0x161: {  	[hbm4b:s19+s3] =	stream.linear.scatter [tilespmem:s1], [sflag:$0x7], $0x4000, $0x38;
	[tilespmem:$0x18200] =	vst v63  }
0x162: {  	_ =	swait.ge [sflag:s9], $0x4000  }
0x163: {  	[sflag:s9] =	ssyncset.done $0x0  }
0x164: {  	[sflag:s9] =	ssyncadd.s32 $0xFFFFC000  }
0x165: {  	v3 =	vld [tilespmem:$0xC0];
	_ =	sdelay $0x4  }
0x166: {  	v44 =	vshll.u32 v3, $0x3  }
0x167: {  	v3 =	vand.u32 $0x7, v3;
	v4 =	vand.u32 $0xFFFFFFC0, v44  }
0x168: {  	v3 =	vor.u32 v3, v4  }
0x169: {  	v4 =	vperm.xlane v3, v0;
	_ =	sdelay $0x1  }
0x16a: {  	v4 =	vadd.s32 v1, v4;
	_ =	sdelay $0x4  }
0x16b: {  	[tilespmem:s1], [sflag:$0x1] =	stream.indirect_vreg.gather [hbm4b:s2+s3], $0x80, v4, vm0, $0xb8;
	[tilespmem:$0x18200] =	vst v63  }
0x16c: {  	s19 =	simm.s32 $0xA00;
	v3 =	vperm.xlane v3, v2  }
0x16d: {  	[tilespmem:s19], [sflag:$0x1] =	stream.indirect_vreg.gather [hbm4b:s5+s3], $0x80, v4, vm0, $0xb8;
	[tilespmem:$0x18200] =	vst v63  }
0x16e: {  	v3 =	vadd.s32 v1, v3;
	s19 =	simm.s32 $0x1200  }
0x16f: {  	[tilespmem:s19], [sflag:$0x1] =	stream.indirect_vreg.gather [hbm4b:s6+s3], $0x80, v4, vm0, $0xb8;
	[tilespmem:$0x18200] =	vst v63  }
0x170: {  	s19 =	simm.s32 $0x1A00  }
0x171: {  	[tilespmem:s19], [sflag:$0x1] =	stream.indirect_vreg.gather [hbm4b:s7+s3], $0x80, v4, vm0, $0xb8;
	[tilespmem:$0x18200] =	vst v63  }
0x172: {  	s19 =	simm.s32 $0x2200  }
0x173: {  	[tilespmem:s19], [sflag:$0x1] =	stream.indirect_vreg.gather [hbm4b:s2+s3], $0x80, v3, vm0, $0xb8;
	[tilespmem:$0x18200] =	vst v63  }
0x174: {  	s19 =	simm.s32 $0x2A00  }
0x175: {  	[tilespmem:s19], [sflag:$0x1] =	stream.indirect_vreg.gather [hbm4b:s5+s3], $0x80, v3, vm0, $0xb8;
	[tilespmem:$0x18200] =	vst v63  }
0x176: {  	s19 =	simm.s32 $0x3200  }
0x177: {  	[tilespmem:s19], [sflag:$0x1] =	stream.indirect_vreg.gather [hbm4b:s6+s3], $0x80, v3, vm0, $0xb8;
	[tilespmem:$0x18200] =	vst v63  }
0x178: {  	s19 =	simm.s32 $0x3A00  }
0x179: {  	[tilespmem:s19], [sflag:$0x1] =	stream.indirect_vreg.gather [hbm4b:s7+s3], $0x80, v3, vm0, $0xb8;
	[tilespmem:$0x18200] =	vst v63  }
0x17a: {  	_ =	swait.ge [sflag:s29], $0x4000  }
0x17b: {  	[sflag:s29] =	ssyncset.done $0x0  }
0x17c: {  	s1 =	simm.s32 $0x4200;
	s19 =	rddreg [dreg:$0xb];
	[sflag:s29] =	ssyncadd.s32 $0xFFFFC000  }
0x17d: {  	[hbm4b:s19+s3] =	stream.linear.scatter [tilespmem:s1], [sflag:$0x8], $0x4000, $0x38;
	[tilespmem:$0x18200] =	vst v63  }
0x17e: {  	_ =	swait.ge [sflag:s31], $0x4000  }
0x17f: {  	[sflag:s31] =	ssyncset.done $0x0  }
0x180: {  	[sflag:s31] =	ssyncadd.s32 $0xFFFFC000  }
0x181: {  	v3 =	vld [tilespmem:$0xD0];
	_ =	sdelay $0x4  }
0x182: {  	v45 =	vshll.u32 v3, $0x3  }
0x183: {  	v3 =	vand.u32 $0x7, v3;
	v4 =	vand.u32 $0xFFFFFFC0, v45  }
0x184: {  	v3 =	vor.u32 v3, v4  }
0x185: {  	v4 =	vperm.xlane v3, v0;
	_ =	sdelay $0x1  }
0x186: {  	v4 =	vadd.s32 v1, v4;
	_ =	sdelay $0x4  }
0x187: {  	[tilespmem:s1], [sflag:$0x2] =	stream.indirect_vreg.gather [hbm4b:s2+s3], $0x80, v4, vm0, $0xb8;
	[tilespmem:$0x18200] =	vst v63  }
0x188: {  	s19 =	simm.s32 $0x4A00;
	v3 =	vperm.xlane v3, v2  }
0x189: {  	[tilespmem:s19], [sflag:$0x2] =	stream.indirect_vreg.gather [hbm4b:s5+s3], $0x80, v4, vm0, $0xb8;
	[tilespmem:$0x18200] =	vst v63  }
0x18a: {  	s23 =	simm.s32 $0x5200;
	v3 =	vadd.s32 v1, v3  }
0x18b: {  	[tilespmem:s23], [sflag:$0x2] =	stream.indirect_vreg.gather [hbm4b:s6+s3], $0x80, v4, vm0, $0xb8;
	[tilespmem:$0x18200] =	vst v63  }
0x18c: {  	s23 =	simm.s32 $0x5A00  }
0x18d: {  	[tilespmem:s23], [sflag:$0x2] =	stream.indirect_vreg.gather [hbm4b:s7+s3], $0x80, v4, vm0, $0xb8;
	[tilespmem:$0x18200] =	vst v63  }
0x18e: {  	s19 =	simm.s32 $0x6200  }
0x18f: {  	[tilespmem:s19], [sflag:$0x2] =	stream.indirect_vreg.gather [hbm4b:s2+s3], $0x80, v3, vm0, $0xb8;
	[tilespmem:$0x18200] =	vst v63  }
0x190: {  	s23 =	simm.s32 $0x6A00  }
0x191: {  	[tilespmem:s23], [sflag:$0x2] =	stream.indirect_vreg.gather [hbm4b:s5+s3], $0x80, v3, vm0, $0xb8;
	[tilespmem:$0x18200] =	vst v63  }
0x192: {  	s19 =	simm.s32 $0x7200  }
0x193: {  	[tilespmem:s19], [sflag:$0x2] =	stream.indirect_vreg.gather [hbm4b:s6+s3], $0x80, v3, vm0, $0xb8;
	[tilespmem:$0x18200] =	vst v63  }
0x194: {  	s23 =	simm.s32 $0x7A00  }
0x195: {  	[tilespmem:s23], [sflag:$0x2] =	stream.indirect_vreg.gather [hbm4b:s7+s3], $0x80, v3, vm0, $0xb8;
	[tilespmem:$0x18200] =	vst v63  }
0x196: {  	_ =	swait.ge [sflag:s18], $0x4000  }
0x197: {  	[sflag:s18] =	ssyncset.done $0x0  }
0x198: {  	s23 =	simm.s32 $0x8200;
	s1 =	rddreg [dreg:$0xc];
	[sflag:s18] =	ssyncadd.s32 $0xFFFFC000  }
0x199: {  	[hbm4b:s1+s3] =	stream.linear.scatter [tilespmem:s23], [sflag:$0x9], $0x4000, $0x38;
	[tilespmem:$0x18200] =	vst v63  }
0x19a: {  	_ =	swait.ge [sflag:s11], $0x4000  }
0x19b: {  	[sflag:s11] =	ssyncset.done $0x0  }
0x19c: {  	[sflag:s11] =	ssyncadd.s32 $0xFFFFC000  }
0x19d: {  	v3 =	vld [tilespmem:$0xE0];
	_ =	sdelay $0x4  }
0x19e: {  	v46 =	vshll.u32 v3, $0x3  }
0x19f: {  	v3 =	vand.u32 $0x7, v3;
	v4 =	vand.u32 $0xFFFFFFC0, v46  }
0x1a0: {  	v3 =	vor.u32 v3, v4  }
0x1a1: {  	v4 =	vperm.xlane v3, v0;
	_ =	sdelay $0x1  }
0x1a2: {  	v4 =	vadd.s32 v1, v4;
	_ =	sdelay $0x4  }
0x1a3: {  	[tilespmem:s23], [sflag:$0x3] =	stream.indirect_vreg.gather [hbm4b:s2+s3], $0x80, v4, vm0, $0xb8;
	[tilespmem:$0x18200] =	vst v63  }
0x1a4: {  	s19 =	simm.s32 $0x8A00;
	v3 =	vperm.xlane v3, v2  }
0x1a5: {  	[tilespmem:s19], [sflag:$0x3] =	stream.indirect_vreg.gather [hbm4b:s5+s3], $0x80, v4, vm0, $0xb8;
	[tilespmem:$0x18200] =	vst v63  }
0x1a6: {  	v3 =	vadd.s32 v1, v3;
	s19 =	simm.s32 $0x9200  }
0x1a7: {  	[tilespmem:s19], [sflag:$0x3] =	stream.indirect_vreg.gather [hbm4b:s6+s3], $0x80, v4, vm0, $0xb8;
	[tilespmem:$0x18200] =	vst v63  }
0x1a8: {  	s19 =	simm.s32 $0x9A00  }
0x1a9: {  	[tilespmem:s19], [sflag:$0x3] =	stream.indirect_vreg.gather [hbm4b:s7+s3], $0x80, v4, vm0, $0xb8;
	[tilespmem:$0x18200] =	vst v63  }
0x1aa: {  	s19 =	simm.s32 $0xA200  }
0x1ab: {  	[tilespmem:s19], [sflag:$0x3] =	stream.indirect_vreg.gather [hbm4b:s2+s3], $0x80, v3, vm0, $0xb8;
	[tilespmem:$0x18200] =	vst v63  }
0x1ac: {  	_ = 	snop  }
0x1ad: {  	[tilespmem:s4], [sflag:$0x3] =	stream.indirect_vreg.gather [hbm4b:s5+s3], $0x80, v3, vm0, $0xb8;
	[tilespmem:$0x18200] =	vst v63  }
0x1ae: {  	s1 =	simm.s32 $0xB200  }
0x1af: {  	[tilespmem:s1], [sflag:$0x3] =	stream.indirect_vreg.gather [hbm4b:s6+s3], $0x80, v3, vm0, $0xb8;
	[tilespmem:$0x18200] =	vst v63  }
0x1b0: {  	_ = 	snop  }
0x1b1: {  	[tilespmem:s8], [sflag:$0x3] =	stream.indirect_vreg.gather [hbm4b:s7+s3], $0x80, v3, vm0, $0xb8;
	[tilespmem:$0x18200] =	vst v63  }
0x1b2: {  	_ =	swait.ge [sflag:s12], $0x4000  }
0x1b3: {  	[sflag:s12] =	ssyncset.done $0x0  }
0x1b4: {  	s8 =	simm.s32 $0xC200;
	s4 =	rddreg [dreg:$0xd];
	[sflag:s12] =	ssyncadd.s32 $0xFFFFC000  }
0x1b5: {  	[hbm4b:s4+s3] =	stream.linear.scatter [tilespmem:s8], [sflag:$0xA], $0x4000, $0x38;
	[tilespmem:$0x18200] =	vst v63  }
0x1b6: {  	_ =	swait.ge [sflag:s13], $0x4000  }
0x1b7: {  	[sflag:s13] =	ssyncset.done $0x0  }
0x1b8: {  	[sflag:s13] =	ssyncadd.s32 $0xFFFFC000  }
0x1b9: {  	v3 =	vld [tilespmem:$0xF0];
	_ =	sdelay $0x4  }
0x1ba: {  	v47 =	vshll.u32 v3, $0x3  }
0x1bb: {  	v3 =	vand.u32 $0x7, v3;
	v4 =	vand.u32 $0xFFFFFFC0, v47  }
0x1bc: {  	v3 =	vor.u32 v3, v4  }
0x1bd: {  	v4 =	vperm.xlane v3, v0;
	_ =	sdelay $0x1  }
0x1be: {  	v4 =	vadd.s32 v1, v4;
	_ =	sdelay $0x4  }
0x1bf: {  	[tilespmem:s8], [sflag:$0x4] =	stream.indirect_vreg.gather [hbm4b:s2+s3], $0x80, v4, vm0, $0xb8;
	[tilespmem:$0x18200] =	vst v63  }
0x1c0: {  	s19 =	simm.s32 $0xCA00;
	v3 =	vperm.xlane v3, v2  }
0x1c1: {  	[tilespmem:s19], [sflag:$0x4] =	stream.indirect_vreg.gather [hbm4b:s5+s3], $0x80, v4, vm0, $0xb8;
	[tilespmem:$0x18200] =	vst v63  }
0x1c2: {  	v3 =	vadd.s32 v1, v3  }
0x1c3: {  	[tilespmem:s22], [sflag:$0x4] =	stream.indirect_vreg.gather [hbm4b:s6+s3], $0x80, v4, vm0, $0xb8;
	[tilespmem:$0x18200] =	vst v63  }
0x1c4: {  	_ = 	snop  }
0x1c5: {  	[tilespmem:s28], [sflag:$0x4] =	stream.indirect_vreg.gather [hbm4b:s7+s3], $0x80, v4, vm0, $0xb8;
	[tilespmem:$0x18200] =	vst v63  }
0x1c6: {  	_ = 	snop  }
0x1c7: {  	[tilespmem:s30], [sflag:$0x4] =	stream.indirect_vreg.gather [hbm4b:s2+s3], $0x80, v3, vm0, $0xb8;
	[tilespmem:$0x18200] =	vst v63  }
0x1c8: {  	_ = 	snop  }
0x1c9: {  	[tilespmem:s20], [sflag:$0x4] =	stream.indirect_vreg.gather [hbm4b:s5+s3], $0x80, v3, vm0, $0xb8;
	[tilespmem:$0x18200] =	vst v63  }
0x1ca: {  	_ = 	snop  }
0x1cb: {  	[tilespmem:s10], [sflag:$0x4] =	stream.indirect_vreg.gather [hbm4b:s6+s3], $0x80, v3, vm0, $0xb8;
	[tilespmem:$0x18200] =	vst v63  }
0x1cc: {  	s30 =	simm.s32 $0xFA00  }
0x1cd: {  	[tilespmem:s30], [sflag:$0x4] =	stream.indirect_vreg.gather [hbm4b:s7+s3], $0x80, v3, vm0, $0xb8;
	[tilespmem:$0x18200] =	vst v63  }
0x1ce: {  	_ =	swait.ge [sflag:s14], $0x4000  }
0x1cf: {  	[sflag:s14] =	ssyncset.done $0x0  }
0x1d0: {  	s10 =	simm.s32 $0x10200;
	s4 =	rddreg [dreg:$0xe];
	[sflag:s14] =	ssyncadd.s32 $0xFFFFC000  }
0x1d1: {  	[hbm4b:s4+s3] =	stream.linear.scatter [tilespmem:s10], [sflag:$0xB], $0x4000, $0x38;
	[tilespmem:$0x18200] =	vst v63  }
0x1d2: {  	_ =	swait.ge [sflag:s15], $0x4000  }
0x1d3: {  	[sflag:s15] =	ssyncset.done $0x0  }
0x1d4: {  	[sflag:s15] =	ssyncadd.s32 $0xFFFFC000  }
0x1d5: {  	v3 =	vld [tilespmem:$0x100];
	_ =	sdelay $0x4  }
0x1d6: {  	v48 =	vshll.u32 v3, $0x3  }
0x1d7: {  	v3 =	vand.u32 $0x7, v3;
	v4 =	vand.u32 $0xFFFFFFC0, v48  }
0x1d8: {  	v3 =	vor.u32 v3, v4  }
0x1d9: {  	v4 =	vperm.xlane v3, v0;
	_ =	sdelay $0x1  }
0x1da: {  	v4 =	vadd.s32 v1, v4;
	_ =	sdelay $0x4  }
0x1db: {  	[tilespmem:s10], [sflag:$0x5] =	stream.indirect_vreg.gather [hbm4b:s2+s3], $0x80, v4, vm0, $0xb8;
	[tilespmem:$0x18200] =	vst v63  }
0x1dc: {  	v3 =	vperm.xlane v3, v2  }
0x1dd: {  	[tilespmem:s21], [sflag:$0x5] =	stream.indirect_vreg.gather [hbm4b:s5+s3], $0x80, v4, vm0, $0xb8;
	[tilespmem:$0x18200] =	vst v63  }
0x1de: {  	s20 =	simm.s32 $0x11200;
	v3 =	vadd.s32 v1, v3  }
0x1df: {  	[tilespmem:s20], [sflag:$0x5] =	stream.indirect_vreg.gather [hbm4b:s6+s3], $0x80, v4, vm0, $0xb8;
	[tilespmem:$0x18200] =	vst v63  }
0x1e0: {  	s21 =	simm.s32 $0x11A00  }
0x1e1: {  	[tilespmem:s21], [sflag:$0x5] =	stream.indirect_vreg.gather [hbm4b:s7+s3], $0x80, v4, vm0, $0xb8;
	[tilespmem:$0x18200] =	vst v63  }
0x1e2: {  	_ = 	snop  }
0x1e3: {  	[tilespmem:s24], [sflag:$0x5] =	stream.indirect_vreg.gather [hbm4b:s2+s3], $0x80, v3, vm0, $0xb8;
	[tilespmem:$0x18200] =	vst v63  }
0x1e4: {  	_ = 	snop  }
0x1e5: {  	[tilespmem:s25], [sflag:$0x5] =	stream.indirect_vreg.gather [hbm4b:s5+s3], $0x80, v3, vm0, $0xb8;
	[tilespmem:$0x18200] =	vst v63  }
0x1e6: {  	_ = 	snop  }
0x1e7: {  	[tilespmem:s26], [sflag:$0x5] =	stream.indirect_vreg.gather [hbm4b:s6+s3], $0x80, v3, vm0, $0xb8;
	[tilespmem:$0x18200] =	vst v63  }
0x1e8: {  	s26 =	simm.s32 $0x13A00  }
0x1e9: {  	[tilespmem:s26], [sflag:$0x5] =	stream.indirect_vreg.gather [hbm4b:s7+s3], $0x80, v3, vm0, $0xb8;
	[tilespmem:$0x18200] =	vst v63  }
0x1ea: {  	_ =	swait.ge [sflag:s16], $0x4000  }
0x1eb: {  	[sflag:s16] =	ssyncset.done $0x0  }
0x1ec: {  	s10 =	simm.s32 $0x14200;
	s4 =	rddreg [dreg:$0xf];
	[sflag:s16] =	ssyncadd.s32 $0xFFFFC000  }
0x1ed: {  	[hbm4b:s4+s3] =	stream.linear.scatter [tilespmem:s10], [sflag:$0xC], $0x4000, $0x38;
	[tilespmem:$0x18200] =	vst v63  }
0x1ee: {  	_ =	swait.ge [sflag:s17], $0x4000  }
0x1ef: {  	[sflag:s17] =	ssyncset.done $0x0  }
0x1f0: {  	[sflag:s17] =	ssyncadd.s32 $0xFFFFC000  }
0x1f1: {  	v3 =	vld [tilespmem:$0x110];
	_ =	sdelay $0x4  }
0x1f2: {  	v49 =	vshll.u32 v3, $0x3  }
0x1f3: {  	v3 =	vand.u32 $0x7, v3;
	v4 =	vand.u32 $0xFFFFFFC0, v49  }
0x1f4: {  	v3 =	vor.u32 v3, v4  }
0x1f5: {  	v4 =	vperm.xlane v3, v0;
	_ =	sdelay $0x1  }
0x1f6: {  	v4 =	vadd.s32 v1, v4;
	_ =	sdelay $0x4  }
0x1f7: {  	[tilespmem:s10], [sflag:$0x6] =	stream.indirect_vreg.gather [hbm4b:s2+s3], $0x80, v4, vm0, $0xb8;
	[tilespmem:$0x18200] =	vst v63  }
0x1f8: {  	s19 =	simm.s32 $0x14A00;
	v3 =	vperm.xlane v3, v2  }
0x1f9: {  	[tilespmem:s19], [sflag:$0x6] =	stream.indirect_vreg.gather [hbm4b:s5+s3], $0x80, v4, vm0, $0xb8;
	[tilespmem:$0x18200] =	vst v63  }
0x1fa: {  	s20 =	simm.s32 $0x15200;
	v3 =	vadd.s32 v1, v3  }
0x1fb: {  	[tilespmem:s20], [sflag:$0x6] =	stream.indirect_vreg.gather [hbm4b:s6+s3], $0x80, v4, vm0, $0xb8;
	[tilespmem:$0x18200] =	vst v63  }
0x1fc: {  	s26 =	simm.s32 $0x15A00  }
0x1fd: {  	[tilespmem:s26], [sflag:$0x6] =	stream.indirect_vreg.gather [hbm4b:s7+s3], $0x80, v4, vm0, $0xb8;
	[tilespmem:$0x18200] =	vst v63  }
0x1fe: {  	s10 =	simm.s32 $0x16200  }
0x1ff: {  	[tilespmem:s10], [sflag:$0x6] =	stream.indirect_vreg.gather [hbm4b:s2+s3], $0x80, v3, vm0, $0xb8;
	[tilespmem:$0x18200] =	vst v63  }
0x200: {  	s19 =	simm.s32 $0x16A00  }
0x201: {  	[tilespmem:s19], [sflag:$0x6] =	stream.indirect_vreg.gather [hbm4b:s5+s3], $0x80, v3, vm0, $0xb8;
	[tilespmem:$0x18200] =	vst v63  }
0x202: {  	s20 =	simm.s32 $0x17200  }
0x203: {  	[tilespmem:s20], [sflag:$0x6] =	stream.indirect_vreg.gather [hbm4b:s6+s3], $0x80, v3, vm0, $0xb8;
	[tilespmem:$0x18200] =	vst v63  }
0x204: {  	s26 =	simm.s32 $0x17A00  }
0x205: {  	[tilespmem:s26], [sflag:$0x6] =	stream.indirect_vreg.gather [hbm4b:s7+s3], $0x80, v3, vm0, $0xb8;
	[tilespmem:$0x18200] =	vst v63  }
0x206: {  	_ =	swait.ge [sflag:s0], $0x4000  }
0x207: {  	[sflag:s0] =	ssyncset.done $0x0  }
0x208: {  	s20 =	simm.s32 $0x200;
	s10 =	rddreg [dreg:$0x10];
	[sflag:s0] =	ssyncadd.s32 $0xFFFFC000  }
0x209: {  	[hbm4b:s10+s3] =	stream.linear.scatter [tilespmem:s20], [sflag:$0x7], $0x4000, $0x38;
	[tilespmem:$0x18200] =	vst v63  }
0x20a: {  	_ =	swait.ge [sflag:s9], $0x4000  }
0x20b: {  	[sflag:s9] =	ssyncset.done $0x0  }
0x20c: {  	[sflag:s9] =	ssyncadd.s32 $0xFFFFC000  }
0x20d: {  	v3 =	vld [tilespmem:$0x120];
	_ =	sdelay $0x4  }
0x20e: {  	v50 =	vshll.u32 v3, $0x3  }
0x20f: {  	v3 =	vand.u32 $0x7, v3;
	v4 =	vand.u32 $0xFFFFFFC0, v50  }
0x210: {  	v3 =	vor.u32 v3, v4  }
0x211: {  	v4 =	vperm.xlane v3, v0;
	_ =	sdelay $0x1  }
0x212: {  	v4 =	vadd.s32 v1, v4;
	_ =	sdelay $0x4  }
0x213: {  	[tilespmem:s20], [sflag:$0x1] =	stream.indirect_vreg.gather [hbm4b:s2+s3], $0x80, v4, vm0, $0xb8;
	[tilespmem:$0x18200] =	vst v63  }
0x214: {  	s26 =	simm.s32 $0xA00;
	v3 =	vperm.xlane v3, v2  }
0x215: {  	[tilespmem:s26], [sflag:$0x1] =	stream.indirect_vreg.gather [hbm4b:s5+s3], $0x80, v4, vm0, $0xb8;
	[tilespmem:$0x18200] =	vst v63  }
0x216: {  	s19 =	simm.s32 $0x1200;
	v3 =	vadd.s32 v1, v3  }
0x217: {  	[tilespmem:s19], [sflag:$0x1] =	stream.indirect_vreg.gather [hbm4b:s6+s3], $0x80, v4, vm0, $0xb8;
	[tilespmem:$0x18200] =	vst v63  }
0x218: {  	s20 =	simm.s32 $0x1A00  }
0x219: {  	[tilespmem:s20], [sflag:$0x1] =	stream.indirect_vreg.gather [hbm4b:s7+s3], $0x80, v4, vm0, $0xb8;
	[tilespmem:$0x18200] =	vst v63  }
0x21a: {  	s26 =	simm.s32 $0x2200  }
0x21b: {  	[tilespmem:s26], [sflag:$0x1] =	stream.indirect_vreg.gather [hbm4b:s2+s3], $0x80, v3, vm0, $0xb8;
	[tilespmem:$0x18200] =	vst v63  }
0x21c: {  	s19 =	simm.s32 $0x2A00  }
0x21d: {  	[tilespmem:s19], [sflag:$0x1] =	stream.indirect_vreg.gather [hbm4b:s5+s3], $0x80, v3, vm0, $0xb8;
	[tilespmem:$0x18200] =	vst v63  }
0x21e: {  	s20 =	simm.s32 $0x3200  }
0x21f: {  	[tilespmem:s20], [sflag:$0x1] =	stream.indirect_vreg.gather [hbm4b:s6+s3], $0x80, v3, vm0, $0xb8;
	[tilespmem:$0x18200] =	vst v63  }
0x220: {  	s26 =	simm.s32 $0x3A00  }
0x221: {  	[tilespmem:s26], [sflag:$0x1] =	stream.indirect_vreg.gather [hbm4b:s7+s3], $0x80, v3, vm0, $0xb8;
	[tilespmem:$0x18200] =	vst v63  }
0x222: {  	_ =	swait.ge [sflag:s29], $0x4000  }
0x223: {  	[sflag:s29] =	ssyncset.done $0x0  }
0x224: {  	s20 =	simm.s32 $0x4200;
	s4 =	rddreg [dreg:$0x11];
	[sflag:s29] =	ssyncadd.s32 $0xFFFFC000  }
0x225: {  	[hbm4b:s4+s3] =	stream.linear.scatter [tilespmem:s20], [sflag:$0x8], $0x4000, $0x38;
	[tilespmem:$0x18200] =	vst v63  }
0x226: {  	_ =	swait.ge [sflag:s31], $0x4000  }
0x227: {  	[sflag:s31] =	ssyncset.done $0x0  }
0x228: {  	[sflag:s31] =	ssyncadd.s32 $0xFFFFC000  }
0x229: {  	v3 =	vld [tilespmem:$0x130];
	_ =	sdelay $0x4  }
0x22a: {  	v51 =	vshll.u32 v3, $0x3  }
0x22b: {  	v3 =	vand.u32 $0x7, v3;
	v4 =	vand.u32 $0xFFFFFFC0, v51  }
0x22c: {  	v3 =	vor.u32 v3, v4  }
0x22d: {  	v4 =	vperm.xlane v3, v0;
	_ =	sdelay $0x1  }
0x22e: {  	v4 =	vadd.s32 v1, v4;
	_ =	sdelay $0x4  }
0x22f: {  	[tilespmem:s20], [sflag:$0x2] =	stream.indirect_vreg.gather [hbm4b:s2+s3], $0x80, v4, vm0, $0xb8;
	[tilespmem:$0x18200] =	vst v63  }
0x230: {  	s26 =	simm.s32 $0x4A00;
	v3 =	vperm.xlane v3, v2  }
0x231: {  	[tilespmem:s26], [sflag:$0x2] =	stream.indirect_vreg.gather [hbm4b:s5+s3], $0x80, v4, vm0, $0xb8;
	[tilespmem:$0x18200] =	vst v63  }
0x232: {  	s19 =	simm.s32 $0x5200;
	v3 =	vadd.s32 v1, v3  }
0x233: {  	[tilespmem:s19], [sflag:$0x2] =	stream.indirect_vreg.gather [hbm4b:s6+s3], $0x80, v4, vm0, $0xb8;
	[tilespmem:$0x18200] =	vst v63  }
0x234: {  	s26 =	simm.s32 $0x5A00  }
0x235: {  	[tilespmem:s26], [sflag:$0x2] =	stream.indirect_vreg.gather [hbm4b:s7+s3], $0x80, v4, vm0, $0xb8;
	[tilespmem:$0x18200] =	vst v63  }
0x236: {  	s19 =	simm.s32 $0x6200  }
0x237: {  	[tilespmem:s19], [sflag:$0x2] =	stream.indirect_vreg.gather [hbm4b:s2+s3], $0x80, v3, vm0, $0xb8;
	[tilespmem:$0x18200] =	vst v63  }
0x238: {  	s26 =	simm.s32 $0x6A00  }
0x239: {  	[tilespmem:s26], [sflag:$0x2] =	stream.indirect_vreg.gather [hbm4b:s5+s3], $0x80, v3, vm0, $0xb8;
	[tilespmem:$0x18200] =	vst v63  }
0x23a: {  	s19 =	simm.s32 $0x7200  }
0x23b: {  	[tilespmem:s19], [sflag:$0x2] =	stream.indirect_vreg.gather [hbm4b:s6+s3], $0x80, v3, vm0, $0xb8;
	[tilespmem:$0x18200] =	vst v63  }
0x23c: {  	s26 =	simm.s32 $0x7A00  }
0x23d: {  	[tilespmem:s26], [sflag:$0x2] =	stream.indirect_vreg.gather [hbm4b:s7+s3], $0x80, v3, vm0, $0xb8;
	[tilespmem:$0x18200] =	vst v63  }
0x23e: {  	_ =	swait.ge [sflag:s18], $0x4000  }
0x23f: {  	[sflag:s18] =	ssyncset.done $0x0  }
0x240: {  	s23 =	simm.s32 $0x8200;
	s4 =	rddreg [dreg:$0x12];
	[sflag:s18] =	ssyncadd.s32 $0xFFFFC000  }
0x241: {  	[hbm4b:s4+s3] =	stream.linear.scatter [tilespmem:s23], [sflag:$0x9], $0x4000, $0x38;
	[tilespmem:$0x18200] =	vst v63  }
0x242: {  	_ =	swait.ge [sflag:s11], $0x4000  }
0x243: {  	[sflag:s11] =	ssyncset.done $0x0  }
0x244: {  	[sflag:s11] =	ssyncadd.s32 $0xFFFFC000  }
0x245: {  	v3 =	vld [tilespmem:$0x140];
	_ =	sdelay $0x4  }
0x246: {  	v52 =	vshll.u32 v3, $0x3  }
0x247: {  	v3 =	vand.u32 $0x7, v3;
	v4 =	vand.u32 $0xFFFFFFC0, v52  }
0x248: {  	v3 =	vor.u32 v3, v4  }
0x249: {  	v4 =	vperm.xlane v3, v0;
	_ =	sdelay $0x1  }
0x24a: {  	v4 =	vadd.s32 v1, v4;
	_ =	sdelay $0x4  }
0x24b: {  	[tilespmem:s23], [sflag:$0x3] =	stream.indirect_vreg.gather [hbm4b:s2+s3], $0x80, v4, vm0, $0xb8;
	[tilespmem:$0x18200] =	vst v63  }
0x24c: {  	v3 =	vperm.xlane v3, v2;
	s23 =	simm.s32 $0x8A00  }
0x24d: {  	[tilespmem:s23], [sflag:$0x3] =	stream.indirect_vreg.gather [hbm4b:s5+s3], $0x80, v4, vm0, $0xb8;
	[tilespmem:$0x18200] =	vst v63  }
0x24e: {  	s26 =	simm.s32 $0x9200;
	v3 =	vadd.s32 v1, v3  }
0x24f: {  	[tilespmem:s26], [sflag:$0x3] =	stream.indirect_vreg.gather [hbm4b:s6+s3], $0x80, v4, vm0, $0xb8;
	[tilespmem:$0x18200] =	vst v63  }
0x250: {  	s4 =	simm.s32 $0x9A00  }
0x251: {  	[tilespmem:s4], [sflag:$0x3] =	stream.indirect_vreg.gather [hbm4b:s7+s3], $0x80, v4, vm0, $0xb8;
	[tilespmem:$0x18200] =	vst v63  }
0x252: {  	s19 =	simm.s32 $0xA200  }
0x253: {  	[tilespmem:s19], [sflag:$0x3] =	stream.indirect_vreg.gather [hbm4b:s2+s3], $0x80, v3, vm0, $0xb8;
	[tilespmem:$0x18200] =	vst v63  }
0x254: {  	s4 =	simm.s32 $0xAA00  }
0x255: {  	[tilespmem:s4], [sflag:$0x3] =	stream.indirect_vreg.gather [hbm4b:s5+s3], $0x80, v3, vm0, $0xb8;
	[tilespmem:$0x18200] =	vst v63  }
0x256: {  	_ = 	snop  }
0x257: {  	[tilespmem:s1], [sflag:$0x3] =	stream.indirect_vreg.gather [hbm4b:s6+s3], $0x80, v3, vm0, $0xb8;
	[tilespmem:$0x18200] =	vst v63  }
0x258: {  	s23 =	simm.s32 $0xBA00  }
0x259: {  	[tilespmem:s23], [sflag:$0x3] =	stream.indirect_vreg.gather [hbm4b:s7+s3], $0x80, v3, vm0, $0xb8;
	[tilespmem:$0x18200] =	vst v63  }
0x25a: {  	_ =	swait.ge [sflag:s12], $0x4000  }
0x25b: {  	[sflag:s12] =	ssyncset.done $0x0  }
0x25c: {  	s8 =	simm.s32 $0xC200;
	s1 =	rddreg [dreg:$0x13];
	[sflag:s12] =	ssyncadd.s32 $0xFFFFC000  }
0x25d: {  	[hbm4b:s1+s3] =	stream.linear.scatter [tilespmem:s8], [sflag:$0xA], $0x4000, $0x38;
	[tilespmem:$0x18200] =	vst v63  }
0x25e: {  	_ =	swait.ge [sflag:s13], $0x4000  }
0x25f: {  	[sflag:s13] =	ssyncset.done $0x0  }
0x260: {  	[sflag:s13] =	ssyncadd.s32 $0xFFFFC000  }
0x261: {  	v3 =	vld [tilespmem:$0x150];
	_ =	sdelay $0x4  }
0x262: {  	v53 =	vshll.u32 v3, $0x3  }
0x263: {  	v3 =	vand.u32 $0x7, v3;
	v4 =	vand.u32 $0xFFFFFFC0, v53  }
0x264: {  	v3 =	vor.u32 v3, v4  }
0x265: {  	v4 =	vperm.xlane v3, v0;
	_ =	sdelay $0x1  }
0x266: {  	v4 =	vadd.s32 v1, v4;
	_ =	sdelay $0x4  }
0x267: {  	[tilespmem:s8], [sflag:$0x4] =	stream.indirect_vreg.gather [hbm4b:s2+s3], $0x80, v4, vm0, $0xb8;
	[tilespmem:$0x18200] =	vst v63  }
0x268: {  	v3 =	vperm.xlane v3, v2;
	s8 =	simm.s32 $0xCA00  }
0x269: {  	[tilespmem:s8], [sflag:$0x4] =	stream.indirect_vreg.gather [hbm4b:s5+s3], $0x80, v4, vm0, $0xb8;
	[tilespmem:$0x18200] =	vst v63  }
0x26a: {  	s19 =	simm.s32 $0xD200;
	v3 =	vadd.s32 v1, v3  }
0x26b: {  	[tilespmem:s19], [sflag:$0x4] =	stream.indirect_vreg.gather [hbm4b:s6+s3], $0x80, v4, vm0, $0xb8;
	[tilespmem:$0x18200] =	vst v63  }
0x26c: {  	s23 =	simm.s32 $0xDA00  }
0x26d: {  	[tilespmem:s23], [sflag:$0x4] =	stream.indirect_vreg.gather [hbm4b:s7+s3], $0x80, v4, vm0, $0xb8;
	[tilespmem:$0x18200] =	vst v63  }
0x26e: {  	s19 =	simm.s32 $0xE200  }
0x26f: {  	[tilespmem:s19], [sflag:$0x4] =	stream.indirect_vreg.gather [hbm4b:s2+s3], $0x80, v3, vm0, $0xb8;
	[tilespmem:$0x18200] =	vst v63  }
0x270: {  	s23 =	simm.s32 $0xEA00  }
0x271: {  	[tilespmem:s23], [sflag:$0x4] =	stream.indirect_vreg.gather [hbm4b:s5+s3], $0x80, v3, vm0, $0xb8;
	[tilespmem:$0x18200] =	vst v63  }
0x272: {  	s19 =	simm.s32 $0xF200  }
0x273: {  	[tilespmem:s19], [sflag:$0x4] =	stream.indirect_vreg.gather [hbm4b:s6+s3], $0x80, v3, vm0, $0xb8;
	[tilespmem:$0x18200] =	vst v63  }
0x274: {  	s23 =	simm.s32 $0xFA00  }
0x275: {  	[tilespmem:s23], [sflag:$0x4] =	stream.indirect_vreg.gather [hbm4b:s7+s3], $0x80, v3, vm0, $0xb8;
	[tilespmem:$0x18200] =	vst v63  }
0x276: {  	_ =	swait.ge [sflag:s14], $0x4000  }
0x277: {  	[sflag:s14] =	ssyncset.done $0x0  }
0x278: {  	s22 =	simm.s32 $0x10200;
	s8 =	rddreg [dreg:$0x14];
	[sflag:s14] =	ssyncadd.s32 $0xFFFFC000  }
0x279: {  	[hbm4b:s8+s3] =	stream.linear.scatter [tilespmem:s22], [sflag:$0xB], $0x4000, $0x38;
	[tilespmem:$0x18200] =	vst v63  }
0x27a: {  	_ =	swait.ge [sflag:s15], $0x4000  }
0x27b: {  	[sflag:s15] =	ssyncset.done $0x0  }
0x27c: {  	[sflag:s15] =	ssyncadd.s32 $0xFFFFC000  }
0x27d: {  	v3 =	vld [tilespmem:$0x160];
	_ =	sdelay $0x4  }
0x27e: {  	v54 =	vshll.u32 v3, $0x3  }
0x27f: {  	v3 =	vand.u32 $0x7, v3;
	v4 =	vand.u32 $0xFFFFFFC0, v54  }
0x280: {  	v3 =	vor.u32 v3, v4  }
0x281: {  	v4 =	vperm.xlane v3, v0;
	_ =	sdelay $0x1  }
0x282: {  	v4 =	vadd.s32 v1, v4;
	_ =	sdelay $0x4  }
0x283: {  	[tilespmem:s22], [sflag:$0x5] =	stream.indirect_vreg.gather [hbm4b:s2+s3], $0x80, v4, vm0, $0xb8;
	[tilespmem:$0x18200] =	vst v63  }
0x284: {  	s23 =	simm.s32 $0x10A00;
	v3 =	vperm.xlane v3, v2  }
0x285: {  	[tilespmem:s23], [sflag:$0x5] =	stream.indirect_vreg.gather [hbm4b:s5+s3], $0x80, v4, vm0, $0xb8;
	[tilespmem:$0x18200] =	vst v63  }
0x286: {  	s28 =	simm.s32 $0x11200;
	v3 =	vadd.s32 v1, v3  }
0x287: {  	[tilespmem:s28], [sflag:$0x5] =	stream.indirect_vreg.gather [hbm4b:s6+s3], $0x80, v4, vm0, $0xb8;
	[tilespmem:$0x18200] =	vst v63  }
0x288: {  	s28 =	simm.s32 $0x11A00  }
0x289: {  	[tilespmem:s28], [sflag:$0x5] =	stream.indirect_vreg.gather [hbm4b:s7+s3], $0x80, v4, vm0, $0xb8;
	[tilespmem:$0x18200] =	vst v63  }
0x28a: {  	s24 =	simm.s32 $0x12200  }
0x28b: {  	[tilespmem:s24], [sflag:$0x5] =	stream.indirect_vreg.gather [hbm4b:s2+s3], $0x80, v3, vm0, $0xb8;
	[tilespmem:$0x18200] =	vst v63  }
0x28c: {  	s25 =	simm.s32 $0x12A00  }
0x28d: {  	[tilespmem:s25], [sflag:$0x5] =	stream.indirect_vreg.gather [hbm4b:s5+s3], $0x80, v3, vm0, $0xb8;
	[tilespmem:$0x18200] =	vst v63  }
0x28e: {  	s30 =	simm.s32 $0x13200  }
0x28f: {  	[tilespmem:s30], [sflag:$0x5] =	stream.indirect_vreg.gather [hbm4b:s6+s3], $0x80, v3, vm0, $0xb8;
	[tilespmem:$0x18200] =	vst v63  }
0x290: {  	s30 =	simm.s32 $0x13A00  }
0x291: {  	[tilespmem:s30], [sflag:$0x5] =	stream.indirect_vreg.gather [hbm4b:s7+s3], $0x80, v3, vm0, $0xb8;
	[tilespmem:$0x18200] =	vst v63  }
0x292: {  	_ =	swait.ge [sflag:s16], $0x4000  }
0x293: {  	[sflag:s16] =	ssyncset.done $0x0  }
0x294: {  	s21 =	simm.s32 $0x14200;
	s22 =	rddreg [dreg:$0x15];
	[sflag:s16] =	ssyncadd.s32 $0xFFFFC000  }
0x295: {  	[hbm4b:s22+s3] =	stream.linear.scatter [tilespmem:s21], [sflag:$0xC], $0x4000, $0x38;
	[tilespmem:$0x18200] =	vst v63  }
0x296: {  	_ =	swait.ge [sflag:s17], $0x4000  }
0x297: {  	[sflag:s17] =	ssyncset.done $0x0  }
0x298: {  	[sflag:s17] =	ssyncadd.s32 $0xFFFFC000  }
0x299: {  	v3 =	vld [tilespmem:$0x170];
	_ =	sdelay $0x4  }
0x29a: {  	v55 =	vshll.u32 v3, $0x3  }
0x29b: {  	v3 =	vand.u32 $0x7, v3;
	v4 =	vand.u32 $0xFFFFFFC0, v55  }
0x29c: {  	v3 =	vor.u32 v3, v4  }
0x29d: {  	v4 =	vperm.xlane v3, v0;
	_ =	sdelay $0x1  }
0x29e: {  	v4 =	vadd.s32 v1, v4;
	_ =	sdelay $0x4  }
0x29f: {  	[tilespmem:s21], [sflag:$0x6] =	stream.indirect_vreg.gather [hbm4b:s2+s3], $0x80, v4, vm0, $0xb8;
	[tilespmem:$0x18200] =	vst v63  }
0x2a0: {  	s30 =	simm.s32 $0x14A00;
	v3 =	vperm.xlane v3, v2  }
0x2a1: {  	[tilespmem:s30], [sflag:$0x6] =	stream.indirect_vreg.gather [hbm4b:s5+s3], $0x80, v4, vm0, $0xb8;
	[tilespmem:$0x18200] =	vst v63  }
0x2a2: {  	v3 =	vadd.s32 v1, v3;
	s21 =	simm.s32 $0x15200  }
0x2a3: {  	[tilespmem:s21], [sflag:$0x6] =	stream.indirect_vreg.gather [hbm4b:s6+s3], $0x80, v4, vm0, $0xb8;
	[tilespmem:$0x18200] =	vst v63  }
0x2a4: {  	s22 =	simm.s32 $0x15A00  }
0x2a5: {  	[tilespmem:s22], [sflag:$0x6] =	stream.indirect_vreg.gather [hbm4b:s7+s3], $0x80, v4, vm0, $0xb8;
	[tilespmem:$0x18200] =	vst v63  }
0x2a6: {  	s30 =	simm.s32 $0x16200  }
0x2a7: {  	[tilespmem:s30], [sflag:$0x6] =	stream.indirect_vreg.gather [hbm4b:s2+s3], $0x80, v3, vm0, $0xb8;
	[tilespmem:$0x18200] =	vst v63  }
0x2a8: {  	s21 =	simm.s32 $0x16A00  }
0x2a9: {  	[tilespmem:s21], [sflag:$0x6] =	stream.indirect_vreg.gather [hbm4b:s5+s3], $0x80, v3, vm0, $0xb8;
	[tilespmem:$0x18200] =	vst v63  }
0x2aa: {  	s22 =	simm.s32 $0x17200  }
0x2ab: {  	[tilespmem:s22], [sflag:$0x6] =	stream.indirect_vreg.gather [hbm4b:s6+s3], $0x80, v3, vm0, $0xb8;
	[tilespmem:$0x18200] =	vst v63  }
0x2ac: {  	s30 =	simm.s32 $0x17A00  }
0x2ad: {  	[tilespmem:s30], [sflag:$0x6] =	stream.indirect_vreg.gather [hbm4b:s7+s3], $0x80, v3, vm0, $0xb8;
	[tilespmem:$0x18200] =	vst v63  }
0x2ae: {  	_ =	swait.ge [sflag:s0], $0x4000  }
0x2af: {  	[sflag:s0] =	ssyncset.done $0x0  }
0x2b0: {  	s10 =	simm.s32 $0x200;
	s21 =	rddreg [dreg:$0x16];
	[sflag:s0] =	ssyncadd.s32 $0xFFFFC000  }
0x2b1: {  	[hbm4b:s21+s3] =	stream.linear.scatter [tilespmem:s10], [sflag:$0x7], $0x4000, $0x38;
	[tilespmem:$0x18200] =	vst v63  }
0x2b2: {  	_ =	swait.ge [sflag:s9], $0x4000  }
0x2b3: {  	[sflag:s9] =	ssyncset.done $0x0  }
0x2b4: {  	[sflag:s9] =	ssyncadd.s32 $0xFFFFC000  }
0x2b5: {  	v3 =	vld [tilespmem:$0x180];
	_ =	sdelay $0x4  }
0x2b6: {  	v56 =	vshll.u32 v3, $0x3  }
0x2b7: {  	v3 =	vand.u32 $0x7, v3;
	v4 =	vand.u32 $0xFFFFFFC0, v56  }
0x2b8: {  	v3 =	vor.u32 v3, v4  }
0x2b9: {  	v4 =	vperm.xlane v3, v0;
	_ =	sdelay $0x1  }
0x2ba: {  	v4 =	vadd.s32 v1, v4;
	_ =	sdelay $0x4  }
0x2bb: {  	[tilespmem:s10], [sflag:$0x1] =	stream.indirect_vreg.gather [hbm4b:s2+s3], $0x80, v4, vm0, $0xb8;
	[tilespmem:$0x18200] =	vst v63  }
0x2bc: {  	s22 =	simm.s32 $0xA00;
	v3 =	vperm.xlane v3, v2  }
0x2bd: {  	[tilespmem:s22], [sflag:$0x1] =	stream.indirect_vreg.gather [hbm4b:s5+s3], $0x80, v4, vm0, $0xb8;
	[tilespmem:$0x18200] =	vst v63  }
0x2be: {  	s30 =	simm.s32 $0x1200;
	v3 =	vadd.s32 v1, v3  }
0x2bf: {  	[tilespmem:s30], [sflag:$0x1] =	stream.indirect_vreg.gather [hbm4b:s6+s3], $0x80, v4, vm0, $0xb8;
	[tilespmem:$0x18200] =	vst v63  }
0x2c0: {  	s10 =	simm.s32 $0x1A00  }
0x2c1: {  	[tilespmem:s10], [sflag:$0x1] =	stream.indirect_vreg.gather [hbm4b:s7+s3], $0x80, v4, vm0, $0xb8;
	[tilespmem:$0x18200] =	vst v63  }
0x2c2: {  	s21 =	simm.s32 $0x2200  }
0x2c3: {  	[tilespmem:s21], [sflag:$0x1] =	stream.indirect_vreg.gather [hbm4b:s2+s3], $0x80, v3, vm0, $0xb8;
	[tilespmem:$0x18200] =	vst v63  }
0x2c4: {  	s22 =	simm.s32 $0x2A00  }
0x2c5: {  	[tilespmem:s22], [sflag:$0x1] =	stream.indirect_vreg.gather [hbm4b:s5+s3], $0x80, v3, vm0, $0xb8;
	[tilespmem:$0x18200] =	vst v63  }
0x2c6: {  	s30 =	simm.s32 $0x3200  }
0x2c7: {  	[tilespmem:s30], [sflag:$0x1] =	stream.indirect_vreg.gather [hbm4b:s6+s3], $0x80, v3, vm0, $0xb8;
	[tilespmem:$0x18200] =	vst v63  }
0x2c8: {  	s10 =	simm.s32 $0x3A00  }
0x2c9: {  	[tilespmem:s10], [sflag:$0x1] =	stream.indirect_vreg.gather [hbm4b:s7+s3], $0x80, v3, vm0, $0xb8;
	[tilespmem:$0x18200] =	vst v63  }
0x2ca: {  	_ =	swait.ge [sflag:s29], $0x4000  }
0x2cb: {  	[sflag:s29] =	ssyncset.done $0x0  }
0x2cc: {  	s20 =	simm.s32 $0x4200;
	s21 =	rddreg [dreg:$0x17];
	[sflag:s29] =	ssyncadd.s32 $0xFFFFC000  }
0x2cd: {  	[hbm4b:s21+s3] =	stream.linear.scatter [tilespmem:s20], [sflag:$0x8], $0x4000, $0x38;
	[tilespmem:$0x18200] =	vst v63  }
0x2ce: {  	_ =	swait.ge [sflag:s31], $0x4000  }
0x2cf: {  	[sflag:s31] =	ssyncset.done $0x0  }
0x2d0: {  	[sflag:s31] =	ssyncadd.s32 $0xFFFFC000  }
0x2d1: {  	v3 =	vld [tilespmem:$0x190];
	_ =	sdelay $0x4  }
0x2d2: {  	v57 =	vshll.u32 v3, $0x3  }
0x2d3: {  	v3 =	vand.u32 $0x7, v3;
	v4 =	vand.u32 $0xFFFFFFC0, v57  }
0x2d4: {  	v3 =	vor.u32 v3, v4  }
0x2d5: {  	v4 =	vperm.xlane v3, v0;
	_ =	sdelay $0x1  }
0x2d6: {  	v4 =	vadd.s32 v1, v4;
	_ =	sdelay $0x4  }
0x2d7: {  	[tilespmem:s20], [sflag:$0x2] =	stream.indirect_vreg.gather [hbm4b:s2+s3], $0x80, v4, vm0, $0xb8;
	[tilespmem:$0x18200] =	vst v63  }
0x2d8: {  	s22 =	simm.s32 $0x4A00;
	v3 =	vperm.xlane v3, v2  }
0x2d9: {  	[tilespmem:s22], [sflag:$0x2] =	stream.indirect_vreg.gather [hbm4b:s5+s3], $0x80, v4, vm0, $0xb8;
	[tilespmem:$0x18200] =	vst v63  }
0x2da: {  	s30 =	simm.s32 $0x5200;
	v3 =	vadd.s32 v1, v3  }
0x2db: {  	[tilespmem:s30], [sflag:$0x2] =	stream.indirect_vreg.gather [hbm4b:s6+s3], $0x80, v4, vm0, $0xb8;
	[tilespmem:$0x18200] =	vst v63  }
0x2dc: {  	s10 =	simm.s32 $0x5A00  }
0x2dd: {  	[tilespmem:s10], [sflag:$0x2] =	stream.indirect_vreg.gather [hbm4b:s7+s3], $0x80, v4, vm0, $0xb8;
	[tilespmem:$0x18200] =	vst v63  }
0x2de: {  	s20 =	simm.s32 $0x6200  }
0x2df: {  	[tilespmem:s20], [sflag:$0x2] =	stream.indirect_vreg.gather [hbm4b:s2+s3], $0x80, v3, vm0, $0xb8;
	[tilespmem:$0x18200] =	vst v63  }
0x2e0: {  	s22 =	simm.s32 $0x6A00  }
0x2e1: {  	[tilespmem:s22], [sflag:$0x2] =	stream.indirect_vreg.gather [hbm4b:s5+s3], $0x80, v3, vm0, $0xb8;
	[tilespmem:$0x18200] =	vst v63  }
0x2e2: {  	s10 =	simm.s32 $0x7200  }
0x2e3: {  	[tilespmem:s10], [sflag:$0x2] =	stream.indirect_vreg.gather [hbm4b:s6+s3], $0x80, v3, vm0, $0xb8;
	[tilespmem:$0x18200] =	vst v63  }
0x2e4: {  	s20 =	simm.s32 $0x7A00  }
0x2e5: {  	[tilespmem:s20], [sflag:$0x2] =	stream.indirect_vreg.gather [hbm4b:s7+s3], $0x80, v3, vm0, $0xb8;
	[tilespmem:$0x18200] =	vst v63  }
0x2e6: {  	_ =	swait.ge [sflag:s18], $0x4000  }
0x2e7: {  	[sflag:s18] =	ssyncset.done $0x0  }
0x2e8: {  	s10 =	simm.s32 $0x8200;
	s22 =	rddreg [dreg:$0x18];
	[sflag:s18] =	ssyncadd.s32 $0xFFFFC000  }
0x2e9: {  	[hbm4b:s22+s3] =	stream.linear.scatter [tilespmem:s10], [sflag:$0x9], $0x4000, $0x38;
	[tilespmem:$0x18200] =	vst v63  }
0x2ea: {  	_ =	swait.ge [sflag:s11], $0x4000  }
0x2eb: {  	[sflag:s11] =	ssyncset.done $0x0  }
0x2ec: {  	[sflag:s11] =	ssyncadd.s32 $0xFFFFC000  }
0x2ed: {  	v3 =	vld [tilespmem:$0x1A0];
	_ =	sdelay $0x4  }
0x2ee: {  	v58 =	vshll.u32 v3, $0x3  }
0x2ef: {  	v3 =	vand.u32 $0x7, v3;
	v4 =	vand.u32 $0xFFFFFFC0, v58  }
0x2f0: {  	v3 =	vor.u32 v3, v4  }
0x2f1: {  	v4 =	vperm.xlane v3, v0;
	_ =	sdelay $0x1  }
0x2f2: {  	v4 =	vadd.s32 v1, v4;
	_ =	sdelay $0x4  }
0x2f3: {  	[tilespmem:s10], [sflag:$0x3] =	stream.indirect_vreg.gather [hbm4b:s2+s3], $0x80, v4, vm0, $0xb8;
	[tilespmem:$0x18200] =	vst v63  }
0x2f4: {  	s19 =	simm.s32 $0x8A00;
	v3 =	vperm.xlane v3, v2  }
0x2f5: {  	[tilespmem:s19], [sflag:$0x3] =	stream.indirect_vreg.gather [hbm4b:s5+s3], $0x80, v4, vm0, $0xb8;
	[tilespmem:$0x18200] =	vst v63  }
0x2f6: {  	s22 =	simm.s32 $0x9200;
	v3 =	vadd.s32 v1, v3  }
0x2f7: {  	[tilespmem:s22], [sflag:$0x3] =	stream.indirect_vreg.gather [hbm4b:s6+s3], $0x80, v4, vm0, $0xb8;
	[tilespmem:$0x18200] =	vst v63  }
0x2f8: {  	s26 =	simm.s32 $0x9A00  }
0x2f9: {  	[tilespmem:s26], [sflag:$0x3] =	stream.indirect_vreg.gather [hbm4b:s7+s3], $0x80, v4, vm0, $0xb8;
	[tilespmem:$0x18200] =	vst v63  }
0x2fa: {  	s26 =	simm.s32 $0xA200  }
0x2fb: {  	[tilespmem:s26], [sflag:$0x3] =	stream.indirect_vreg.gather [hbm4b:s2+s3], $0x80, v3, vm0, $0xb8;
	[tilespmem:$0x18200] =	vst v63  }
0x2fc: {  	_ = 	snop  }
0x2fd: {  	[tilespmem:s4], [sflag:$0x3] =	stream.indirect_vreg.gather [hbm4b:s5+s3], $0x80, v3, vm0, $0xb8;
	[tilespmem:$0x18200] =	vst v63  }
0x2fe: {  	s19 =	simm.s32 $0xB200  }
0x2ff: {  	[tilespmem:s19], [sflag:$0x3] =	stream.indirect_vreg.gather [hbm4b:s6+s3], $0x80, v3, vm0, $0xb8;
	[tilespmem:$0x18200] =	vst v63  }
0x300: {  	s22 =	simm.s32 $0xBA00  }
0x301: {  	[tilespmem:s22], [sflag:$0x3] =	stream.indirect_vreg.gather [hbm4b:s7+s3], $0x80, v3, vm0, $0xb8;
	[tilespmem:$0x18200] =	vst v63  }
0x302: {  	_ =	swait.ge [sflag:s12], $0x4000  }
0x303: {  	[sflag:s12] =	ssyncset.done $0x0  }
0x304: {  	s4 =	simm.s32 $0xC200;
	s26 =	rddreg [dreg:$0x19];
	[sflag:s12] =	ssyncadd.s32 $0xFFFFC000  }
0x305: {  	[hbm4b:s26+s3] =	stream.linear.scatter [tilespmem:s4], [sflag:$0xA], $0x4000, $0x38;
	[tilespmem:$0x18200] =	vst v63  }
0x306: {  	_ =	swait.ge [sflag:s13], $0x4000  }
0x307: {  	[sflag:s13] =	ssyncset.done $0x0  }
0x308: {  	[sflag:s13] =	ssyncadd.s32 $0xFFFFC000  }
0x309: {  	v3 =	vld [tilespmem:$0x1B0];
	_ =	sdelay $0x4  }
0x30a: {  	v59 =	vshll.u32 v3, $0x3  }
0x30b: {  	v3 =	vand.u32 $0x7, v3;
	v4 =	vand.u32 $0xFFFFFFC0, v59  }
0x30c: {  	v3 =	vor.u32 v3, v4  }
0x30d: {  	v4 =	vperm.xlane v3, v0;
	_ =	sdelay $0x1  }
0x30e: {  	v4 =	vadd.s32 v1, v4;
	_ =	sdelay $0x4  }
0x30f: {  	[tilespmem:s4], [sflag:$0x4] =	stream.indirect_vreg.gather [hbm4b:s2+s3], $0x80, v4, vm0, $0xb8;
	[tilespmem:$0x18200] =	vst v63  }
0x310: {  	s1 =	simm.s32 $0xCA00;
	v3 =	vperm.xlane v3, v2  }
0x311: {  	[tilespmem:s1], [sflag:$0x4] =	stream.indirect_vreg.gather [hbm4b:s5+s3], $0x80, v4, vm0, $0xb8;
	[tilespmem:$0x18200] =	vst v63  }
0x312: {  	s10 =	simm.s32 $0xD200;
	v3 =	vadd.s32 v1, v3  }
0x313: {  	[tilespmem:s10], [sflag:$0x4] =	stream.indirect_vreg.gather [hbm4b:s6+s3], $0x80, v4, vm0, $0xb8;
	[tilespmem:$0x18200] =	vst v63  }
0x314: {  	s19 =	simm.s32 $0xDA00  }
0x315: {  	[tilespmem:s19], [sflag:$0x4] =	stream.indirect_vreg.gather [hbm4b:s7+s3], $0x80, v4, vm0, $0xb8;
	[tilespmem:$0x18200] =	vst v63  }
0x316: {  	s26 =	simm.s32 $0xE200  }
0x317: {  	[tilespmem:s26], [sflag:$0x4] =	stream.indirect_vreg.gather [hbm4b:s2+s3], $0x80, v3, vm0, $0xb8;
	[tilespmem:$0x18200] =	vst v63  }
0x318: {  	s4 =	simm.s32 $0xEA00  }
0x319: {  	[tilespmem:s4], [sflag:$0x4] =	stream.indirect_vreg.gather [hbm4b:s5+s3], $0x80, v3, vm0, $0xb8;
	[tilespmem:$0x18200] =	vst v63  }
0x31a: {  	s10 =	simm.s32 $0xF200  }
0x31b: {  	[tilespmem:s10], [sflag:$0x4] =	stream.indirect_vreg.gather [hbm4b:s6+s3], $0x80, v3, vm0, $0xb8;
	[tilespmem:$0x18200] =	vst v63  }
0x31c: {  	s19 =	simm.s32 $0xFA00  }
0x31d: {  	[tilespmem:s19], [sflag:$0x4] =	stream.indirect_vreg.gather [hbm4b:s7+s3], $0x80, v3, vm0, $0xb8;
	[tilespmem:$0x18200] =	vst v63  }
0x31e: {  	_ =	swait.ge [sflag:s14], $0x4000  }
0x31f: {  	[sflag:s14] =	ssyncset.done $0x0  }
0x320: {  	s1 =	simm.s32 $0x10200;
	s26 =	rddreg [dreg:$0x1a];
	[sflag:s14] =	ssyncadd.s32 $0xFFFFC000  }
0x321: {  	[hbm4b:s26+s3] =	stream.linear.scatter [tilespmem:s1], [sflag:$0xB], $0x4000, $0x38;
	[tilespmem:$0x18200] =	vst v63  }
0x322: {  	_ =	swait.ge [sflag:s15], $0x4000  }
0x323: {  	[sflag:s15] =	ssyncset.done $0x0  }
0x324: {  	[sflag:s15] =	ssyncadd.s32 $0xFFFFC000  }
0x325: {  	v3 =	vld [tilespmem:$0x1C0];
	_ =	sdelay $0x4  }
0x326: {  	v60 =	vshll.u32 v3, $0x3  }
0x327: {  	v3 =	vand.u32 $0x7, v3;
	v4 =	vand.u32 $0xFFFFFFC0, v60  }
0x328: {  	v3 =	vor.u32 v3, v4  }
0x329: {  	v4 =	vperm.xlane v3, v0;
	_ =	sdelay $0x1  }
0x32a: {  	v4 =	vadd.s32 v1, v4;
	_ =	sdelay $0x4  }
0x32b: {  	[tilespmem:s1], [sflag:$0x5] =	stream.indirect_vreg.gather [hbm4b:s2+s3], $0x80, v4, vm0, $0xb8;
	[tilespmem:$0x18200] =	vst v63  }
0x32c: {  	s4 =	simm.s32 $0x10A00;
	v3 =	vperm.xlane v3, v2  }
0x32d: {  	[tilespmem:s4], [sflag:$0x5] =	stream.indirect_vreg.gather [hbm4b:s5+s3], $0x80, v4, vm0, $0xb8;
	[tilespmem:$0x18200] =	vst v63  }
0x32e: {  	s23 =	simm.s32 $0x11200;
	v3 =	vadd.s32 v1, v3  }
0x32f: {  	[tilespmem:s23], [sflag:$0x5] =	stream.indirect_vreg.gather [hbm4b:s6+s3], $0x80, v4, vm0, $0xb8;
	[tilespmem:$0x18200] =	vst v63  }
0x330: {  	s8 =	simm.s32 $0x11A00  }
0x331: {  	[tilespmem:s8], [sflag:$0x5] =	stream.indirect_vreg.gather [hbm4b:s7+s3], $0x80, v4, vm0, $0xb8;
	[tilespmem:$0x18200] =	vst v63  }
0x332: {  	s28 =	simm.s32 $0x12200  }
0x333: {  	[tilespmem:s28], [sflag:$0x5] =	stream.indirect_vreg.gather [hbm4b:s2+s3], $0x80, v3, vm0, $0xb8;
	[tilespmem:$0x18200] =	vst v63  }
0x334: {  	s24 =	simm.s32 $0x12A00  }
0x335: {  	[tilespmem:s24], [sflag:$0x5] =	stream.indirect_vreg.gather [hbm4b:s5+s3], $0x80, v3, vm0, $0xb8;
	[tilespmem:$0x18200] =	vst v63  }
0x336: {  	s25 =	simm.s32 $0x13200  }
0x337: {  	[tilespmem:s25], [sflag:$0x5] =	stream.indirect_vreg.gather [hbm4b:s6+s3], $0x80, v3, vm0, $0xb8;
	[tilespmem:$0x18200] =	vst v63  }
0x338: {  	s8 =	simm.s32 $0x13A00  }
0x339: {  	[tilespmem:s8], [sflag:$0x5] =	stream.indirect_vreg.gather [hbm4b:s7+s3], $0x80, v3, vm0, $0xb8;
	[tilespmem:$0x18200] =	vst v63  }
0x33a: {  	_ =	swait.ge [sflag:s16], $0x4000  }
0x33b: {  	[sflag:s16] =	ssyncset.done $0x0  }
0x33c: {  	s23 =	simm.s32 $0x14200;
	s10 =	rddreg [dreg:$0x1b];
	[sflag:s16] =	ssyncadd.s32 $0xFFFFC000  }
0x33d: {  	[hbm4b:s10+s3] =	stream.linear.scatter [tilespmem:s23], [sflag:$0xC], $0x4000, $0x38;
	[tilespmem:$0x18200] =	vst v63  }
0x33e: {  	_ =	swait.ge [sflag:s17], $0x4000  }
0x33f: {  	[sflag:s17] =	ssyncset.done $0x0  }
0x340: {  	[sflag:s17] =	ssyncadd.s32 $0xFFFFC000  }
0x341: {  	v3 =	vld [tilespmem:$0x1D0];
	_ =	sdelay $0x4  }
0x342: {  	v61 =	vshll.u32 v3, $0x3  }
0x343: {  	v3 =	vand.u32 $0x7, v3;
	v4 =	vand.u32 $0xFFFFFFC0, v61  }
0x344: {  	v3 =	vor.u32 v3, v4  }
0x345: {  	v4 =	vperm.xlane v3, v0;
	_ =	sdelay $0x1  }
0x346: {  	v4 =	vadd.s32 v1, v4;
	_ =	sdelay $0x4  }
0x347: {  	[tilespmem:s23], [sflag:$0x6] =	stream.indirect_vreg.gather [hbm4b:s2+s3], $0x80, v4, vm0, $0xb8;
	[tilespmem:$0x18200] =	vst v63  }
0x348: {  	s24 =	simm.s32 $0x14A00;
	v3 =	vperm.xlane v3, v2  }
0x349: {  	[tilespmem:s24], [sflag:$0x6] =	stream.indirect_vreg.gather [hbm4b:s5+s3], $0x80, v4, vm0, $0xb8;
	[tilespmem:$0x18200] =	vst v63  }
0x34a: {  	s25 =	simm.s32 $0x15200;
	v3 =	vadd.s32 v1, v3  }
0x34b: {  	[tilespmem:s25], [sflag:$0x6] =	stream.indirect_vreg.gather [hbm4b:s6+s3], $0x80, v4, vm0, $0xb8;
	[tilespmem:$0x18200] =	vst v63  }
0x34c: {  	s28 =	simm.s32 $0x15A00  }
0x34d: {  	[tilespmem:s28], [sflag:$0x6] =	stream.indirect_vreg.gather [hbm4b:s7+s3], $0x80, v4, vm0, $0xb8;
	[tilespmem:$0x18200] =	vst v63  }
0x34e: {  	s4 =	simm.s32 $0x16200  }
0x34f: {  	[tilespmem:s4], [sflag:$0x6] =	stream.indirect_vreg.gather [hbm4b:s2+s3], $0x80, v3, vm0, $0xb8;
	[tilespmem:$0x18200] =	vst v63  }
0x350: {  	s10 =	simm.s32 $0x16A00  }
0x351: {  	[tilespmem:s10], [sflag:$0x6] =	stream.indirect_vreg.gather [hbm4b:s5+s3], $0x80, v3, vm0, $0xb8;
	[tilespmem:$0x18200] =	vst v63  }
0x352: {  	s19 =	simm.s32 $0x17200  }
0x353: {  	[tilespmem:s19], [sflag:$0x6] =	stream.indirect_vreg.gather [hbm4b:s6+s3], $0x80, v3, vm0, $0xb8;
	[tilespmem:$0x18200] =	vst v63  }
0x354: {  	s23 =	simm.s32 $0x17A00  }
0x355: {  	[tilespmem:s23], [sflag:$0x6] =	stream.indirect_vreg.gather [hbm4b:s7+s3], $0x80, v3, vm0, $0xb8;
	[tilespmem:$0x18200] =	vst v63  }
0x356: {  	_ =	swait.ge [sflag:s0], $0x4000  }
0x357: {  	[sflag:s0] =	ssyncset.done $0x0  }
0x358: {  	s25 =	simm.s32 $0x200;
	s24 =	rddreg [dreg:$0x1c];
	[sflag:s0] =	ssyncadd.s32 $0xFFFFC000  }
0x359: {  	[hbm4b:s24+s3] =	stream.linear.scatter [tilespmem:s25], [sflag:$0x7], $0x4000, $0x38;
	[tilespmem:$0x18200] =	vst v63  }
0x35a: {  	_ =	swait.ge [sflag:s9], $0x4000  }
0x35b: {  	[sflag:s9] =	ssyncset.done $0x0  }
0x35c: {  	[sflag:s9] =	ssyncadd.s32 $0xFFFFC000  }
0x35d: {  	v3 =	vld [tilespmem:$0x1E0];
	_ =	sdelay $0x4  }
0x35e: {  	v62 =	vshll.u32 v3, $0x3  }
0x35f: {  	v3 =	vand.u32 $0x7, v3;
	v4 =	vand.u32 $0xFFFFFFC0, v62  }
0x360: {  	v3 =	vor.u32 v3, v4  }
0x361: {  	v4 =	vperm.xlane v3, v0;
	_ =	sdelay $0x1  }
0x362: {  	v4 =	vadd.s32 v1, v4;
	_ =	sdelay $0x4  }
0x363: {  	[tilespmem:s25], [sflag:$0x1] =	stream.indirect_vreg.gather [hbm4b:s2+s3], $0x80, v4, vm0, $0xb8;
	[tilespmem:$0x18200] =	vst v63  }
0x364: {  	s28 =	simm.s32 $0xA00;
	v3 =	vperm.xlane v3, v2  }
0x365: {  	[tilespmem:s28], [sflag:$0x1] =	stream.indirect_vreg.gather [hbm4b:s5+s3], $0x80, v4, vm0, $0xb8;
	[tilespmem:$0x18200] =	vst v63  }
0x366: {  	s10 =	simm.s32 $0x1200;
	v3 =	vadd.s32 v1, v3  }
0x367: {  	[tilespmem:s10], [sflag:$0x1] =	stream.indirect_vreg.gather [hbm4b:s6+s3], $0x80, v4, vm0, $0xb8;
	[tilespmem:$0x18200] =	vst v63  }
0x368: {  	s19 =	simm.s32 $0x1A00  }
0x369: {  	[tilespmem:s19], [sflag:$0x1] =	stream.indirect_vreg.gather [hbm4b:s7+s3], $0x80, v4, vm0, $0xb8;
	[tilespmem:$0x18200] =	vst v63  }
0x36a: {  	s23 =	simm.s32 $0x2200  }
0x36b: {  	[tilespmem:s23], [sflag:$0x1] =	stream.indirect_vreg.gather [hbm4b:s2+s3], $0x80, v3, vm0, $0xb8;
	[tilespmem:$0x18200] =	vst v63  }
0x36c: {  	s24 =	simm.s32 $0x2A00  }
0x36d: {  	[tilespmem:s24], [sflag:$0x1] =	stream.indirect_vreg.gather [hbm4b:s5+s3], $0x80, v3, vm0, $0xb8;
	[tilespmem:$0x18200] =	vst v63  }
0x36e: {  	s25 =	simm.s32 $0x3200  }
0x36f: {  	[tilespmem:s25], [sflag:$0x1] =	stream.indirect_vreg.gather [hbm4b:s6+s3], $0x80, v3, vm0, $0xb8;
	[tilespmem:$0x18200] =	vst v63  }
0x370: {  	s28 =	simm.s32 $0x3A00  }
0x371: {  	[tilespmem:s28], [sflag:$0x1] =	stream.indirect_vreg.gather [hbm4b:s7+s3], $0x80, v3, vm0, $0xb8;
	[tilespmem:$0x18200] =	vst v63  }
0x372: {  	_ =	swait.ge [sflag:s29], $0x4000  }
0x373: {  	[sflag:s29] =	ssyncset.done $0x0  }
0x374: {  	s23 =	simm.s32 $0x4200;
	s10 =	rddreg [dreg:$0x1d];
	[sflag:s29] =	ssyncadd.s32 $0xFFFFC000  }
0x375: {  	[hbm4b:s10+s3] =	stream.linear.scatter [tilespmem:s23], [sflag:$0x8], $0x4000, $0x38;
	[tilespmem:$0x18200] =	vst v63  }
0x376: {  	_ =	swait.ge [sflag:s31], $0x4000  }
0x377: {  	[sflag:s31] =	ssyncset.done $0x0  }
0x378: {  	[sflag:s31] =	ssyncadd.s32 $0xFFFFC000  }
0x379: {  	v3 =	vld [tilespmem:$0x1F0];
	_ =	sdelay $0x4  }
0x37a: {  	v63 =	vshll.u32 v3, $0x3  }
0x37b: {  	v3 =	vand.u32 $0x7, v3;
	v4 =	vand.u32 $0xFFFFFFC0, v63  }
0x37c: {  	v3 =	vor.u32 v3, v4  }
0x37d: {  	v4 =	vperm.xlane v3, v0;
	_ =	sdelay $0x1  }
0x37e: {  	v4 =	vadd.s32 v1, v4;
	_ =	sdelay $0x4  }
0x37f: {  	[tilespmem:s23], [sflag:$0x2] =	stream.indirect_vreg.gather [hbm4b:s2+s3], $0x80, v4, vm0, $0xb8;
	[tilespmem:$0x18200] =	vst v63  }
0x380: {  	s24 =	simm.s32 $0x4A00;
	v3 =	vperm.xlane v3, v2  }
0x381: {  	[tilespmem:s24], [sflag:$0x2] =	stream.indirect_vreg.gather [hbm4b:s5+s3], $0x80, v4, vm0, $0xb8;
	[tilespmem:$0x18200] =	vst v63  }
0x382: {  	s30 =	simm.s32 $0x5200;
	v3 =	vadd.s32 v1, v3  }
0x383: {  	[tilespmem:s30], [sflag:$0x2] =	stream.indirect_vreg.gather [hbm4b:s6+s3], $0x80, v4, vm0, $0xb8;
	[tilespmem:$0x18200] =	vst v63  }
0x384: {  	s21 =	simm.s32 $0x5A00  }
0x385: {  	[tilespmem:s21], [sflag:$0x2] =	stream.indirect_vreg.gather [hbm4b:s7+s3], $0x80, v4, vm0, $0xb8;
	[tilespmem:$0x18200] =	vst v63  }
0x386: {  	s25 =	simm.s32 $0x6200  }
0x387: {  	[tilespmem:s25], [sflag:$0x2] =	stream.indirect_vreg.gather [hbm4b:s2+s3], $0x80, v3, vm0, $0xb8;
	[tilespmem:$0x18200] =	vst v63  }
0x388: {  	s28 =	simm.s32 $0x6A00  }
0x389: {  	[tilespmem:s28], [sflag:$0x2] =	stream.indirect_vreg.gather [hbm4b:s5+s3], $0x80, v3, vm0, $0xb8;
	[tilespmem:$0x18200] =	vst v63  }
0x38a: {  	s30 =	simm.s32 $0x7200  }
0x38b: {  	[tilespmem:s30], [sflag:$0x2] =	stream.indirect_vreg.gather [hbm4b:s6+s3], $0x80, v3, vm0, $0xb8;
	[tilespmem:$0x18200] =	vst v63  }
0x38c: {  	s19 =	simm.s32 $0x7A00  }
0x38d: {  	[tilespmem:s19], [sflag:$0x2] =	stream.indirect_vreg.gather [hbm4b:s7+s3], $0x80, v3, vm0, $0xb8;
	[tilespmem:$0x18200] =	vst v63  }
0x38e: {  	_ =	swait.ge [sflag:s18], $0x4000  }
0x38f: {  	[sflag:s18] =	ssyncset.done $0x0  }
0x390: {  	s20 =	simm.s32 $0x8200;
	s21 =	rddreg [dreg:$0x1e];
	[sflag:s18] =	ssyncadd.s32 $0xFFFFC000  }
0x391: {  	[hbm4b:s21+s3] =	stream.linear.scatter [tilespmem:s20], [sflag:$0x9], $0x4000, $0x38;
	[tilespmem:$0x18200] =	vst v63  }
0x392: {  	_ =	swait.ge [sflag:s12], $0x4000  }
0x393: {  	[sflag:s12] =	ssyncset.done $0x0  }
0x394: {  	s22 =	simm.s32 $0xC200;
	s23 =	rddreg [dreg:$0x1f];
	[sflag:s12] =	ssyncadd.s32 $0xFFFFC000  }
0x395: {  	[hbm4b:s23+s3] =	stream.linear.scatter [tilespmem:s22], [sflag:$0xA], $0x4000, $0x38;
	[tilespmem:$0x18200] =	vst v63  }
0x396: {  	_ =	swait.ge [sflag:s14], $0x4000  }
0x397: {  	s24 =	sld [smem:$0x7F9]  }
0x398: {  	[sflag:s14] =	ssyncset.done $0x0  }
0x399: {  	s26 =	simm.s32 $0x10200;
	[sflag:s14] =	ssyncadd.s32 $0xFFFFC000  }
0x39a: {  	[hbm4b:s24+s3] =	stream.linear.scatter [tilespmem:s26], [sflag:$0xB], $0x4000, $0x38;
	[tilespmem:$0x18200] =	vst v63  }
0x39b: {  	_ =	swait.ge [sflag:s16], $0x4000  }
0x39c: {  	s25 =	sld [smem:$0x7FA]  }
0x39d: {  	[sflag:s16] =	ssyncset.done $0x0  }
0x39e: {  	s8 =	simm.s32 $0x14200;
	[sflag:s16] =	ssyncadd.s32 $0xFFFFC000  }
0x39f: {  	[hbm4b:s25+s3] =	stream.linear.scatter [tilespmem:s8], [sflag:$0xC], $0x4000, $0x38;
	[tilespmem:$0x18200] =	vst v63  }
0x3a0: {  	_ =	swait.ge [sflag:s0], $0x4000  }
0x3a1: {  	s26 =	sld [smem:$0x7FB]  }
0x3a2: {  	[sflag:s0] =	ssyncset.done $0x0  }
0x3a3: {  	s4 =	simm.s32 $0x200;
	[sflag:s0] =	ssyncadd.s32 $0xFFFFC000  }
0x3a4: {  	[hbm4b:s26+s3] =	stream.linear.scatter [tilespmem:s4], [sflag:$0x7], $0x4000, $0x38;
	[tilespmem:$0x18200] =	vst v63  }
0x3a5: {  	_ =	swait.ge [sflag:s29], $0x4000  }
0x3a6: {  	s28 =	sld [smem:$0x7FD]  }
0x3a7: {  	[sflag:s29] =	ssyncset.done $0x0  }
0x3a8: {  	s10 =	simm.s32 $0x4200;
	[sflag:s29] =	ssyncadd.s32 $0xFFFFC000  }
0x3a9: {  	[hbm4b:s28+s3] =	stream.linear.scatter [tilespmem:s10], [sflag:$0x8], $0x4000, $0x38;
	[tilespmem:$0x18200] =	vst v63  }
0x3aa: {  	s30 =	sld [smem:$0x7F8];
	_ =	swait.ge [sflag:s11], $0x4000  }
0x3ab: {  	[sflag:s11] =	ssyncset.done $0x0  }
0x3ac: {  	[sflag:s11] =	ssyncadd.s32 $0xFFFFC000  }
0x3ad: {  	_ =	swait.ge [sflag:s13], $0x4000  }
0x3ae: {  	[sflag:s13] =	ssyncset.done $0x0  }
0x3af: {  	[sflag:s13] =	ssyncadd.s32 $0xFFFFC000  }
0x3b0: {  	_ =	swait.ge [sflag:s15], $0x4000  }
0x3b1: {  	[sflag:s15] =	ssyncset.done $0x0  }
0x3b2: {  	[sflag:s15] =	ssyncadd.s32 $0xFFFFC000  }
0x3b3: {  	_ =	swait.ge [sflag:s17], $0x4000  }
0x3b4: {  	[sflag:s17] =	ssyncset.done $0x0  }
0x3b5: {  	[sflag:s17] =	ssyncadd.s32 $0xFFFFC000  }
0x3b6: {  	p0 =	sne.s32 s30, $0x1;
	_ =	swait.ge [sflag:s9], $0x4000  }
.Ltmp0:
0x3b7: {  	[sflag:s9] =	ssyncset.done $0x0;
	(pc) =	sbr.rel @p0 .LBB2_1-.Ltmp0, $4  }
0x3b8: {  	[sflag:s9] =	ssyncadd.s32 $0xFFFFC000  }
0x3b9: {  	_ =	swait.ge [sflag:s31], $0x4000  }
0x3ba: {  	[sflag:s31] =	ssyncset.done $0x0  }
0x3bb: {  	s4 =	sadd.s32 $0xFFFFFFFF, s30;
	[sflag:s31] =	ssyncadd.s32 $0xFFFFC000  }
0x3bc: {  	_ =	sfence.sel $0x180000  }
0x3bd: {  	[bflag:$0x0] =	sbarrier.arrive $0xFFFF  }
0x3be: {  	_ =	strace $0x90000047  }
0x3bf: {  	s0 =	stileid.u32;
	[bflag:$0x2] =	sbarrier.arrive $0xFFFF  }
0x3c0: {  	p0 =	sne.s32 s0, $0x0;
	s0 =	rddreg [dreg:$0x3]  }
0x3c1: {  	s0 =	sadd.s32 @!p0 $0x100000, s0  }
0x3c2: {  	[sflag:s0] =	ssyncadd.tile.s32 @!p0 $0x1;
	_ =	shalt  }
.Lfunc_end2:
_tile_overlayer_lowered:
.L_overlay_start_2:
0x3c3: {  	(tag) =	ssettag $0x2  }
0x3c4: {  	s0 =	rddreg [dreg:$0x0];
	s2 =	stileid.u32  }
0x3c5: {  	s1 =	rddreg [dreg:$0x1];
	p0 =	sne.s32 s2, $0x0  }
0x3c6: {  	s3 =	rddreg [dreg:$0x2];
	[bflag:$0x3] =	sbarrier.arrive $0xFFFF;
	s2 =	simm.s32 @!p0 $0x1C0D  }
0x3c7: {  	[timem:s3], [sflag:s2] =	dma.local @!p0 [hbm:s0], s1  }
0x3c8: {  	s0 =	simm.s32 @!p0 $0xD  }
0x3c9: {  	_ =	swait.ge @!p0 [sflag:s0], s1  }
0x3ca: {  	s1 =	ssub.s32 @!p0 $0x0, s1;
	[sflag:s0] =	ssyncset.done @!p0 $0x0  }
0x3cb: {  	[sflag:s0] =	ssyncadd.s32 @!p0 s1  }
0x3cc: {  	[bflag:$0x3] =	sbarrier.arrive $0xFFFF  }
0x3cd: {  	_ =	shalt  }

</sc_bundles>
